<compile_context>
chip_gen: v7x
topology: tpu7x:2x2x1
jax: 0.10.2.dev20260603
libtpu: 0.0.44.dev20260713+nightly
codegen_flags: <defaults>
</compile_context>

<pallas_src>
import numpy as np
import jax
import jax.numpy as jnp
from jax import lax
from jax.experimental import pallas as pl
from jax.experimental.pallas import tpu as pltpu
from jax.experimental.pallas import tpu_sc as plsc

N = 10000
E = 320000
D = 128
NC = 2
NS = 16
NW = NC * NS
C = 80
WMAX = 10080
NCHUNK = WMAX // C
ACC_ROWS = 10240
SUB_ROWS = ACC_ROWS // NS

_QUOTAS = ([10080] * 11 + [9840] * 4 + [9760]) * 2
_BOUNDS = np.concatenate([[0], np.cumsum(_QUOTAS)])
_SIZES = np.diff(_BOUNDS)
_WID = np.repeat(np.arange(NW), _SIZES)
_POS = np.minimum(_BOUNDS[:-1, None] + np.arange(WMAX)[None, :], E - 1)
_VALID = np.arange(WMAX)[None, :] < _SIZES[:, None]
_GARBAGE = N + 64 + np.arange(NW)


def _segsum_body(h_hbm, srcr, dstr, zeros_hbm, out_hbm,
                 src_v, dst_v, rows_v, acc, sem):
    c = lax.axis_index("c")
    s = lax.axis_index("s")

    row0 = s * SUB_ROWS
    pltpu.sync_copy(zeros_hbm.at[pl.ds(row0, SUB_ROWS)],
                    acc.at[pl.ds(row0, SUB_ROWS)])

    pltpu.sync_copy(srcr.at[c, s], src_v)
    pltpu.sync_copy(dstr.at[c, s], dst_v)
    plsc.subcore_barrier()

    def body(j, carry):
        pltpu.async_copy(h_hbm.at[src_v.at[j]], rows_v, sem).wait()
        pltpu.sync_copy(rows_v, acc.at[dst_v.at[j]], add=True)
        return carry

    lax.fori_loop(0, NCHUNK, body, 0)
    plsc.subcore_barrier()

    pltpu.sync_copy(acc.at[pl.ds(row0, SUB_ROWS)],
                    out_hbm.at[c, pl.ds(row0, SUB_ROWS)])


_segsum_sc = pl.kernel(
    _segsum_body,
    out_type=jax.ShapeDtypeStruct((NC, ACC_ROWS, D), jnp.float32),
    mesh=plsc.VectorSubcoreMesh(core_axis_name="c", subcore_axis_name="s"),
    scratch_types=[
        pltpu.VMEM((NCHUNK, C), jnp.int32),
        pltpu.VMEM((NCHUNK, C), jnp.int32),
        pltpu.VMEM((C, D), jnp.float32),
        pltpu.VMEM_SHARED((ACC_ROWS, D), jnp.float32),
        pltpu.SemaphoreType.DMA,
    ],
)


def _merge_mm1_body(ids_ref, eps_ref, base_ref, slots_ref, h_ref, w1_ref,
                    out_ref, pooled_ref):
    pooled_ref[...] = base_ref[...]

    def body(k, carry):
        row = ids_ref[k]
        cur = pooled_ref[pl.ds(row, 1), :]
        pooled_ref[pl.ds(row, 1), :] = cur + slots_ref[pl.ds(k, 1), :]
        return carry

    lax.fori_loop(0, 2 * NW, body, 0)
    pooled = pooled_ref[...] + (1.0 + eps_ref[0]) * h_ref[...]
    out_ref[...] = jnp.dot(pooled, w1_ref[...],
                           preferred_element_type=jnp.float32)


def _merge_mm1(ids, eps_l, base, slots, h, w1):
    return pl.pallas_call(
        _merge_mm1_body,
        out_shape=jax.ShapeDtypeStruct((N, D), jnp.float32),
        in_specs=[pl.BlockSpec(memory_space=pltpu.SMEM)] * 2 +
                 [pl.BlockSpec(memory_space=pltpu.VMEM)] * 4,
        out_specs=pl.BlockSpec(memory_space=pltpu.VMEM),
        scratch_shapes=[pltpu.VMEM((N, D), jnp.float32)],
    )(ids, eps_l, base, slots, h, w1)


def kernel(x, edge_index, eps, W1, b1, W2, b2, gamma, beta):
    L = W1.shape[0]
    src, dst = edge_index[0], edge_index[1]

    order = jnp.argsort(dst, stable=True)
    src_s = src[order]
    dst_s = dst[order]
    first_dst = dst_s[jnp.asarray(_BOUNDS[:-1])]
    last_dst = dst_s[jnp.asarray(_BOUNDS[1:] - 1)]
    wid = jnp.asarray(_WID)
    is_head = dst_s == first_dst[wid]
    is_tail = dst_s == last_dst[wid]
    slot = jnp.where(is_head, N + 2 * wid,
                     jnp.where(is_tail, N + 2 * wid + 1, dst_s))
    pos = jnp.asarray(_POS)
    valid = jnp.asarray(_VALID)
    srcp = jnp.where(valid, src_s[pos], 0)
    dstp = jnp.where(valid, slot[pos], jnp.asarray(_GARBAGE)[:, None])
    srcr = srcp.reshape(NC, NS, NCHUNK, C).astype(jnp.int32)
    dstr = dstp.reshape(NC, NS, NCHUNK, C).astype(jnp.int32)
    ids = jnp.stack([first_dst, last_dst], axis=1).reshape(2 * NW)
    ids = ids.astype(jnp.int32)
    zeros = jnp.zeros((ACC_ROWS, D), jnp.float32)

    h = x
    outs = [h]
    for l in range(L):
        p = _segsum_sc(h, srcr, dstr, zeros)
        base = p[0, :N] + p[1, :N]
        slots = p[0, N:N + 2 * NW] + p[1, N:N + 2 * NW]
        t = _merge_mm1(ids, eps[l].reshape(1), base, slots, h, W1[l])
        t = jnp.maximum(t + b1[l], 0.0)
        t = t @ W2[l] + b2[l]
        mu = jnp.mean(t, axis=0)
        var = jnp.var(t, axis=0)
        t = gamma[l] * (t - mu) * lax.rsqrt(var + 1e-5) + beta[l]
        h = jnp.maximum(t, 0.0)
        outs.append(h)
    return jnp.stack(outs, axis=0)

# --- scband reference (transcript-rebuilt; emitter-appended) ---
"""Pipeline reference for scband-gin-37366215475921 (READ-ONLY COPY).

The authoritative reference and input builder live on the scoring server;
editing this copy changes nothing except your own understanding.
"""

import jax, jax.numpy as jnp
import numpy as np

N = 10000
E = 320000
D = 128
L = 5

def setup_inputs(seed: int = 0) -> dict:
    key = jax.random.key(seed)
    ks = jax.random.split(key, 8)
    x = jax.random.normal(ks[0], (N, D), dtype=jnp.float32)
    edge_index = jax.random.randint(ks[1], (2, E), 0, N, dtype=jnp.int32)
    scale = 1.0 / np.sqrt(D)
    eps = jnp.zeros((L,), dtype=jnp.float32)
    W1 = jax.random.normal(ks[2], (L, D, D), dtype=jnp.float32) * scale
    b1 = jnp.zeros((L, D), dtype=jnp.float32)
    W2 = jax.random.normal(ks[3], (L, D, D), dtype=jnp.float32) * scale
    b2 = jnp.zeros((L, D), dtype=jnp.float32)
    gamma = jnp.ones((L, D), dtype=jnp.float32)
    beta = jnp.zeros((L, D), dtype=jnp.float32)
    return {"x": x, "edge_index": edge_index, "eps": eps, "W1": W1, "b1": b1, "W2": W2, "b2": b2, "gamma": gamma, "beta": beta}

def reference(x, edge_index, eps, W1, b1, W2, b2, gamma, beta):
    # GIN with learn_eps=True, neighbor_pooling_type='sum':
    # per layer: pooled = A @ h + (1+eps_l)*h; h = relu(BN(MLP(pooled)))
    src = edge_index[0]
    dst = edge_index[1]
    h = x
    outs = [h]
    for l in range(L):
        # sparse A @ h via gather on src + scatter-add on dst
        pooled = jax.ops.segment_sum(h[src], dst, num_segments=N)
        pooled = pooled + (1.0 + eps[l]) * h
        # MLP with num_mlp_layers=2 (Linear -> relu -> Linear)
        t = jnp.maximum(pooled @ W1[l] + b1[l], 0.0)
        t = t @ W2[l] + b2[l]
        # BatchNormalization (training-mode batch stats over nodes)
        mu = jnp.mean(t, axis=0)
        var = jnp.var(t, axis=0)
        t = gamma[l] * (t - mu) * jax.lax.rsqrt(var + 1e-5) + beta[l]
        h = jnp.maximum(t, 0.0)
        outs.append(h)
    # hidden_rep list -> stacked [L+1, N, D] (all dims equal: d_feat==hidden==out)
    return jnp.stack(outs, axis=0)

if __name__ == "__main__":
    import jax
    _d = setup_inputs()
    print(jax.jit(kernel)(*tuple(_d.values())))

</pallas_src>

<mosaic_0001>
#map = affine_map<(d0, d1) -> (0, 0)>
#map1 = affine_map<(d0, d1) -> (0, 0, 0, 0)>
#map2 = affine_map<(d0, d1) -> (0, 0, 0)>
module attributes {stable_mosaic.version = 14 : i64} {
  func.func @_segsum_body(%arg0: i32, %arg1: i32, %arg2: memref<10000x128xf32, #tpu.memory_space<hbm>>, %arg3: memref<2x16x126x80xi32, #tpu.memory_space<hbm>>, %arg4: memref<2x16x126x80xi32, #tpu.memory_space<hbm>>, %arg5: memref<10240x128xf32, #tpu.memory_space<hbm>>, %arg6: memref<2x10240x128xf32, #tpu.memory_space<hbm>>, %arg7: memref<126x80xi32, #tpu.memory_space<vmem>>, %arg8: memref<126x80xi32, #tpu.memory_space<vmem>>, %arg9: memref<80x128xf32, #tpu.memory_space<vmem>>, %arg10: memref<10240x128xf32, #tpu.memory_space<vmem_shared>>, %arg11: memref<!tpu.dma_semaphore, #tpu.memory_space<semaphore_mem>>) attributes {dimension_semantics = [#tpu.dimension_semantics<core_parallel>, #tpu.dimension_semantics<subcore_parallel>], iteration_bounds = array<i64: 2, 16>, scalar_prefetch = 0 : i64, scratch_operands = 5 : i64, tpu.core_type = #tpu.core_type<sc_vector_subcore>, window_params = [{transform_indices = #map}, {transform_indices = #map1}, {transform_indices = #map1}, {transform_indices = #map}, {transform_indices = #map2}]} {
    %mul3A = arith.constant 640 : i32
    %mul3A_0 = arith.muli %arg1, %mul3A : i32
    "tpu.region"() ({
      %run_scoped3A = tpu.sem_alloc : memref<!tpu.dma_semaphore, #tpu.memory_space<semaphore_mem>>
      %dma_start3A = arith.constant 0 : i32
      %dma_start3A_7 = tpu.memref_slice %arg10[%mul3A_0, %dma_start3A] : memref<10240x128xf32, #tpu.memory_space<vmem_shared>> -> memref<640x128xf32, #tpu.memory_space<vmem_shared>>
      %dma_start3A_8 = arith.constant 0 : i32
      %dma_start3A_9 = tpu.memref_slice %arg5[%mul3A_0, %dma_start3A_8] : memref<10240x128xf32, #tpu.memory_space<hbm>> -> memref<640x128xf32, #tpu.memory_space<hbm>>
      tpu.enqueue_dma source(%dma_start3A_9 : memref<640x128xf32, #tpu.memory_space<hbm>>) target(%dma_start3A_7 : memref<640x128xf32, #tpu.memory_space<vmem_shared>>) target_semaphore(%run_scoped3A : memref<!tpu.dma_semaphore, #tpu.memory_space<semaphore_mem>>)
      %dma_wait3A = arith.constant 0 : i32
      %dma_wait3A_10 = tpu.memref_slice %arg10[%mul3A_0, %dma_wait3A] : memref<10240x128xf32, #tpu.memory_space<vmem_shared>> -> memref<640x128xf32, #tpu.memory_space<vmem_shared>>
      %dma_wait3A_11 = arith.constant 0 : i32
      %dma_wait3A_12 = tpu.memref_slice %arg5[%mul3A_0, %dma_wait3A_11] : memref<10240x128xf32, #tpu.memory_space<hbm>> -> memref<640x128xf32, #tpu.memory_space<hbm>>
      tpu.wait_dma2 semaphore(%run_scoped3A : memref<!tpu.dma_semaphore, #tpu.memory_space<semaphore_mem>>) src(%dma_wait3A_12 : memref<640x128xf32, #tpu.memory_space<hbm>>) dst(%dma_wait3A_10 : memref<640x128xf32, #tpu.memory_space<vmem_shared>>)
      tpu.yield
    }) : () -> ()
    "tpu.region"() ({
      %run_scoped3A = tpu.sem_alloc : memref<!tpu.dma_semaphore, #tpu.memory_space<semaphore_mem>>
      %dma_start3A = arith.constant 0 : i32
      %dma_start3A_7 = arith.constant 0 : i32
      %dma_start3A_8 = tpu.memref_slice %arg3[%arg0, %arg1, %dma_start3A, %dma_start3A_7] : memref<2x16x126x80xi32, #tpu.memory_space<hbm>> -> memref<1x1x126x80xi32, #tpu.memory_space<hbm>>
      %dma_start3A_9 = tpu.memref_squeeze %dma_start3A_8 : memref<1x1x126x80xi32, #tpu.memory_space<hbm>> -> memref<126x80xi32, #tpu.memory_space<hbm>>
      %dma_start3A_10 = arith.constant 0 : i32
      %dma_start3A_11 = arith.constant 0 : i32
      %dma_start3A_12 = tpu.memref_slice %arg3[%arg0, %arg1, %dma_start3A_10, %dma_start3A_11] : memref<2x16x126x80xi32, #tpu.memory_space<hbm>> -> memref<1x1x126x80xi32, #tpu.memory_space<hbm>>
      %dma_start3A_13 = tpu.memref_squeeze %dma_start3A_12 : memref<1x1x126x80xi32, #tpu.memory_space<hbm>> -> memref<126x80xi32, #tpu.memory_space<hbm>>
      tpu.enqueue_dma source(%dma_start3A_13 : memref<126x80xi32, #tpu.memory_space<hbm>>) target(%arg7 : memref<126x80xi32, #tpu.memory_space<vmem>>) target_semaphore(%run_scoped3A : memref<!tpu.dma_semaphore, #tpu.memory_space<semaphore_mem>>)
      %dma_wait3A = arith.constant 0 : i32
      %dma_wait3A_14 = arith.constant 0 : i32
      %dma_wait3A_15 = tpu.memref_slice %arg3[%arg0, %arg1, %dma_wait3A, %dma_wait3A_14] : memref<2x16x126x80xi32, #tpu.memory_space<hbm>> -> memref<1x1x126x80xi32, #tpu.memory_space<hbm>>
      %dma_wait3A_16 = tpu.memref_squeeze %dma_wait3A_15 : memref<1x1x126x80xi32, #tpu.memory_space<hbm>> -> memref<126x80xi32, #tpu.memory_space<hbm>>
      %dma_wait3A_17 = arith.constant 0 : i32
      %dma_wait3A_18 = arith.constant 0 : i32
      %dma_wait3A_19 = tpu.memref_slice %arg3[%arg0, %arg1, %dma_wait3A_17, %dma_wait3A_18] : memref<2x16x126x80xi32, #tpu.memory_space<hbm>> -> memref<1x1x126x80xi32, #tpu.memory_space<hbm>>
      %dma_wait3A_20 = tpu.memref_squeeze %dma_wait3A_19 : memref<1x1x126x80xi32, #tpu.memory_space<hbm>> -> memref<126x80xi32, #tpu.memory_space<hbm>>
      tpu.wait_dma2 semaphore(%run_scoped3A : memref<!tpu.dma_semaphore, #tpu.memory_space<semaphore_mem>>) src(%dma_wait3A_20 : memref<126x80xi32, #tpu.memory_space<hbm>>) dst(%arg7 : memref<126x80xi32, #tpu.memory_space<vmem>>)
      tpu.yield
    }) : () -> ()
    "tpu.region"() ({
      %run_scoped3A = tpu.sem_alloc : memref<!tpu.dma_semaphore, #tpu.memory_space<semaphore_mem>>
      %dma_start3A = arith.constant 0 : i32
      %dma_start3A_7 = arith.constant 0 : i32
      %dma_start3A_8 = tpu.memref_slice %arg4[%arg0, %arg1, %dma_start3A, %dma_start3A_7] : memref<2x16x126x80xi32, #tpu.memory_space<hbm>> -> memref<1x1x126x80xi32, #tpu.memory_space<hbm>>
      %dma_start3A_9 = tpu.memref_squeeze %dma_start3A_8 : memref<1x1x126x80xi32, #tpu.memory_space<hbm>> -> memref<126x80xi32, #tpu.memory_space<hbm>>
      %dma_start3A_10 = arith.constant 0 : i32
      %dma_start3A_11 = arith.constant 0 : i32
      %dma_start3A_12 = tpu.memref_slice %arg4[%arg0, %arg1, %dma_start3A_10, %dma_start3A_11] : memref<2x16x126x80xi32, #tpu.memory_space<hbm>> -> memref<1x1x126x80xi32, #tpu.memory_space<hbm>>
      %dma_start3A_13 = tpu.memref_squeeze %dma_start3A_12 : memref<1x1x126x80xi32, #tpu.memory_space<hbm>> -> memref<126x80xi32, #tpu.memory_space<hbm>>
      tpu.enqueue_dma source(%dma_start3A_13 : memref<126x80xi32, #tpu.memory_space<hbm>>) target(%arg8 : memref<126x80xi32, #tpu.memory_space<vmem>>) target_semaphore(%run_scoped3A : memref<!tpu.dma_semaphore, #tpu.memory_space<semaphore_mem>>)
      %dma_wait3A = arith.constant 0 : i32
      %dma_wait3A_14 = arith.constant 0 : i32
      %dma_wait3A_15 = tpu.memref_slice %arg4[%arg0, %arg1, %dma_wait3A, %dma_wait3A_14] : memref<2x16x126x80xi32, #tpu.memory_space<hbm>> -> memref<1x1x126x80xi32, #tpu.memory_space<hbm>>
      %dma_wait3A_16 = tpu.memref_squeeze %dma_wait3A_15 : memref<1x1x126x80xi32, #tpu.memory_space<hbm>> -> memref<126x80xi32, #tpu.memory_space<hbm>>
      %dma_wait3A_17 = arith.constant 0 : i32
      %dma_wait3A_18 = arith.constant 0 : i32
      %dma_wait3A_19 = tpu.memref_slice %arg4[%arg0, %arg1, %dma_wait3A_17, %dma_wait3A_18] : memref<2x16x126x80xi32, #tpu.memory_space<hbm>> -> memref<1x1x126x80xi32, #tpu.memory_space<hbm>>
      %dma_wait3A_20 = tpu.memref_squeeze %dma_wait3A_19 : memref<1x1x126x80xi32, #tpu.memory_space<hbm>> -> memref<126x80xi32, #tpu.memory_space<hbm>>
      tpu.wait_dma2 semaphore(%run_scoped3A : memref<!tpu.dma_semaphore, #tpu.memory_space<semaphore_mem>>) src(%dma_wait3A_20 : memref<126x80xi32, #tpu.memory_space<hbm>>) dst(%arg8 : memref<126x80xi32, #tpu.memory_space<vmem>>)
      tpu.yield
    }) : () -> ()
    %barrier3A = arith.constant 0 : index
    tpu.barrier barrier_id(%barrier3A)
    %scan3A = arith.constant 0 : i32
    %scan3A_1 = arith.constant 0 : i32
    %scan3A_2 = arith.constant 126 : i32
    %scan3A_3 = arith.addi %scan3A_1, %scan3A_2 : i32
    %scan3A_4 = arith.constant 1 : i32
    scf.for %scan3A_7 = %scan3A_1 to %scan3A_3 step %scan3A_4  : i32 {
      %dma_start3A = arith.constant 0 : i32
      %dma_start3A_8 = tpu.memref_slice %arg7[%scan3A_7, %dma_start3A] : memref<126x80xi32, #tpu.memory_space<vmem>> -> memref<1x80xi32, #tpu.memory_space<vmem>>
      %dma_start3A_9 = tpu.memref_squeeze %dma_start3A_8 : memref<1x80xi32, #tpu.memory_space<vmem>> -> memref<80xi32, #tpu.memory_space<vmem>>
      %dma_start3A_10 = arith.constant 0 : i32
      %dma_start3A_11 = arith.constant 0 : i32
      %dma_start3A_12 = tpu.memref_slice %arg2[%dma_start3A_10, %dma_start3A_11] : memref<10000x128xf32, #tpu.memory_space<hbm>> -> memref<10000x128xf32, #tpu.memory_space<hbm>>
      tpu.enqueue_indirect_dma source(%dma_start3A_12 : memref<10000x128xf32, #tpu.memory_space<hbm>>) target(%arg9 : memref<80x128xf32, #tpu.memory_space<vmem>>) offsets(%dma_start3A_9 : memref<80xi32, #tpu.memory_space<vmem>>) semaphore(%arg11 : memref<!tpu.dma_semaphore, #tpu.memory_space<semaphore_mem>>)
      %dma_wait3A = arith.constant 0 : i32
      %dma_wait3A_13 = tpu.memref_slice %arg7[%scan3A_7, %dma_wait3A] : memref<126x80xi32, #tpu.memory_space<vmem>> -> memref<1x80xi32, #tpu.memory_space<vmem>>
      %dma_wait3A_14 = tpu.memref_squeeze %dma_wait3A_13 : memref<1x80xi32, #tpu.memory_space<vmem>> -> memref<80xi32, #tpu.memory_space<vmem>>
      %dma_wait3A_15 = arith.constant 0 : i32
      %dma_wait3A_16 = arith.constant 0 : i32
      %dma_wait3A_17 = tpu.memref_slice %arg2[%dma_wait3A_15, %dma_wait3A_16] : memref<10000x128xf32, #tpu.memory_space<hbm>> -> memref<10000x128xf32, #tpu.memory_space<hbm>>
      tpu.wait_indirect_dma semaphore(%arg11 : memref<!tpu.dma_semaphore, #tpu.memory_space<semaphore_mem>>) src(%dma_wait3A_17 : memref<10000x128xf32, #tpu.memory_space<hbm>>) dst(%arg9 : memref<80x128xf32, #tpu.memory_space<vmem>>)
      "tpu.region"() ({
        %run_scoped3A = tpu.sem_alloc : memref<!tpu.dma_semaphore, #tpu.memory_space<semaphore_mem>>
        %dma_start3A_18 = arith.constant 0 : i32
        %dma_start3A_19 = tpu.memref_slice %arg8[%scan3A_7, %dma_start3A_18] : memref<126x80xi32, #tpu.memory_space<vmem>> -> memref<1x80xi32, #tpu.memory_space<vmem>>
        %dma_start3A_20 = tpu.memref_squeeze %dma_start3A_19 : memref<1x80xi32, #tpu.memory_space<vmem>> -> memref<80xi32, #tpu.memory_space<vmem>>
        %dma_start3A_21 = arith.constant 0 : i32
        %dma_start3A_22 = arith.constant 0 : i32
        %dma_start3A_23 = tpu.memref_slice %arg10[%dma_start3A_21, %dma_start3A_22] : memref<10240x128xf32, #tpu.memory_space<vmem_shared>> -> memref<10240x128xf32, #tpu.memory_space<vmem_shared>>
        tpu.enqueue_indirect_dma source(%arg9 : memref<80x128xf32, #tpu.memory_space<vmem>>) target(%dma_start3A_23 : memref<10240x128xf32, #tpu.memory_space<vmem_shared>>) offsets(%dma_start3A_20 : memref<80xi32, #tpu.memory_space<vmem>>) semaphore(%run_scoped3A : memref<!tpu.dma_semaphore, #tpu.memory_space<semaphore_mem>>) {add = true}
        %dma_wait3A_24 = arith.constant 0 : i32
        %dma_wait3A_25 = tpu.memref_slice %arg8[%scan3A_7, %dma_wait3A_24] : memref<126x80xi32, #tpu.memory_space<vmem>> -> memref<1x80xi32, #tpu.memory_space<vmem>>
        %dma_wait3A_26 = tpu.memref_squeeze %dma_wait3A_25 : memref<1x80xi32, #tpu.memory_space<vmem>> -> memref<80xi32, #tpu.memory_space<vmem>>
        %dma_wait3A_27 = arith.constant 0 : i32
        %dma_wait3A_28 = arith.constant 0 : i32
        %dma_wait3A_29 = tpu.memref_slice %arg10[%dma_wait3A_27, %dma_wait3A_28] : memref<10240x128xf32, #tpu.memory_space<vmem_shared>> -> memref<10240x128xf32, #tpu.memory_space<vmem_shared>>
        tpu.wait_indirect_dma semaphore(%run_scoped3A : memref<!tpu.dma_semaphore, #tpu.memory_space<semaphore_mem>>) src(%arg9 : memref<80x128xf32, #tpu.memory_space<vmem>>) dst(%dma_wait3A_29 : memref<10240x128xf32, #tpu.memory_space<vmem_shared>>)
        tpu.yield
      }) : () -> ()
    }
    %scan3A_5 = arith.constant 126 : i32
    %barrier3A_6 = arith.constant 0 : index
    tpu.barrier barrier_id(%barrier3A_6)
    "tpu.region"() ({
      %run_scoped3A = tpu.sem_alloc : memref<!tpu.dma_semaphore, #tpu.memory_space<semaphore_mem>>
      %dma_start3A = arith.constant 0 : i32
      %dma_start3A_7 = tpu.memref_slice %arg6[%arg0, %mul3A_0, %dma_start3A] : memref<2x10240x128xf32, #tpu.memory_space<hbm>> -> memref<1x640x128xf32, #tpu.memory_space<hbm>>
      %dma_start3A_8 = tpu.memref_squeeze %dma_start3A_7 : memref<1x640x128xf32, #tpu.memory_space<hbm>> -> memref<640x128xf32, #tpu.memory_space<hbm>>
      %dma_start3A_9 = arith.constant 0 : i32
      %dma_start3A_10 = tpu.memref_slice %arg10[%mul3A_0, %dma_start3A_9] : memref<10240x128xf32, #tpu.memory_space<vmem_shared>> -> memref<640x128xf32, #tpu.memory_space<vmem_shared>>
      tpu.enqueue_dma source(%dma_start3A_10 : memref<640x128xf32, #tpu.memory_space<vmem_shared>>) target(%dma_start3A_8 : memref<640x128xf32, #tpu.memory_space<hbm>>) target_semaphore(%run_scoped3A : memref<!tpu.dma_semaphore, #tpu.memory_space<semaphore_mem>>)
      %dma_wait3A = arith.constant 0 : i32
      %dma_wait3A_11 = tpu.memref_slice %arg6[%arg0, %mul3A_0, %dma_wait3A] : memref<2x10240x128xf32, #tpu.memory_space<hbm>> -> memref<1x640x128xf32, #tpu.memory_space<hbm>>
      %dma_wait3A_12 = tpu.memref_squeeze %dma_wait3A_11 : memref<1x640x128xf32, #tpu.memory_space<hbm>> -> memref<640x128xf32, #tpu.memory_space<hbm>>
      %dma_wait3A_13 = arith.constant 0 : i32
      %dma_wait3A_14 = tpu.memref_slice %arg10[%mul3A_0, %dma_wait3A_13] : memref<10240x128xf32, #tpu.memory_space<vmem_shared>> -> memref<640x128xf32, #tpu.memory_space<vmem_shared>>
      tpu.wait_dma2 semaphore(%run_scoped3A : memref<!tpu.dma_semaphore, #tpu.memory_space<semaphore_mem>>) src(%dma_wait3A_14 : memref<640x128xf32, #tpu.memory_space<vmem_shared>>) dst(%dma_wait3A_12 : memref<640x128xf32, #tpu.memory_space<hbm>>)
      tpu.yield
    }) : () -> ()
    return
  }
}

#map = affine_map<(d0, d1) -> (0, 0)>
#map1 = affine_map<(d0, d1) -> (0, 0, 0, 0)>
#map2 = affine_map<(d0, d1) -> (0, 0, 0)>
module attributes {stable_mosaic.version = 14 : i64} {
  func.func @_segsum_body(%arg0: i32, %arg1: i32, %arg2: memref<10000x128xf32, #tpu.memory_space<hbm>>, %arg3: memref<2x16x126x80xi32, #tpu.memory_space<hbm>>, %arg4: memref<2x16x126x80xi32, #tpu.memory_space<hbm>>, %arg5: memref<10240x128xf32, #tpu.memory_space<hbm>>, %arg6: memref<2x10240x128xf32, #tpu.memory_space<hbm>>, %arg7: memref<126x80xi32, #tpu.memory_space<vmem>>, %arg8: memref<126x80xi32, #tpu.memory_space<vmem>>, %arg9: memref<80x128xf32, #tpu.memory_space<vmem>>, %arg10: memref<10240x128xf32, #tpu.memory_space<vmem_shared>>, %arg11: memref<!tpu.dma_semaphore, #tpu.memory_space<semaphore_mem>>) attributes {dimension_semantics = [#tpu.dimension_semantics<core_parallel>, #tpu.dimension_semantics<subcore_parallel>], iteration_bounds = array<i64: 2, 16>, scalar_prefetch = 0 : i64, scratch_operands = 5 : i64, tpu.core_type = #tpu.core_type<sc_vector_subcore>, window_params = [{transform_indices = #map}, {transform_indices = #map1}, {transform_indices = #map1}, {transform_indices = #map}, {transform_indices = #map2}]} {
    %mul3A = arith.constant 640 : i32
    %mul3A_0 = arith.muli %arg1, %mul3A : i32
    "tpu.region"() ({
      %run_scoped3A = tpu.sem_alloc : memref<!tpu.dma_semaphore, #tpu.memory_space<semaphore_mem>>
      %dma_start3A = arith.constant 0 : i32
      %dma_start3A_7 = tpu.memref_slice %arg10[%mul3A_0, %dma_start3A] : memref<10240x128xf32, #tpu.memory_space<vmem_shared>> -> memref<640x128xf32, #tpu.memory_space<vmem_shared>>
      %dma_start3A_8 = arith.constant 0 : i32
      %dma_start3A_9 = tpu.memref_slice %arg5[%mul3A_0, %dma_start3A_8] : memref<10240x128xf32, #tpu.memory_space<hbm>> -> memref<640x128xf32, #tpu.memory_space<hbm>>
      tpu.enqueue_dma source(%dma_start3A_9 : memref<640x128xf32, #tpu.memory_space<hbm>>) target(%dma_start3A_7 : memref<640x128xf32, #tpu.memory_space<vmem_shared>>) target_semaphore(%run_scoped3A : memref<!tpu.dma_semaphore, #tpu.memory_space<semaphore_mem>>)
      %dma_wait3A = arith.constant 0 : i32
      %dma_wait3A_10 = tpu.memref_slice %arg10[%mul3A_0, %dma_wait3A] : memref<10240x128xf32, #tpu.memory_space<vmem_shared>> -> memref<640x128xf32, #tpu.memory_space<vmem_shared>>
      %dma_wait3A_11 = arith.constant 0 : i32
      %dma_wait3A_12 = tpu.memref_slice %arg5[%mul3A_0, %dma_wait3A_11] : memref<10240x128xf32, #tpu.memory_space<hbm>> -> memref<640x128xf32, #tpu.memory_space<hbm>>
      tpu.wait_dma2 semaphore(%run_scoped3A : memref<!tpu.dma_semaphore, #tpu.memory_space<semaphore_mem>>) src(%dma_wait3A_12 : memref<640x128xf32, #tpu.memory_space<hbm>>) dst(%dma_wait3A_10 : memref<640x128xf32, #tpu.memory_space<vmem_shared>>)
      tpu.yield
    }) : () -> ()
    "tpu.region"() ({
      %run_scoped3A = tpu.sem_alloc : memref<!tpu.dma_semaphore, #tpu.memory_space<semaphore_mem>>
      %dma_start3A = arith.constant 0 : i32
      %dma_start3A_7 = arith.constant 0 : i32
      %dma_start3A_8 = tpu.memref_slice %arg3[%arg0, %arg1, %dma_start3A, %dma_start3A_7] : memref<2x16x126x80xi32, #tpu.memory_space<hbm>> -> memref<1x1x126x80xi32, #tpu.memory_space<hbm>>
      %dma_start3A_9 = tpu.memref_squeeze %dma_start3A_8 : memref<1x1x126x80xi32, #tpu.memory_space<hbm>> -> memref<126x80xi32, #tpu.memory_space<hbm>>
      %dma_start3A_10 = arith.constant 0 : i32
      %dma_start3A_11 = arith.constant 0 : i32
      %dma_start3A_12 = tpu.memref_slice %arg3[%arg0, %arg1, %dma_start3A_10, %dma_start3A_11] : memref<2x16x126x80xi32, #tpu.memory_space<hbm>> -> memref<1x1x126x80xi32, #tpu.memory_space<hbm>>
      %dma_start3A_13 = tpu.memref_squeeze %dma_start3A_12 : memref<1x1x126x80xi32, #tpu.memory_space<hbm>> -> memref<126x80xi32, #tpu.memory_space<hbm>>
      tpu.enqueue_dma source(%dma_start3A_13 : memref<126x80xi32, #tpu.memory_space<hbm>>) target(%arg7 : memref<126x80xi32, #tpu.memory_space<vmem>>) target_semaphore(%run_scoped3A : memref<!tpu.dma_semaphore, #tpu.memory_space<semaphore_mem>>)
      %dma_wait3A = arith.constant 0 : i32
      %dma_wait3A_14 = arith.constant 0 : i32
      %dma_wait3A_15 = tpu.memref_slice %arg3[%arg0, %arg1, %dma_wait3A, %dma_wait3A_14] : memref<2x16x126x80xi32, #tpu.memory_space<hbm>> -> memref<1x1x126x80xi32, #tpu.memory_space<hbm>>
      %dma_wait3A_16 = tpu.memref_squeeze %dma_wait3A_15 : memref<1x1x126x80xi32, #tpu.memory_space<hbm>> -> memref<126x80xi32, #tpu.memory_space<hbm>>
      %dma_wait3A_17 = arith.constant 0 : i32
      %dma_wait3A_18 = arith.constant 0 : i32
      %dma_wait3A_19 = tpu.memref_slice %arg3[%arg0, %arg1, %dma_wait3A_17, %dma_wait3A_18] : memref<2x16x126x80xi32, #tpu.memory_space<hbm>> -> memref<1x1x126x80xi32, #tpu.memory_space<hbm>>
      %dma_wait3A_20 = tpu.memref_squeeze %dma_wait3A_19 : memref<1x1x126x80xi32, #tpu.memory_space<hbm>> -> memref<126x80xi32, #tpu.memory_space<hbm>>
      tpu.wait_dma2 semaphore(%run_scoped3A : memref<!tpu.dma_semaphore, #tpu.memory_space<semaphore_mem>>) src(%dma_wait3A_20 : memref<126x80xi32, #tpu.memory_space<hbm>>) dst(%arg7 : memref<126x80xi32, #tpu.memory_space<vmem>>)
      tpu.yield
    }) : () -> ()
    "tpu.region"() ({
      %run_scoped3A = tpu.sem_alloc : memref<!tpu.dma_semaphore, #tpu.memory_space<semaphore_mem>>
      %dma_start3A = arith.constant 0 : i32
      %dma_start3A_7 = arith.constant 0 : i32
      %dma_start3A_8 = tpu.memref_slice %arg4[%arg0, %arg1, %dma_start3A, %dma_start3A_7] : memref<2x16x126x80xi32, #tpu.memory_space<hbm>> -> memref<1x1x126x80xi32, #tpu.memory_space<hbm>>
      %dma_start3A_9 = tpu.memref_squeeze %dma_start3A_8 : memref<1x1x126x80xi32, #tpu.memory_space<hbm>> -> memref<126x80xi32, #tpu.memory_space<hbm>>
      %dma_start3A_10 = arith.constant 0 : i32
      %dma_start3A_11 = arith.constant 0 : i32
      %dma_start3A_12 = tpu.memref_slice %arg4[%arg0, %arg1, %dma_start3A_10, %dma_start3A_11] : memref<2x16x126x80xi32, #tpu.memory_space<hbm>> -> memref<1x1x126x80xi32, #tpu.memory_space<hbm>>
      %dma_start3A_13 = tpu.memref_squeeze %dma_start3A_12 : memref<1x1x126x80xi32, #tpu.memory_space<hbm>> -> memref<126x80xi32, #tpu.memory_space<hbm>>
      tpu.enqueue_dma source(%dma_start3A_13 : memref<126x80xi32, #tpu.memory_space<hbm>>) target(%arg8 : memref<126x80xi32, #tpu.memory_space<vmem>>) target_semaphore(%run_scoped3A : memref<!tpu.dma_semaphore, #tpu.memory_space<semaphore_mem>>)
      %dma_wait3A = arith.constant 0 : i32
      %dma_wait3A_14 = arith.constant 0 : i32
      %dma_wait3A_15 = tpu.memref_slice %arg4[%arg0, %arg1, %dma_wait3A, %dma_wait3A_14] : memref<2x16x126x80xi32, #tpu.memory_space<hbm>> -> memref<1x1x126x80xi32, #tpu.memory_space<hbm>>
      %dma_wait3A_16 = tpu.memref_squeeze %dma_wait3A_15 : memref<1x1x126x80xi32, #tpu.memory_space<hbm>> -> memref<126x80xi32, #tpu.memory_space<hbm>>
      %dma_wait3A_17 = arith.constant 0 : i32
      %dma_wait3A_18 = arith.constant 0 : i32
      %dma_wait3A_19 = tpu.memref_slice %arg4[%arg0, %arg1, %dma_wait3A_17, %dma_wait3A_18] : memref<2x16x126x80xi32, #tpu.memory_space<hbm>> -> memref<1x1x126x80xi32, #tpu.memory_space<hbm>>
      %dma_wait3A_20 = tpu.memref_squeeze %dma_wait3A_19 : memref<1x1x126x80xi32, #tpu.memory_space<hbm>> -> memref<126x80xi32, #tpu.memory_space<hbm>>
      tpu.wait_dma2 semaphore(%run_scoped3A : memref<!tpu.dma_semaphore, #tpu.memory_space<semaphore_mem>>) src(%dma_wait3A_20 : memref<126x80xi32, #tpu.memory_space<hbm>>) dst(%arg8 : memref<126x80xi32, #tpu.memory_space<vmem>>)
      tpu.yield
    }) : () -> ()
    %barrier3A = arith.constant 0 : index
    tpu.barrier barrier_id(%barrier3A)
    %scan3A = arith.constant 0 : i32
    %scan3A_1 = arith.constant 0 : i32
    %scan3A_2 = arith.constant 126 : i32
    %scan3A_3 = arith.addi %scan3A_1, %scan3A_2 : i32
    %scan3A_4 = arith.constant 1 : i32
    scf.for %scan3A_7 = %scan3A_1 to %scan3A_3 step %scan3A_4  : i32 {
      %dma_start3A = arith.constant 0 : i32
      %dma_start3A_8 = tpu.memref_slice %arg7[%scan3A_7, %dma_start3A] : memref<126x80xi32, #tpu.memory_space<vmem>> -> memref<1x80xi32, #tpu.memory_space<vmem>>
      %dma_start3A_9 = tpu.memref_squeeze %dma_start3A_8 : memref<1x80xi32, #tpu.memory_space<vmem>> -> memref<80xi32, #tpu.memory_space<vmem>>
      %dma_start3A_10 = arith.constant 0 : i32
      %dma_start3A_11 = arith.constant 0 : i32
      %dma_start3A_12 = tpu.memref_slice %arg2[%dma_start3A_10, %dma_start3A_11] : memref<10000x128xf32, #tpu.memory_space<hbm>> -> memref<10000x128xf32, #tpu.memory_space<hbm>>
      tpu.enqueue_indirect_dma source(%dma_start3A_12 : memref<10000x128xf32, #tpu.memory_space<hbm>>) target(%arg9 : memref<80x128xf32, #tpu.memory_space<vmem>>) offsets(%dma_start3A_9 : memref<80xi32, #tpu.memory_space<vmem>>) semaphore(%arg11 : memref<!tpu.dma_semaphore, #tpu.memory_space<semaphore_mem>>)
      %dma_wait3A = arith.constant 0 : i32
      %dma_wait3A_13 = tpu.memref_slice %arg7[%scan3A_7, %dma_wait3A] : memref<126x80xi32, #tpu.memory_space<vmem>> -> memref<1x80xi32, #tpu.memory_space<vmem>>
      %dma_wait3A_14 = tpu.memref_squeeze %dma_wait3A_13 : memref<1x80xi32, #tpu.memory_space<vmem>> -> memref<80xi32, #tpu.memory_space<vmem>>
      %dma_wait3A_15 = arith.constant 0 : i32
      %dma_wait3A_16 = arith.constant 0 : i32
      %dma_wait3A_17 = tpu.memref_slice %arg2[%dma_wait3A_15, %dma_wait3A_16] : memref<10000x128xf32, #tpu.memory_space<hbm>> -> memref<10000x128xf32, #tpu.memory_space<hbm>>
      tpu.wait_indirect_dma semaphore(%arg11 : memref<!tpu.dma_semaphore, #tpu.memory_space<semaphore_mem>>) src(%dma_wait3A_17 : memref<10000x128xf32, #tpu.memory_space<hbm>>) dst(%arg9 : memref<80x128xf32, #tpu.memory_space<vmem>>)
      "tpu.region"() ({
        %run_scoped3A = tpu.sem_alloc : memref<!tpu.dma_semaphore, #tpu.memory_space<semaphore_mem>>
        %dma_start3A_18 = arith.constant 0 : i32
        %dma_start3A_19 = tpu.memref_slice %arg8[%scan3A_7, %dma_start3A_18] : memref<126x80xi32, #tpu.memory_space<vmem>> -> memref<1x80xi32, #tpu.memory_space<vmem>>
        %dma_start3A_20 = tpu.memref_squeeze %dma_start3A_19 : memref<1x80xi32, #tpu.memory_space<vmem>> -> memref<80xi32, #tpu.memory_space<vmem>>
        %dma_start3A_21 = arith.constant 0 : i32
        %dma_start3A_22 = arith.constant 0 : i32
        %dma_start3A_23 = tpu.memref_slice %arg10[%dma_start3A_21, %dma_start3A_22] : memref<10240x128xf32, #tpu.memory_space<vmem_shared>> -> memref<10240x128xf32, #tpu.memory_space<vmem_shared>>
        tpu.enqueue_indirect_dma source(%arg9 : memref<80x128xf32, #tpu.memory_space<vmem>>) target(%dma_start3A_23 : memref<10240x128xf32, #tpu.memory_space<vmem_shared>>) offsets(%dma_start3A_20 : memref<80xi32, #tpu.memory_space<vmem>>) semaphore(%run_scoped3A : memref<!tpu.dma_semaphore, #tpu.memory_space<semaphore_mem>>) {add = true}
        %dma_wait3A_24 = arith.constant 0 : i32
        %dma_wait3A_25 = tpu.memref_slice %arg8[%scan3A_7, %dma_wait3A_24] : memref<126x80xi32, #tpu.memory_space<vmem>> -> memref<1x80xi32, #tpu.memory_space<vmem>>
        %dma_wait3A_26 = tpu.memref_squeeze %dma_wait3A_25 : memref<1x80xi32, #tpu.memory_space<vmem>> -> memref<80xi32, #tpu.memory_space<vmem>>
        %dma_wait3A_27 = arith.constant 0 : i32
        %dma_wait3A_28 = arith.constant 0 : i32
        %dma_wait3A_29 = tpu.memref_slice %arg10[%dma_wait3A_27, %dma_wait3A_28] : memref<10240x128xf32, #tpu.memory_space<vmem_shared>> -> memref<10240x128xf32, #tpu.memory_space<vmem_shared>>
        tpu.wait_indirect_dma semaphore(%run_scoped3A : memref<!tpu.dma_semaphore, #tpu.memory_space<semaphore_mem>>) src(%arg9 : memref<80x128xf32, #tpu.memory_space<vmem>>) dst(%dma_wait3A_29 : memref<10240x128xf32, #tpu.memory_space<vmem_shared>>)
        tpu.yield
      }) : () -> ()
    }
    %scan3A_5 = arith.constant 126 : i32
    %barrier3A_6 = arith.constant 0 : index
    tpu.barrier barrier_id(%barrier3A_6)
    "tpu.region"() ({
      %run_scoped3A = tpu.sem_alloc : memref<!tpu.dma_semaphore, #tpu.memory_space<semaphore_mem>>
      %dma_start3A = arith.constant 0 : i32
      %dma_start3A_7 = tpu.memref_slice %arg6[%arg0, %mul3A_0, %dma_start3A] : memref<2x10240x128xf32, #tpu.memory_space<hbm>> -> memref<1x640x128xf32, #tpu.memory_space<hbm>>
      %dma_start3A_8 = tpu.memref_squeeze %dma_start3A_7 : memref<1x640x128xf32, #tpu.memory_space<hbm>> -> memref<640x128xf32, #tpu.memory_space<hbm>>
      %dma_start3A_9 = arith.constant 0 : i32
      %dma_start3A_10 = tpu.memref_slice %arg10[%mul3A_0, %dma_start3A_9] : memref<10240x128xf32, #tpu.memory_space<vmem_shared>> -> memref<640x128xf32, #tpu.memory_space<vmem_shared>>
      tpu.enqueue_dma source(%dma_start3A_10 : memref<640x128xf32, #tpu.memory_space<vmem_shared>>) target(%dma_start3A_8 : memref<640x128xf32, #tpu.memory_space<hbm>>) target_semaphore(%run_scoped3A : memref<!tpu.dma_semaphore, #tpu.memory_space<semaphore_mem>>)
      %dma_wait3A = arith.constant 0 : i32
      %dma_wait3A_11 = tpu.memref_slice %arg6[%arg0, %mul3A_0, %dma_wait3A] : memref<2x10240x128xf32, #tpu.memory_space<hbm>> -> memref<1x640x128xf32, #tpu.memory_space<hbm>>
      %dma_wait3A_12 = tpu.memref_squeeze %dma_wait3A_11 : memref<1x640x128xf32, #tpu.memory_space<hbm>> -> memref<640x128xf32, #tpu.memory_space<hbm>>
      %dma_wait3A_13 = arith.constant 0 : i32
      %dma_wait3A_14 = tpu.memref_slice %arg10[%mul3A_0, %dma_wait3A_13] : memref<10240x128xf32, #tpu.memory_space<vmem_shared>> -> memref<640x128xf32, #tpu.memory_space<vmem_shared>>
      tpu.wait_dma2 semaphore(%run_scoped3A : memref<!tpu.dma_semaphore, #tpu.memory_space<semaphore_mem>>) src(%dma_wait3A_14 : memref<640x128xf32, #tpu.memory_space<vmem_shared>>) dst(%dma_wait3A_12 : memref<640x128xf32, #tpu.memory_space<hbm>>)
      tpu.yield
    }) : () -> ()
    return
  }
}

#map = affine_map<(d0, d1) -> (0, 0)>
#map1 = affine_map<(d0, d1) -> (0, 0, 0, 0)>
#map2 = affine_map<(d0, d1) -> (0, 0, 0)>
module attributes {stable_mosaic.version = 14 : i64} {
  func.func @_segsum_body(%arg0: i32, %arg1: i32, %arg2: memref<10000x128xf32, #tpu.memory_space<hbm>>, %arg3: memref<2x16x126x80xi32, #tpu.memory_space<hbm>>, %arg4: memref<2x16x126x80xi32, #tpu.memory_space<hbm>>, %arg5: memref<10240x128xf32, #tpu.memory_space<hbm>>, %arg6: memref<2x10240x128xf32, #tpu.memory_space<hbm>>, %arg7: memref<126x80xi32, #tpu.memory_space<vmem>>, %arg8: memref<126x80xi32, #tpu.memory_space<vmem>>, %arg9: memref<80x128xf32, #tpu.memory_space<vmem>>, %arg10: memref<10240x128xf32, #tpu.memory_space<vmem_shared>>, %arg11: memref<!tpu.dma_semaphore, #tpu.memory_space<semaphore_mem>>) attributes {dimension_semantics = [#tpu.dimension_semantics<core_parallel>, #tpu.dimension_semantics<subcore_parallel>], iteration_bounds = array<i64: 2, 16>, scalar_prefetch = 0 : i64, scratch_operands = 5 : i64, tpu.core_type = #tpu.core_type<sc_vector_subcore>, window_params = [{transform_indices = #map}, {transform_indices = #map1}, {transform_indices = #map1}, {transform_indices = #map}, {transform_indices = #map2}]} {
    %mul3A = arith.constant 640 : i32
    %mul3A_0 = arith.muli %arg1, %mul3A : i32
    "tpu.region"() ({
      %run_scoped3A = tpu.sem_alloc : memref<!tpu.dma_semaphore, #tpu.memory_space<semaphore_mem>>
      %dma_start3A = arith.constant 0 : i32
      %dma_start3A_7 = tpu.memref_slice %arg10[%mul3A_0, %dma_start3A] : memref<10240x128xf32, #tpu.memory_space<vmem_shared>> -> memref<640x128xf32, #tpu.memory_space<vmem_shared>>
      %dma_start3A_8 = arith.constant 0 : i32
      %dma_start3A_9 = tpu.memref_slice %arg5[%mul3A_0, %dma_start3A_8] : memref<10240x128xf32, #tpu.memory_space<hbm>> -> memref<640x128xf32, #tpu.memory_space<hbm>>
      tpu.enqueue_dma source(%dma_start3A_9 : memref<640x128xf32, #tpu.memory_space<hbm>>) target(%dma_start3A_7 : memref<640x128xf32, #tpu.memory_space<vmem_shared>>) target_semaphore(%run_scoped3A : memref<!tpu.dma_semaphore, #tpu.memory_space<semaphore_mem>>)
      %dma_wait3A = arith.constant 0 : i32
      %dma_wait3A_10 = tpu.memref_slice %arg10[%mul3A_0, %dma_wait3A] : memref<10240x128xf32, #tpu.memory_space<vmem_shared>> -> memref<640x128xf32, #tpu.memory_space<vmem_shared>>
      %dma_wait3A_11 = arith.constant 0 : i32
      %dma_wait3A_12 = tpu.memref_slice %arg5[%mul3A_0, %dma_wait3A_11] : memref<10240x128xf32, #tpu.memory_space<hbm>> -> memref<640x128xf32, #tpu.memory_space<hbm>>
      tpu.wait_dma2 semaphore(%run_scoped3A : memref<!tpu.dma_semaphore, #tpu.memory_space<semaphore_mem>>) src(%dma_wait3A_12 : memref<640x128xf32, #tpu.memory_space<hbm>>) dst(%dma_wait3A_10 : memref<640x128xf32, #tpu.memory_space<vmem_shared>>)
      tpu.yield
    }) : () -> ()
    "tpu.region"() ({
      %run_scoped3A = tpu.sem_alloc : memref<!tpu.dma_semaphore, #tpu.memory_space<semaphore_mem>>
      %dma_start3A = arith.constant 0 : i32
      %dma_start3A_7 = arith.constant 0 : i32
      %dma_start3A_8 = tpu.memref_slice %arg3[%arg0, %arg1, %dma_start3A, %dma_start3A_7] : memref<2x16x126x80xi32, #tpu.memory_space<hbm>> -> memref<1x1x126x80xi32, #tpu.memory_space<hbm>>
      %dma_start3A_9 = tpu.memref_squeeze %dma_start3A_8 : memref<1x1x126x80xi32, #tpu.memory_space<hbm>> -> memref<126x80xi32, #tpu.memory_space<hbm>>
      %dma_start3A_10 = arith.constant 0 : i32
      %dma_start3A_11 = arith.constant 0 : i32
      %dma_start3A_12 = tpu.memref_slice %arg3[%arg0, %arg1, %dma_start3A_10, %dma_start3A_11] : memref<2x16x126x80xi32, #tpu.memory_space<hbm>> -> memref<1x1x126x80xi32, #tpu.memory_space<hbm>>
      %dma_start3A_13 = tpu.memref_squeeze %dma_start3A_12 : memref<1x1x126x80xi32, #tpu.memory_space<hbm>> -> memref<126x80xi32, #tpu.memory_space<hbm>>
      tpu.enqueue_dma source(%dma_start3A_13 : memref<126x80xi32, #tpu.memory_space<hbm>>) target(%arg7 : memref<126x80xi32, #tpu.memory_space<vmem>>) target_semaphore(%run_scoped3A : memref<!tpu.dma_semaphore, #tpu.memory_space<semaphore_mem>>)
      %dma_wait3A = arith.constant 0 : i32
      %dma_wait3A_14 = arith.constant 0 : i32
      %dma_wait3A_15 = tpu.memref_slice %arg3[%arg0, %arg1, %dma_wait3A, %dma_wait3A_14] : memref<2x16x126x80xi32, #tpu.memory_space<hbm>> -> memref<1x1x126x80xi32, #tpu.memory_space<hbm>>
      %dma_wait3A_16 = tpu.memref_squeeze %dma_wait3A_15 : memref<1x1x126x80xi32, #tpu.memory_space<hbm>> -> memref<126x80xi32, #tpu.memory_space<hbm>>
      %dma_wait3A_17 = arith.constant 0 : i32
      %dma_wait3A_18 = arith.constant 0 : i32
      %dma_wait3A_19 = tpu.memref_slice %arg3[%arg0, %arg1, %dma_wait3A_17, %dma_wait3A_18] : memref<2x16x126x80xi32, #tpu.memory_space<hbm>> -> memref<1x1x126x80xi32, #tpu.memory_space<hbm>>
      %dma_wait3A_20 = tpu.memref_squeeze %dma_wait3A_19 : memref<1x1x126x80xi32, #tpu.memory_space<hbm>> -> memref<126x80xi32, #tpu.memory_space<hbm>>
      tpu.wait_dma2 semaphore(%run_scoped3A : memref<!tpu.dma_semaphore, #tpu.memory_space<semaphore_mem>>) src(%dma_wait3A_20 : memref<126x80xi32, #tpu.memory_space<hbm>>) dst(%arg7 : memref<126x80xi32, #tpu.memory_space<vmem>>)
      tpu.yield
    }) : () -> ()
    "tpu.region"() ({
      %run_scoped3A = tpu.sem_alloc : memref<!tpu.dma_semaphore, #tpu.memory_space<semaphore_mem>>
      %dma_start3A = arith.constant 0 : i32
      %dma_start3A_7 = arith.constant 0 : i32
      %dma_start3A_8 = tpu.memref_slice %arg4[%arg0, %arg1, %dma_start3A, %dma_start3A_7] : memref<2x16x126x80xi32, #tpu.memory_space<hbm>> -> memref<1x1x126x80xi32, #tpu.memory_space<hbm>>
      %dma_start3A_9 = tpu.memref_squeeze %dma_start3A_8 : memref<1x1x126x80xi32, #tpu.memory_space<hbm>> -> memref<126x80xi32, #tpu.memory_space<hbm>>
      %dma_start3A_10 = arith.constant 0 : i32
      %dma_start3A_11 = arith.constant 0 : i32
      %dma_start3A_12 = tpu.memref_slice %arg4[%arg0, %arg1, %dma_start3A_10, %dma_start3A_11] : memref<2x16x126x80xi32, #tpu.memory_space<hbm>> -> memref<1x1x126x80xi32, #tpu.memory_space<hbm>>
      %dma_start3A_13 = tpu.memref_squeeze %dma_start3A_12 : memref<1x1x126x80xi32, #tpu.memory_space<hbm>> -> memref<126x80xi32, #tpu.memory_space<hbm>>
      tpu.enqueue_dma source(%dma_start3A_13 : memref<126x80xi32, #tpu.memory_space<hbm>>) target(%arg8 : memref<126x80xi32, #tpu.memory_space<vmem>>) target_semaphore(%run_scoped3A : memref<!tpu.dma_semaphore, #tpu.memory_space<semaphore_mem>>)
      %dma_wait3A = arith.constant 0 : i32
      %dma_wait3A_14 = arith.constant 0 : i32
      %dma_wait3A_15 = tpu.memref_slice %arg4[%arg0, %arg1, %dma_wait3A, %dma_wait3A_14] : memref<2x16x126x80xi32, #tpu.memory_space<hbm>> -> memref<1x1x126x80xi32, #tpu.memory_space<hbm>>
      %dma_wait3A_16 = tpu.memref_squeeze %dma_wait3A_15 : memref<1x1x126x80xi32, #tpu.memory_space<hbm>> -> memref<126x80xi32, #tpu.memory_space<hbm>>
      %dma_wait3A_17 = arith.constant 0 : i32
      %dma_wait3A_18 = arith.constant 0 : i32
      %dma_wait3A_19 = tpu.memref_slice %arg4[%arg0, %arg1, %dma_wait3A_17, %dma_wait3A_18] : memref<2x16x126x80xi32, #tpu.memory_space<hbm>> -> memref<1x1x126x80xi32, #tpu.memory_space<hbm>>
      %dma_wait3A_20 = tpu.memref_squeeze %dma_wait3A_19 : memref<1x1x126x80xi32, #tpu.memory_space<hbm>> -> memref<126x80xi32, #tpu.memory_space<hbm>>
      tpu.wait_dma2 semaphore(%run_scoped3A : memref<!tpu.dma_semaphore, #tpu.memory_space<semaphore_mem>>) src(%dma_wait3A_20 : memref<126x80xi32, #tpu.memory_space<hbm>>) dst(%arg8 : memref<126x80xi32, #tpu.memory_space<vmem>>)
      tpu.yield
    }) : () -> ()
    %barrier3A = arith.constant 0 : index
    tpu.barrier barrier_id(%barrier3A)
    %scan3A = arith.constant 0 : i32
    %scan3A_1 = arith.constant 0 : i32
    %scan3A_2 = arith.constant 126 : i32
    %scan3A_3 = arith.addi %scan3A_1, %scan3A_2 : i32
    %scan3A_4 = arith.constant 1 : i32
    scf.for %scan3A_7 = %scan3A_1 to %scan3A_3 step %scan3A_4  : i32 {
      %dma_start3A = arith.constant 0 : i32
      %dma_start3A_8 = tpu.memref_slice %arg7[%scan3A_7, %dma_start3A] : memref<126x80xi32, #tpu.memory_space<vmem>> -> memref<1x80xi32, #tpu.memory_space<vmem>>
      %dma_start3A_9 = tpu.memref_squeeze %dma_start3A_8 : memref<1x80xi32, #tpu.memory_space<vmem>> -> memref<80xi32, #tpu.memory_space<vmem>>
      %dma_start3A_10 = arith.constant 0 : i32
      %dma_start3A_11 = arith.constant 0 : i32
      %dma_start3A_12 = tpu.memref_slice %arg2[%dma_start3A_10, %dma_start3A_11] : memref<10000x128xf32, #tpu.memory_space<hbm>> -> memref<10000x128xf32, #tpu.memory_space<hbm>>
      tpu.enqueue_indirect_dma source(%dma_start3A_12 : memref<10000x128xf32, #tpu.memory_space<hbm>>) target(%arg9 : memref<80x128xf32, #tpu.memory_space<vmem>>) offsets(%dma_start3A_9 : memref<80xi32, #tpu.memory_space<vmem>>) semaphore(%arg11 : memref<!tpu.dma_semaphore, #tpu.memory_space<semaphore_mem>>)
      %dma_wait3A = arith.constant 0 : i32
      %dma_wait3A_13 = tpu.memref_slice %arg7[%scan3A_7, %dma_wait3A] : memref<126x80xi32, #tpu.memory_space<vmem>> -> memref<1x80xi32, #tpu.memory_space<vmem>>
      %dma_wait3A_14 = tpu.memref_squeeze %dma_wait3A_13 : memref<1x80xi32, #tpu.memory_space<vmem>> -> memref<80xi32, #tpu.memory_space<vmem>>
      %dma_wait3A_15 = arith.constant 0 : i32
      %dma_wait3A_16 = arith.constant 0 : i32
      %dma_wait3A_17 = tpu.memref_slice %arg2[%dma_wait3A_15, %dma_wait3A_16] : memref<10000x128xf32, #tpu.memory_space<hbm>> -> memref<10000x128xf32, #tpu.memory_space<hbm>>
      tpu.wait_indirect_dma semaphore(%arg11 : memref<!tpu.dma_semaphore, #tpu.memory_space<semaphore_mem>>) src(%dma_wait3A_17 : memref<10000x128xf32, #tpu.memory_space<hbm>>) dst(%arg9 : memref<80x128xf32, #tpu.memory_space<vmem>>)
      "tpu.region"() ({
        %run_scoped3A = tpu.sem_alloc : memref<!tpu.dma_semaphore, #tpu.memory_space<semaphore_mem>>
        %dma_start3A_18 = arith.constant 0 : i32
        %dma_start3A_19 = tpu.memref_slice %arg8[%scan3A_7, %dma_start3A_18] : memref<126x80xi32, #tpu.memory_space<vmem>> -> memref<1x80xi32, #tpu.memory_space<vmem>>
        %dma_start3A_20 = tpu.memref_squeeze %dma_start3A_19 : memref<1x80xi32, #tpu.memory_space<vmem>> -> memref<80xi32, #tpu.memory_space<vmem>>
        %dma_start3A_21 = arith.constant 0 : i32
        %dma_start3A_22 = arith.constant 0 : i32
        %dma_start3A_23 = tpu.memref_slice %arg10[%dma_start3A_21, %dma_start3A_22] : memref<10240x128xf32, #tpu.memory_space<vmem_shared>> -> memref<10240x128xf32, #tpu.memory_space<vmem_shared>>
        tpu.enqueue_indirect_dma source(%arg9 : memref<80x128xf32, #tpu.memory_space<vmem>>) target(%dma_start3A_23 : memref<10240x128xf32, #tpu.memory_space<vmem_shared>>) offsets(%dma_start3A_20 : memref<80xi32, #tpu.memory_space<vmem>>) semaphore(%run_scoped3A : memref<!tpu.dma_semaphore, #tpu.memory_space<semaphore_mem>>) {add = true}
        %dma_wait3A_24 = arith.constant 0 : i32
        %dma_wait3A_25 = tpu.memref_slice %arg8[%scan3A_7, %dma_wait3A_24] : memref<126x80xi32, #tpu.memory_space<vmem>> -> memref<1x80xi32, #tpu.memory_space<vmem>>
        %dma_wait3A_26 = tpu.memref_squeeze %dma_wait3A_25 : memref<1x80xi32, #tpu.memory_space<vmem>> -> memref<80xi32, #tpu.memory_space<vmem>>
        %dma_wait3A_27 = arith.constant 0 : i32
        %dma_wait3A_28 = arith.constant 0 : i32
        %dma_wait3A_29 = tpu.memref_slice %arg10[%dma_wait3A_27, %dma_wait3A_28] : memref<10240x128xf32, #tpu.memory_space<vmem_shared>> -> memref<10240x128xf32, #tpu.memory_space<vmem_shared>>
        tpu.wait_indirect_dma semaphore(%run_scoped3A : memref<!tpu.dma_semaphore, #tpu.memory_space<semaphore_mem>>) src(%arg9 : memref<80x128xf32, #tpu.memory_space<vmem>>) dst(%dma_wait3A_29 : memref<10240x128xf32, #tpu.memory_space<vmem_shared>>)
        tpu.yield
      }) : () -> ()
    }
    %scan3A_5 = arith.constant 126 : i32
    %barrier3A_6 = arith.constant 0 : index
    tpu.barrier barrier_id(%barrier3A_6)
    "tpu.region"() ({
      %run_scoped3A = tpu.sem_alloc : memref<!tpu.dma_semaphore, #tpu.memory_space<semaphore_mem>>
      %dma_start3A = arith.constant 0 : i32
      %dma_start3A_7 = tpu.memref_slice %arg6[%arg0, %mul3A_0, %dma_start3A] : memref<2x10240x128xf32, #tpu.memory_space<hbm>> -> memref<1x640x128xf32, #tpu.memory_space<hbm>>
      %dma_start3A_8 = tpu.memref_squeeze %dma_start3A_7 : memref<1x640x128xf32, #tpu.memory_space<hbm>> -> memref<640x128xf32, #tpu.memory_space<hbm>>
      %dma_start3A_9 = arith.constant 0 : i32
      %dma_start3A_10 = tpu.memref_slice %arg10[%mul3A_0, %dma_start3A_9] : memref<10240x128xf32, #tpu.memory_space<vmem_shared>> -> memref<640x128xf32, #tpu.memory_space<vmem_shared>>
      tpu.enqueue_dma source(%dma_start3A_10 : memref<640x128xf32, #tpu.memory_space<vmem_shared>>) target(%dma_start3A_8 : memref<640x128xf32, #tpu.memory_space<hbm>>) target_semaphore(%run_scoped3A : memref<!tpu.dma_semaphore, #tpu.memory_space<semaphore_mem>>)
      %dma_wait3A = arith.constant 0 : i32
      %dma_wait3A_11 = tpu.memref_slice %arg6[%arg0, %mul3A_0, %dma_wait3A] : memref<2x10240x128xf32, #tpu.memory_space<hbm>> -> memref<1x640x128xf32, #tpu.memory_space<hbm>>
      %dma_wait3A_12 = tpu.memref_squeeze %dma_wait3A_11 : memref<1x640x128xf32, #tpu.memory_space<hbm>> -> memref<640x128xf32, #tpu.memory_space<hbm>>
      %dma_wait3A_13 = arith.constant 0 : i32
      %dma_wait3A_14 = tpu.memref_slice %arg10[%mul3A_0, %dma_wait3A_13] : memref<10240x128xf32, #tpu.memory_space<vmem_shared>> -> memref<640x128xf32, #tpu.memory_space<vmem_shared>>
      tpu.wait_dma2 semaphore(%run_scoped3A : memref<!tpu.dma_semaphore, #tpu.memory_space<semaphore_mem>>) src(%dma_wait3A_14 : memref<640x128xf32, #tpu.memory_space<vmem_shared>>) dst(%dma_wait3A_12 : memref<640x128xf32, #tpu.memory_space<hbm>>)
      tpu.yield
    }) : () -> ()
    return
  }
}

#map = affine_map<(d0, d1) -> (0, 0)>
#map1 = affine_map<(d0, d1) -> (0, 0, 0, 0)>
#map2 = affine_map<(d0, d1) -> (0, 0, 0)>
module attributes {stable_mosaic.version = 14 : i64} {
  func.func @_segsum_body(%arg0: i32, %arg1: i32, %arg2: memref<10000x128xf32, #tpu.memory_space<hbm>>, %arg3: memref<2x16x126x80xi32, #tpu.memory_space<hbm>>, %arg4: memref<2x16x126x80xi32, #tpu.memory_space<hbm>>, %arg5: memref<10240x128xf32, #tpu.memory_space<hbm>>, %arg6: memref<2x10240x128xf32, #tpu.memory_space<hbm>>, %arg7: memref<126x80xi32, #tpu.memory_space<vmem>>, %arg8: memref<126x80xi32, #tpu.memory_space<vmem>>, %arg9: memref<80x128xf32, #tpu.memory_space<vmem>>, %arg10: memref<10240x128xf32, #tpu.memory_space<vmem_shared>>, %arg11: memref<!tpu.dma_semaphore, #tpu.memory_space<semaphore_mem>>) attributes {dimension_semantics = [#tpu.dimension_semantics<core_parallel>, #tpu.dimension_semantics<subcore_parallel>], iteration_bounds = array<i64: 2, 16>, scalar_prefetch = 0 : i64, scratch_operands = 5 : i64, tpu.core_type = #tpu.core_type<sc_vector_subcore>, window_params = [{transform_indices = #map}, {transform_indices = #map1}, {transform_indices = #map1}, {transform_indices = #map}, {transform_indices = #map2}]} {
    %mul3A = arith.constant 640 : i32
    %mul3A_0 = arith.muli %arg1, %mul3A : i32
    "tpu.region"() ({
      %run_scoped3A = tpu.sem_alloc : memref<!tpu.dma_semaphore, #tpu.memory_space<semaphore_mem>>
      %dma_start3A = arith.constant 0 : i32
      %dma_start3A_7 = tpu.memref_slice %arg10[%mul3A_0, %dma_start3A] : memref<10240x128xf32, #tpu.memory_space<vmem_shared>> -> memref<640x128xf32, #tpu.memory_space<vmem_shared>>
      %dma_start3A_8 = arith.constant 0 : i32
      %dma_start3A_9 = tpu.memref_slice %arg5[%mul3A_0, %dma_start3A_8] : memref<10240x128xf32, #tpu.memory_space<hbm>> -> memref<640x128xf32, #tpu.memory_space<hbm>>
      tpu.enqueue_dma source(%dma_start3A_9 : memref<640x128xf32, #tpu.memory_space<hbm>>) target(%dma_start3A_7 : memref<640x128xf32, #tpu.memory_space<vmem_shared>>) target_semaphore(%run_scoped3A : memref<!tpu.dma_semaphore, #tpu.memory_space<semaphore_mem>>)
      %dma_wait3A = arith.constant 0 : i32
      %dma_wait3A_10 = tpu.memref_slice %arg10[%mul3A_0, %dma_wait3A] : memref<10240x128xf32, #tpu.memory_space<vmem_shared>> -> memref<640x128xf32, #tpu.memory_space<vmem_shared>>
      %dma_wait3A_11 = arith.constant 0 : i32
      %dma_wait3A_12 = tpu.memref_slice %arg5[%mul3A_0, %dma_wait3A_11] : memref<10240x128xf32, #tpu.memory_space<hbm>> -> memref<640x128xf32, #tpu.memory_space<hbm>>
      tpu.wait_dma2 semaphore(%run_scoped3A : memref<!tpu.dma_semaphore, #tpu.memory_space<semaphore_mem>>) src(%dma_wait3A_12 : memref<640x128xf32, #tpu.memory_space<hbm>>) dst(%dma_wait3A_10 : memref<640x128xf32, #tpu.memory_space<vmem_shared>>)
      tpu.yield
    }) : () -> ()
    "tpu.region"() ({
      %run_scoped3A = tpu.sem_alloc : memref<!tpu.dma_semaphore, #tpu.memory_space<semaphore_mem>>
      %dma_start3A = arith.constant 0 : i32
      %dma_start3A_7 = arith.constant 0 : i32
      %dma_start3A_8 = tpu.memref_slice %arg3[%arg0, %arg1, %dma_start3A, %dma_start3A_7] : memref<2x16x126x80xi32, #tpu.memory_space<hbm>> -> memref<1x1x126x80xi32, #tpu.memory_space<hbm>>
      %dma_start3A_9 = tpu.memref_squeeze %dma_start3A_8 : memref<1x1x126x80xi32, #tpu.memory_space<hbm>> -> memref<126x80xi32, #tpu.memory_space<hbm>>
      %dma_start3A_10 = arith.constant 0 : i32
      %dma_start3A_11 = arith.constant 0 : i32
      %dma_start3A_12 = tpu.memref_slice %arg3[%arg0, %arg1, %dma_start3A_10, %dma_start3A_11] : memref<2x16x126x80xi32, #tpu.memory_space<hbm>> -> memref<1x1x126x80xi32, #tpu.memory_space<hbm>>
      %dma_start3A_13 = tpu.memref_squeeze %dma_start3A_12 : memref<1x1x126x80xi32, #tpu.memory_space<hbm>> -> memref<126x80xi32, #tpu.memory_space<hbm>>
      tpu.enqueue_dma source(%dma_start3A_13 : memref<126x80xi32, #tpu.memory_space<hbm>>) target(%arg7 : memref<126x80xi32, #tpu.memory_space<vmem>>) target_semaphore(%run_scoped3A : memref<!tpu.dma_semaphore, #tpu.memory_space<semaphore_mem>>)
      %dma_wait3A = arith.constant 0 : i32
      %dma_wait3A_14 = arith.constant 0 : i32
      %dma_wait3A_15 = tpu.memref_slice %arg3[%arg0, %arg1, %dma_wait3A, %dma_wait3A_14] : memref<2x16x126x80xi32, #tpu.memory_space<hbm>> -> memref<1x1x126x80xi32, #tpu.memory_space<hbm>>
      %dma_wait3A_16 = tpu.memref_squeeze %dma_wait3A_15 : memref<1x1x126x80xi32, #tpu.memory_space<hbm>> -> memref<126x80xi32, #tpu.memory_space<hbm>>
      %dma_wait3A_17 = arith.constant 0 : i32
      %dma_wait3A_18 = arith.constant 0 : i32
      %dma_wait3A_19 = tpu.memref_slice %arg3[%arg0, %arg1, %dma_wait3A_17, %dma_wait3A_18] : memref<2x16x126x80xi32, #tpu.memory_space<hbm>> -> memref<1x1x126x80xi32, #tpu.memory_space<hbm>>
      %dma_wait3A_20 = tpu.memref_squeeze %dma_wait3A_19 : memref<1x1x126x80xi32, #tpu.memory_space<hbm>> -> memref<126x80xi32, #tpu.memory_space<hbm>>
      tpu.wait_dma2 semaphore(%run_scoped3A : memref<!tpu.dma_semaphore, #tpu.memory_space<semaphore_mem>>) src(%dma_wait3A_20 : memref<126x80xi32, #tpu.memory_space<hbm>>) dst(%arg7 : memref<126x80xi32, #tpu.memory_space<vmem>>)
      tpu.yield
    }) : () -> ()
    "tpu.region"() ({
      %run_scoped3A = tpu.sem_alloc : memref<!tpu.dma_semaphore, #tpu.memory_space<semaphore_mem>>
      %dma_start3A = arith.constant 0 : i32
      %dma_start3A_7 = arith.constant 0 : i32
      %dma_start3A_8 = tpu.memref_slice %arg4[%arg0, %arg1, %dma_start3A, %dma_start3A_7] : memref<2x16x126x80xi32, #tpu.memory_space<hbm>> -> memref<1x1x126x80xi32, #tpu.memory_space<hbm>>
      %dma_start3A_9 = tpu.memref_squeeze %dma_start3A_8 : memref<1x1x126x80xi32, #tpu.memory_space<hbm>> -> memref<126x80xi32, #tpu.memory_space<hbm>>
      %dma_start3A_10 = arith.constant 0 : i32
      %dma_start3A_11 = arith.constant 0 : i32
      %dma_start3A_12 = tpu.memref_slice %arg4[%arg0, %arg1, %dma_start3A_10, %dma_start3A_11] : memref<2x16x126x80xi32, #tpu.memory_space<hbm>> -> memref<1x1x126x80xi32, #tpu.memory_space<hbm>>
      %dma_start3A_13 = tpu.memref_squeeze %dma_start3A_12 : memref<1x1x126x80xi32, #tpu.memory_space<hbm>> -> memref<126x80xi32, #tpu.memory_space<hbm>>
      tpu.enqueue_dma source(%dma_start3A_13 : memref<126x80xi32, #tpu.memory_space<hbm>>) target(%arg8 : memref<126x80xi32, #tpu.memory_space<vmem>>) target_semaphore(%run_scoped3A : memref<!tpu.dma_semaphore, #tpu.memory_space<semaphore_mem>>)
      %dma_wait3A = arith.constant 0 : i32
      %dma_wait3A_14 = arith.constant 0 : i32
      %dma_wait3A_15 = tpu.memref_slice %arg4[%arg0, %arg1, %dma_wait3A, %dma_wait3A_14] : memref<2x16x126x80xi32, #tpu.memory_space<hbm>> -> memref<1x1x126x80xi32, #tpu.memory_space<hbm>>
      %dma_wait3A_16 = tpu.memref_squeeze %dma_wait3A_15 : memref<1x1x126x80xi32, #tpu.memory_space<hbm>> -> memref<126x80xi32, #tpu.memory_space<hbm>>
      %dma_wait3A_17 = arith.constant 0 : i32
      %dma_wait3A_18 = arith.constant 0 : i32
      %dma_wait3A_19 = tpu.memref_slice %arg4[%arg0, %arg1, %dma_wait3A_17, %dma_wait3A_18] : memref<2x16x126x80xi32, #tpu.memory_space<hbm>> -> memref<1x1x126x80xi32, #tpu.memory_space<hbm>>
      %dma_wait3A_20 = tpu.memref_squeeze %dma_wait3A_19 : memref<1x1x126x80xi32, #tpu.memory_space<hbm>> -> memref<126x80xi32, #tpu.memory_space<hbm>>
      tpu.wait_dma2 semaphore(%run_scoped3A : memref<!tpu.dma_semaphore, #tpu.memory_space<semaphore_mem>>) src(%dma_wait3A_20 : memref<126x80xi32, #tpu.memory_space<hbm>>) dst(%arg8 : memref<126x80xi32, #tpu.memory_space<vmem>>)
      tpu.yield
    }) : () -> ()
    %barrier3A = arith.constant 0 : index
    tpu.barrier barrier_id(%barrier3A)
    %scan3A = arith.constant 0 : i32
    %scan3A_1 = arith.constant 0 : i32
    %scan3A_2 = arith.constant 126 : i32
    %scan3A_3 = arith.addi %scan3A_1, %scan3A_2 : i32
    %scan3A_4 = arith.constant 1 : i32
    scf.for %scan3A_7 = %scan3A_1 to %scan3A_3 step %scan3A_4  : i32 {
      %dma_start3A = arith.constant 0 : i32
      %dma_start3A_8 = tpu.memref_slice %arg7[%scan3A_7, %dma_start3A] : memref<126x80xi32, #tpu.memory_space<vmem>> -> memref<1x80xi32, #tpu.memory_space<vmem>>
      %dma_start3A_9 = tpu.memref_squeeze %dma_start3A_8 : memref<1x80xi32, #tpu.memory_space<vmem>> -> memref<80xi32, #tpu.memory_space<vmem>>
      %dma_start3A_10 = arith.constant 0 : i32
      %dma_start3A_11 = arith.constant 0 : i32
      %dma_start3A_12 = tpu.memref_slice %arg2[%dma_start3A_10, %dma_start3A_11] : memref<10000x128xf32, #tpu.memory_space<hbm>> -> memref<10000x128xf32, #tpu.memory_space<hbm>>
      tpu.enqueue_indirect_dma source(%dma_start3A_12 : memref<10000x128xf32, #tpu.memory_space<hbm>>) target(%arg9 : memref<80x128xf32, #tpu.memory_space<vmem>>) offsets(%dma_start3A_9 : memref<80xi32, #tpu.memory_space<vmem>>) semaphore(%arg11 : memref<!tpu.dma_semaphore, #tpu.memory_space<semaphore_mem>>)
      %dma_wait3A = arith.constant 0 : i32
      %dma_wait3A_13 = tpu.memref_slice %arg7[%scan3A_7, %dma_wait3A] : memref<126x80xi32, #tpu.memory_space<vmem>> -> memref<1x80xi32, #tpu.memory_space<vmem>>
      %dma_wait3A_14 = tpu.memref_squeeze %dma_wait3A_13 : memref<1x80xi32, #tpu.memory_space<vmem>> -> memref<80xi32, #tpu.memory_space<vmem>>
      %dma_wait3A_15 = arith.constant 0 : i32
      %dma_wait3A_16 = arith.constant 0 : i32
      %dma_wait3A_17 = tpu.memref_slice %arg2[%dma_wait3A_15, %dma_wait3A_16] : memref<10000x128xf32, #tpu.memory_space<hbm>> -> memref<10000x128xf32, #tpu.memory_space<hbm>>
      tpu.wait_indirect_dma semaphore(%arg11 : memref<!tpu.dma_semaphore, #tpu.memory_space<semaphore_mem>>) src(%dma_wait3A_17 : memref<10000x128xf32, #tpu.memory_space<hbm>>) dst(%arg9 : memref<80x128xf32, #tpu.memory_space<vmem>>)
      "tpu.region"() ({
        %run_scoped3A = tpu.sem_alloc : memref<!tpu.dma_semaphore, #tpu.memory_space<semaphore_mem>>
        %dma_start3A_18 = arith.constant 0 : i32
        %dma_start3A_19 = tpu.memref_slice %arg8[%scan3A_7, %dma_start3A_18] : memref<126x80xi32, #tpu.memory_space<vmem>> -> memref<1x80xi32, #tpu.memory_space<vmem>>
        %dma_start3A_20 = tpu.memref_squeeze %dma_start3A_19 : memref<1x80xi32, #tpu.memory_space<vmem>> -> memref<80xi32, #tpu.memory_space<vmem>>
        %dma_start3A_21 = arith.constant 0 : i32
        %dma_start3A_22 = arith.constant 0 : i32
        %dma_start3A_23 = tpu.memref_slice %arg10[%dma_start3A_21, %dma_start3A_22] : memref<10240x128xf32, #tpu.memory_space<vmem_shared>> -> memref<10240x128xf32, #tpu.memory_space<vmem_shared>>
        tpu.enqueue_indirect_dma source(%arg9 : memref<80x128xf32, #tpu.memory_space<vmem>>) target(%dma_start3A_23 : memref<10240x128xf32, #tpu.memory_space<vmem_shared>>) offsets(%dma_start3A_20 : memref<80xi32, #tpu.memory_space<vmem>>) semaphore(%run_scoped3A : memref<!tpu.dma_semaphore, #tpu.memory_space<semaphore_mem>>) {add = true}
        %dma_wait3A_24 = arith.constant 0 : i32
        %dma_wait3A_25 = tpu.memref_slice %arg8[%scan3A_7, %dma_wait3A_24] : memref<126x80xi32, #tpu.memory_space<vmem>> -> memref<1x80xi32, #tpu.memory_space<vmem>>
        %dma_wait3A_26 = tpu.memref_squeeze %dma_wait3A_25 : memref<1x80xi32, #tpu.memory_space<vmem>> -> memref<80xi32, #tpu.memory_space<vmem>>
        %dma_wait3A_27 = arith.constant 0 : i32
        %dma_wait3A_28 = arith.constant 0 : i32
        %dma_wait3A_29 = tpu.memref_slice %arg10[%dma_wait3A_27, %dma_wait3A_28] : memref<10240x128xf32, #tpu.memory_space<vmem_shared>> -> memref<10240x128xf32, #tpu.memory_space<vmem_shared>>
        tpu.wait_indirect_dma semaphore(%run_scoped3A : memref<!tpu.dma_semaphore, #tpu.memory_space<semaphore_mem>>) src(%arg9 : memref<80x128xf32, #tpu.memory_space<vmem>>) dst(%dma_wait3A_29 : memref<10240x128xf32, #tpu.memory_space<vmem_shared>>)
        tpu.yield
      }) : () -> ()
    }
    %scan3A_5 = arith.constant 126 : i32
    %barrier3A_6 = arith.constant 0 : index
    tpu.barrier barrier_id(%barrier3A_6)
    "tpu.region"() ({
      %run_scoped3A = tpu.sem_alloc : memref<!tpu.dma_semaphore, #tpu.memory_space<semaphore_mem>>
      %dma_start3A = arith.constant 0 : i32
      %dma_start3A_7 = tpu.memref_slice %arg6[%arg0, %mul3A_0, %dma_start3A] : memref<2x10240x128xf32, #tpu.memory_space<hbm>> -> memref<1x640x128xf32, #tpu.memory_space<hbm>>
      %dma_start3A_8 = tpu.memref_squeeze %dma_start3A_7 : memref<1x640x128xf32, #tpu.memory_space<hbm>> -> memref<640x128xf32, #tpu.memory_space<hbm>>
      %dma_start3A_9 = arith.constant 0 : i32
      %dma_start3A_10 = tpu.memref_slice %arg10[%mul3A_0, %dma_start3A_9] : memref<10240x128xf32, #tpu.memory_space<vmem_shared>> -> memref<640x128xf32, #tpu.memory_space<vmem_shared>>
      tpu.enqueue_dma source(%dma_start3A_10 : memref<640x128xf32, #tpu.memory_space<vmem_shared>>) target(%dma_start3A_8 : memref<640x128xf32, #tpu.memory_space<hbm>>) target_semaphore(%run_scoped3A : memref<!tpu.dma_semaphore, #tpu.memory_space<semaphore_mem>>)
      %dma_wait3A = arith.constant 0 : i32
      %dma_wait3A_11 = tpu.memref_slice %arg6[%arg0, %mul3A_0, %dma_wait3A] : memref<2x10240x128xf32, #tpu.memory_space<hbm>> -> memref<1x640x128xf32, #tpu.memory_space<hbm>>
      %dma_wait3A_12 = tpu.memref_squeeze %dma_wait3A_11 : memref<1x640x128xf32, #tpu.memory_space<hbm>> -> memref<640x128xf32, #tpu.memory_space<hbm>>
      %dma_wait3A_13 = arith.constant 0 : i32
      %dma_wait3A_14 = tpu.memref_slice %arg10[%mul3A_0, %dma_wait3A_13] : memref<10240x128xf32, #tpu.memory_space<vmem_shared>> -> memref<640x128xf32, #tpu.memory_space<vmem_shared>>
      tpu.wait_dma2 semaphore(%run_scoped3A : memref<!tpu.dma_semaphore, #tpu.memory_space<semaphore_mem>>) src(%dma_wait3A_14 : memref<640x128xf32, #tpu.memory_space<vmem_shared>>) dst(%dma_wait3A_12 : memref<640x128xf32, #tpu.memory_space<hbm>>)
      tpu.yield
    }) : () -> ()
    return
  }
}

#map = affine_map<(d0, d1) -> (0, 0)>
#map1 = affine_map<(d0, d1) -> (0, 0, 0, 0)>
#map2 = affine_map<(d0, d1) -> (0, 0, 0)>
module attributes {stable_mosaic.version = 14 : i64} {
  func.func @_segsum_body(%arg0: i32, %arg1: i32, %arg2: memref<10000x128xf32, #tpu.memory_space<hbm>>, %arg3: memref<2x16x126x80xi32, #tpu.memory_space<hbm>>, %arg4: memref<2x16x126x80xi32, #tpu.memory_space<hbm>>, %arg5: memref<10240x128xf32, #tpu.memory_space<hbm>>, %arg6: memref<2x10240x128xf32, #tpu.memory_space<hbm>>, %arg7: memref<126x80xi32, #tpu.memory_space<vmem>>, %arg8: memref<126x80xi32, #tpu.memory_space<vmem>>, %arg9: memref<80x128xf32, #tpu.memory_space<vmem>>, %arg10: memref<10240x128xf32, #tpu.memory_space<vmem_shared>>, %arg11: memref<!tpu.dma_semaphore, #tpu.memory_space<semaphore_mem>>) attributes {dimension_semantics = [#tpu.dimension_semantics<core_parallel>, #tpu.dimension_semantics<subcore_parallel>], iteration_bounds = array<i64: 2, 16>, scalar_prefetch = 0 : i64, scratch_operands = 5 : i64, tpu.core_type = #tpu.core_type<sc_vector_subcore>, window_params = [{transform_indices = #map}, {transform_indices = #map1}, {transform_indices = #map1}, {transform_indices = #map}, {transform_indices = #map2}]} {
    %mul3A = arith.constant 640 : i32
    %mul3A_0 = arith.muli %arg1, %mul3A : i32
    "tpu.region"() ({
      %run_scoped3A = tpu.sem_alloc : memref<!tpu.dma_semaphore, #tpu.memory_space<semaphore_mem>>
      %dma_start3A = arith.constant 0 : i32
      %dma_start3A_7 = tpu.memref_slice %arg10[%mul3A_0, %dma_start3A] : memref<10240x128xf32, #tpu.memory_space<vmem_shared>> -> memref<640x128xf32, #tpu.memory_space<vmem_shared>>
      %dma_start3A_8 = arith.constant 0 : i32
      %dma_start3A_9 = tpu.memref_slice %arg5[%mul3A_0, %dma_start3A_8] : memref<10240x128xf32, #tpu.memory_space<hbm>> -> memref<640x128xf32, #tpu.memory_space<hbm>>
      tpu.enqueue_dma source(%dma_start3A_9 : memref<640x128xf32, #tpu.memory_space<hbm>>) target(%dma_start3A_7 : memref<640x128xf32, #tpu.memory_space<vmem_shared>>) target_semaphore(%run_scoped3A : memref<!tpu.dma_semaphore, #tpu.memory_space<semaphore_mem>>)
      %dma_wait3A = arith.constant 0 : i32
      %dma_wait3A_10 = tpu.memref_slice %arg10[%mul3A_0, %dma_wait3A] : memref<10240x128xf32, #tpu.memory_space<vmem_shared>> -> memref<640x128xf32, #tpu.memory_space<vmem_shared>>
      %dma_wait3A_11 = arith.constant 0 : i32
      %dma_wait3A_12 = tpu.memref_slice %arg5[%mul3A_0, %dma_wait3A_11] : memref<10240x128xf32, #tpu.memory_space<hbm>> -> memref<640x128xf32, #tpu.memory_space<hbm>>
      tpu.wait_dma2 semaphore(%run_scoped3A : memref<!tpu.dma_semaphore, #tpu.memory_space<semaphore_mem>>) src(%dma_wait3A_12 : memref<640x128xf32, #tpu.memory_space<hbm>>) dst(%dma_wait3A_10 : memref<640x128xf32, #tpu.memory_space<vmem_shared>>)
      tpu.yield
    }) : () -> ()
    "tpu.region"() ({
      %run_scoped3A = tpu.sem_alloc : memref<!tpu.dma_semaphore, #tpu.memory_space<semaphore_mem>>
      %dma_start3A = arith.constant 0 : i32
      %dma_start3A_7 = arith.constant 0 : i32
      %dma_start3A_8 = tpu.memref_slice %arg3[%arg0, %arg1, %dma_start3A, %dma_start3A_7] : memref<2x16x126x80xi32, #tpu.memory_space<hbm>> -> memref<1x1x126x80xi32, #tpu.memory_space<hbm>>
      %dma_start3A_9 = tpu.memref_squeeze %dma_start3A_8 : memref<1x1x126x80xi32, #tpu.memory_space<hbm>> -> memref<126x80xi32, #tpu.memory_space<hbm>>
      %dma_start3A_10 = arith.constant 0 : i32
      %dma_start3A_11 = arith.constant 0 : i32
      %dma_start3A_12 = tpu.memref_slice %arg3[%arg0, %arg1, %dma_start3A_10, %dma_start3A_11] : memref<2x16x126x80xi32, #tpu.memory_space<hbm>> -> memref<1x1x126x80xi32, #tpu.memory_space<hbm>>
      %dma_start3A_13 = tpu.memref_squeeze %dma_start3A_12 : memref<1x1x126x80xi32, #tpu.memory_space<hbm>> -> memref<126x80xi32, #tpu.memory_space<hbm>>
      tpu.enqueue_dma source(%dma_start3A_13 : memref<126x80xi32, #tpu.memory_space<hbm>>) target(%arg7 : memref<126x80xi32, #tpu.memory_space<vmem>>) target_semaphore(%run_scoped3A : memref<!tpu.dma_semaphore, #tpu.memory_space<semaphore_mem>>)
      %dma_wait3A = arith.constant 0 : i32
      %dma_wait3A_14 = arith.constant 0 : i32
      %dma_wait3A_15 = tpu.memref_slice %arg3[%arg0, %arg1, %dma_wait3A, %dma_wait3A_14] : memref<2x16x126x80xi32, #tpu.memory_space<hbm>> -> memref<1x1x126x80xi32, #tpu.memory_space<hbm>>
      %dma_wait3A_16 = tpu.memref_squeeze %dma_wait3A_15 : memref<1x1x126x80xi32, #tpu.memory_space<hbm>> -> memref<126x80xi32, #tpu.memory_space<hbm>>
      %dma_wait3A_17 = arith.constant 0 : i32
      %dma_wait3A_18 = arith.constant 0 : i32
      %dma_wait3A_19 = tpu.memref_slice %arg3[%arg0, %arg1, %dma_wait3A_17, %dma_wait3A_18] : memref<2x16x126x80xi32, #tpu.memory_space<hbm>> -> memref<1x1x126x80xi32, #tpu.memory_space<hbm>>
      %dma_wait3A_20 = tpu.memref_squeeze %dma_wait3A_19 : memref<1x1x126x80xi32, #tpu.memory_space<hbm>> -> memref<126x80xi32, #tpu.memory_space<hbm>>
      tpu.wait_dma2 semaphore(%run_scoped3A : memref<!tpu.dma_semaphore, #tpu.memory_space<semaphore_mem>>) src(%dma_wait3A_20 : memref<126x80xi32, #tpu.memory_space<hbm>>) dst(%arg7 : memref<126x80xi32, #tpu.memory_space<vmem>>)
      tpu.yield
    }) : () -> ()
    "tpu.region"() ({
      %run_scoped3A = tpu.sem_alloc : memref<!tpu.dma_semaphore, #tpu.memory_space<semaphore_mem>>
      %dma_start3A = arith.constant 0 : i32
      %dma_start3A_7 = arith.constant 0 : i32
      %dma_start3A_8 = tpu.memref_slice %arg4[%arg0, %arg1, %dma_start3A, %dma_start3A_7] : memref<2x16x126x80xi32, #tpu.memory_space<hbm>> -> memref<1x1x126x80xi32, #tpu.memory_space<hbm>>
      %dma_start3A_9 = tpu.memref_squeeze %dma_start3A_8 : memref<1x1x126x80xi32, #tpu.memory_space<hbm>> -> memref<126x80xi32, #tpu.memory_space<hbm>>
      %dma_start3A_10 = arith.constant 0 : i32
      %dma_start3A_11 = arith.constant 0 : i32
      %dma_start3A_12 = tpu.memref_slice %arg4[%arg0, %arg1, %dma_start3A_10, %dma_start3A_11] : memref<2x16x126x80xi32, #tpu.memory_space<hbm>> -> memref<1x1x126x80xi32, #tpu.memory_space<hbm>>
      %dma_start3A_13 = tpu.memref_squeeze %dma_start3A_12 : memref<1x1x126x80xi32, #tpu.memory_space<hbm>> -> memref<126x80xi32, #tpu.memory_space<hbm>>
      tpu.enqueue_dma source(%dma_start3A_13 : memref<126x80xi32, #tpu.memory_space<hbm>>) target(%arg8 : memref<126x80xi32, #tpu.memory_space<vmem>>) target_semaphore(%run_scoped3A : memref<!tpu.dma_semaphore, #tpu.memory_space<semaphore_mem>>)
      %dma_wait3A = arith.constant 0 : i32
      %dma_wait3A_14 = arith.constant 0 : i32
      %dma_wait3A_15 = tpu.memref_slice %arg4[%arg0, %arg1, %dma_wait3A, %dma_wait3A_14] : memref<2x16x126x80xi32, #tpu.memory_space<hbm>> -> memref<1x1x126x80xi32, #tpu.memory_space<hbm>>
      %dma_wait3A_16 = tpu.memref_squeeze %dma_wait3A_15 : memref<1x1x126x80xi32, #tpu.memory_space<hbm>> -> memref<126x80xi32, #tpu.memory_space<hbm>>
      %dma_wait3A_17 = arith.constant 0 : i32
      %dma_wait3A_18 = arith.constant 0 : i32
      %dma_wait3A_19 = tpu.memref_slice %arg4[%arg0, %arg1, %dma_wait3A_17, %dma_wait3A_18] : memref<2x16x126x80xi32, #tpu.memory_space<hbm>> -> memref<1x1x126x80xi32, #tpu.memory_space<hbm>>
      %dma_wait3A_20 = tpu.memref_squeeze %dma_wait3A_19 : memref<1x1x126x80xi32, #tpu.memory_space<hbm>> -> memref<126x80xi32, #tpu.memory_space<hbm>>
      tpu.wait_dma2 semaphore(%run_scoped3A : memref<!tpu.dma_semaphore, #tpu.memory_space<semaphore_mem>>) src(%dma_wait3A_20 : memref<126x80xi32, #tpu.memory_space<hbm>>) dst(%arg8 : memref<126x80xi32, #tpu.memory_space<vmem>>)
      tpu.yield
    }) : () -> ()
    %barrier3A = arith.constant 0 : index
    tpu.barrier barrier_id(%barrier3A)
    %scan3A = arith.constant 0 : i32
    %scan3A_1 = arith.constant 0 : i32
    %scan3A_2 = arith.constant 126 : i32
    %scan3A_3 = arith.addi %scan3A_1, %scan3A_2 : i32
    %scan3A_4 = arith.constant 1 : i32
    scf.for %scan3A_7 = %scan3A_1 to %scan3A_3 step %scan3A_4  : i32 {
      %dma_start3A = arith.constant 0 : i32
      %dma_start3A_8 = tpu.memref_slice %arg7[%scan3A_7, %dma_start3A] : memref<126x80xi32, #tpu.memory_space<vmem>> -> memref<1x80xi32, #tpu.memory_space<vmem>>
      %dma_start3A_9 = tpu.memref_squeeze %dma_start3A_8 : memref<1x80xi32, #tpu.memory_space<vmem>> -> memref<80xi32, #tpu.memory_space<vmem>>
      %dma_start3A_10 = arith.constant 0 : i32
      %dma_start3A_11 = arith.constant 0 : i32
      %dma_start3A_12 = tpu.memref_slice %arg2[%dma_start3A_10, %dma_start3A_11] : memref<10000x128xf32, #tpu.memory_space<hbm>> -> memref<10000x128xf32, #tpu.memory_space<hbm>>
      tpu.enqueue_indirect_dma source(%dma_start3A_12 : memref<10000x128xf32, #tpu.memory_space<hbm>>) target(%arg9 : memref<80x128xf32, #tpu.memory_space<vmem>>) offsets(%dma_start3A_9 : memref<80xi32, #tpu.memory_space<vmem>>) semaphore(%arg11 : memref<!tpu.dma_semaphore, #tpu.memory_space<semaphore_mem>>)
      %dma_wait3A = arith.constant 0 : i32
      %dma_wait3A_13 = tpu.memref_slice %arg7[%scan3A_7, %dma_wait3A] : memref<126x80xi32, #tpu.memory_space<vmem>> -> memref<1x80xi32, #tpu.memory_space<vmem>>
      %dma_wait3A_14 = tpu.memref_squeeze %dma_wait3A_13 : memref<1x80xi32, #tpu.memory_space<vmem>> -> memref<80xi32, #tpu.memory_space<vmem>>
      %dma_wait3A_15 = arith.constant 0 : i32
      %dma_wait3A_16 = arith.constant 0 : i32
      %dma_wait3A_17 = tpu.memref_slice %arg2[%dma_wait3A_15, %dma_wait3A_16] : memref<10000x128xf32, #tpu.memory_space<hbm>> -> memref<10000x128xf32, #tpu.memory_space<hbm>>
      tpu.wait_indirect_dma semaphore(%arg11 : memref<!tpu.dma_semaphore, #tpu.memory_space<semaphore_mem>>) src(%dma_wait3A_17 : memref<10000x128xf32, #tpu.memory_space<hbm>>) dst(%arg9 : memref<80x128xf32, #tpu.memory_space<vmem>>)
      "tpu.region"() ({
        %run_scoped3A = tpu.sem_alloc : memref<!tpu.dma_semaphore, #tpu.memory_space<semaphore_mem>>
        %dma_start3A_18 = arith.constant 0 : i32
        %dma_start3A_19 = tpu.memref_slice %arg8[%scan3A_7, %dma_start3A_18] : memref<126x80xi32, #tpu.memory_space<vmem>> -> memref<1x80xi32, #tpu.memory_space<vmem>>
        %dma_start3A_20 = tpu.memref_squeeze %dma_start3A_19 : memref<1x80xi32, #tpu.memory_space<vmem>> -> memref<80xi32, #tpu.memory_space<vmem>>
        %dma_start3A_21 = arith.constant 0 : i32
        %dma_start3A_22 = arith.constant 0 : i32
        %dma_start3A_23 = tpu.memref_slice %arg10[%dma_start3A_21, %dma_start3A_22] : memref<10240x128xf32, #tpu.memory_space<vmem_shared>> -> memref<10240x128xf32, #tpu.memory_space<vmem_shared>>
        tpu.enqueue_indirect_dma source(%arg9 : memref<80x128xf32, #tpu.memory_space<vmem>>) target(%dma_start3A_23 : memref<10240x128xf32, #tpu.memory_space<vmem_shared>>) offsets(%dma_start3A_20 : memref<80xi32, #tpu.memory_space<vmem>>) semaphore(%run_scoped3A : memref<!tpu.dma_semaphore, #tpu.memory_space<semaphore_mem>>) {add = true}
        %dma_wait3A_24 = arith.constant 0 : i32
        %dma_wait3A_25 = tpu.memref_slice %arg8[%scan3A_7, %dma_wait3A_24] : memref<126x80xi32, #tpu.memory_space<vmem>> -> memref<1x80xi32, #tpu.memory_space<vmem>>
        %dma_wait3A_26 = tpu.memref_squeeze %dma_wait3A_25 : memref<1x80xi32, #tpu.memory_space<vmem>> -> memref<80xi32, #tpu.memory_space<vmem>>
        %dma_wait3A_27 = arith.constant 0 : i32
        %dma_wait3A_28 = arith.constant 0 : i32
        %dma_wait3A_29 = tpu.memref_slice %arg10[%dma_wait3A_27, %dma_wait3A_28] : memref<10240x128xf32, #tpu.memory_space<vmem_shared>> -> memref<10240x128xf32, #tpu.memory_space<vmem_shared>>
        tpu.wait_indirect_dma semaphore(%run_scoped3A : memref<!tpu.dma_semaphore, #tpu.memory_space<semaphore_mem>>) src(%arg9 : memref<80x128xf32, #tpu.memory_space<vmem>>) dst(%dma_wait3A_29 : memref<10240x128xf32, #tpu.memory_space<vmem_shared>>)
        tpu.yield
      }) : () -> ()
    }
    %scan3A_5 = arith.constant 126 : i32
    %barrier3A_6 = arith.constant 0 : index
    tpu.barrier barrier_id(%barrier3A_6)
    "tpu.region"() ({
      %run_scoped3A = tpu.sem_alloc : memref<!tpu.dma_semaphore, #tpu.memory_space<semaphore_mem>>
      %dma_start3A = arith.constant 0 : i32
      %dma_start3A_7 = tpu.memref_slice %arg6[%arg0, %mul3A_0, %dma_start3A] : memref<2x10240x128xf32, #tpu.memory_space<hbm>> -> memref<1x640x128xf32, #tpu.memory_space<hbm>>
      %dma_start3A_8 = tpu.memref_squeeze %dma_start3A_7 : memref<1x640x128xf32, #tpu.memory_space<hbm>> -> memref<640x128xf32, #tpu.memory_space<hbm>>
      %dma_start3A_9 = arith.constant 0 : i32
      %dma_start3A_10 = tpu.memref_slice %arg10[%mul3A_0, %dma_start3A_9] : memref<10240x128xf32, #tpu.memory_space<vmem_shared>> -> memref<640x128xf32, #tpu.memory_space<vmem_shared>>
      tpu.enqueue_dma source(%dma_start3A_10 : memref<640x128xf32, #tpu.memory_space<vmem_shared>>) target(%dma_start3A_8 : memref<640x128xf32, #tpu.memory_space<hbm>>) target_semaphore(%run_scoped3A : memref<!tpu.dma_semaphore, #tpu.memory_space<semaphore_mem>>)
      %dma_wait3A = arith.constant 0 : i32
      %dma_wait3A_11 = tpu.memref_slice %arg6[%arg0, %mul3A_0, %dma_wait3A] : memref<2x10240x128xf32, #tpu.memory_space<hbm>> -> memref<1x640x128xf32, #tpu.memory_space<hbm>>
      %dma_wait3A_12 = tpu.memref_squeeze %dma_wait3A_11 : memref<1x640x128xf32, #tpu.memory_space<hbm>> -> memref<640x128xf32, #tpu.memory_space<hbm>>
      %dma_wait3A_13 = arith.constant 0 : i32
      %dma_wait3A_14 = tpu.memref_slice %arg10[%mul3A_0, %dma_wait3A_13] : memref<10240x128xf32, #tpu.memory_space<vmem_shared>> -> memref<640x128xf32, #tpu.memory_space<vmem_shared>>
      tpu.wait_dma2 semaphore(%run_scoped3A : memref<!tpu.dma_semaphore, #tpu.memory_space<semaphore_mem>>) src(%dma_wait3A_14 : memref<640x128xf32, #tpu.memory_space<vmem_shared>>) dst(%dma_wait3A_12 : memref<640x128xf32, #tpu.memory_space<hbm>>)
      tpu.yield
    }) : () -> ()
    return
  }
}

module attributes {stable_mosaic.version = 14 : i64} {
  func.func @_merge_mm1_body(%arg0: memref<64xi32, #tpu.memory_space<smem>>, %arg1: memref<1xf32, #tpu.memory_space<smem>>, %arg2: memref<10000x128xf32, #tpu.memory_space<vmem>>, %arg3: memref<64x128xf32, #tpu.memory_space<vmem>>, %arg4: memref<10000x128xf32, #tpu.memory_space<vmem>>, %arg5: memref<128x128xf32, #tpu.memory_space<vmem>>, %arg6: memref<10000x128xf32, #tpu.memory_space<vmem>>, %arg7: memref<10000x128xf32, #tpu.memory_space<vmem>>) attributes {dimension_semantics = [], scalar_prefetch = 0 : i64, scratch_operands = 1 : i64, tpu.core_type = #tpu.core_type<tc>} {
    %get3A = arith.constant 0 : index
    %get3A_0 = arith.constant 0 : index
    %get3A_1 = vector.load %arg2[%get3A, %get3A_0] : memref<10000x128xf32, #tpu.memory_space<vmem>>, vector<10000x128xf32>
    %swap3A = arith.constant 0 : index
    %swap3A_2 = arith.constant 0 : index
    %swap3A_3 = vector.load %arg7[%swap3A, %swap3A_2] : memref<10000x128xf32, #tpu.memory_space<vmem>>, vector<10000x128xf32>
    tpu.vector_store %arg7[%swap3A, %swap3A_2], %get3A_1 {strides = array<i32>} : memref<10000x128xf32, #tpu.memory_space<vmem>>, vector<10000x128xf32>,
    %scan3A = arith.constant 0 : i32
    %scan3A_4 = arith.constant 64 : i32
    %scan3A_5 = arith.addi %scan3A, %scan3A_4 : i32
    %scan3A_6 = arith.constant 1 : i32
    scf.for %scan3A_26 = %scan3A to %scan3A_5 step %scan3A_6  : i32 {
      %get3A_27 = arith.index_cast %scan3A_26 : i32 to index
      %get3A_28 = memref.load %arg0[%get3A_27] : memref<64xi32, #tpu.memory_space<smem>>
      %get3A_29 = arith.index_cast %get3A_28 : i32 to index
      %get3A_30 = arith.constant 0 : index
      %get3A_31 = vector.load %arg7[%get3A_29, %get3A_30] : memref<10000x128xf32, #tpu.memory_space<vmem>>, vector<1x128xf32>
      %get3A_32 = arith.index_cast %scan3A_26 : i32 to index
      %get3A_33 = arith.constant 0 : index
      %get3A_34 = vector.load %arg3[%get3A_32, %get3A_33] : memref<64x128xf32, #tpu.memory_space<vmem>>, vector<1x128xf32>
      %add3A_35 = arith.addf %get3A_31, %get3A_34 : vector<1x128xf32>
      %swap3A_36 = arith.index_cast %get3A_28 : i32 to index
      %swap3A_37 = arith.constant 0 : index
      %swap3A_38 = vector.load %arg7[%swap3A_36, %swap3A_37] : memref<10000x128xf32, #tpu.memory_space<vmem>>, vector<1x128xf32>
      tpu.vector_store %arg7[%swap3A_36, %swap3A_37], %add3A_35 {strides = array<i32>} : memref<10000x128xf32, #tpu.memory_space<vmem>>, vector<1x128xf32>,
    }
    %scan3A_7 = arith.constant 64 : i32
    %get3A_8 = arith.constant 0 : index
    %get3A_9 = arith.constant 0 : index
    %get3A_10 = vector.load %arg7[%get3A_8, %get3A_9] : memref<10000x128xf32, #tpu.memory_space<vmem>>, vector<10000x128xf32>
    %get3A_11 = arith.constant 0 : index
    %get3A_12 = memref.load %arg1[%get3A_11] : memref<1xf32, #tpu.memory_space<smem>>
    %add3A = arith.constant 1.000000e+00 : f32
    %add3A_13 = arith.addf %add3A, %get3A_12 : f32
    %get3A_14 = arith.constant 0 : index
    %get3A_15 = arith.constant 0 : index
    %get3A_16 = vector.load %arg4[%get3A_14, %get3A_15] : memref<10000x128xf32, #tpu.memory_space<vmem>>, vector<10000x128xf32>
    %mul3A = vector.broadcast %add3A_13 : f32 to vector<10000x128xf32>
    %mul3A_17 = arith.mulf %mul3A, %get3A_16 : vector<10000x128xf32>
    %add3A_18 = arith.addf %get3A_10, %mul3A_17 : vector<10000x128xf32>
    %get3A_19 = arith.constant 0 : index
    %get3A_20 = arith.constant 0 : index
    %get3A_21 = vector.load %arg5[%get3A_19, %get3A_20] : memref<128x128xf32, #tpu.memory_space<vmem>>, vector<128x128xf32>
    %dot_general3A = arith.constant dense<0.000000e+00> : vector<10000x128xf32>
    %dot_general3A_22 = tpu.matmul %add3A_18, %get3A_21, %dot_general3A {dimension_numbers = #tpu.dot_dimension_numbers<[1], [0], [0], [1], [0, 0, 1, 1], [], []>, transpose_lhs_hint = false} : vector<10000x128xf32>, vector<128x128xf32>, vector<10000x128xf32> -> vector<10000x128xf32>
    %swap3A_23 = arith.constant 0 : index
    %swap3A_24 = arith.constant 0 : index
    %swap3A_25 = vector.load %arg6[%swap3A_23, %swap3A_24] : memref<10000x128xf32, #tpu.memory_space<vmem>>, vector<10000x128xf32>
    tpu.vector_store %arg6[%swap3A_23, %swap3A_24], %dot_general3A_22 {strides = array<i32>} : memref<10000x128xf32, #tpu.memory_space<vmem>>, vector<10000x128xf32>,
    return
  }
}

</mosaic_0001>

<sc_bundles>
// kernel: gather_offload_async_start.1
scs
__scs_entry_jumppad:
0x0: {  	(pc) =	sbr.rel $0x88, $3  }
0x1: {  	(tag) =	ssettag $0x0;
	lr =	simm.s32 $0x1  }
0x2: {  	[smem:$0x3F98] =	sst lr;
	_ =	strace $0xD0000000  }
0x3: {  	_ = 	snop  }
0x4: {  	_ = 	snop  }
0x5: {  	_ = 	snop  }
0x6: {  	_ = 	snop  }
0x7: {  	_ = 	snop  }
__scs_overlays_trampoline_lowered:
0x8: {  	[smem:$0x3FA7] =	sst s0  }
0x9: {  	[smem:$0x3FA8] =	sst s1  }
0xa: {  	[smem:$0x3FA9] =	sst s2  }
0xb: {  	[smem:$0x3FAA] =	sst s3  }
0xc: {  	[smem:$0x3FAB] =	sst s4  }
0xd: {  	[smem:$0x3FAC] =	sst s5  }
0xe: {  	[smem:$0x3FAD] =	sst s6  }
0xf: {  	[smem:$0x3FAE] =	sst s7  }
0x10: {  	[smem:$0x3FAF] =	sst s8  }
0x11: {  	[smem:$0x3FB0] =	sst s9;
	s0 =	simm.s32 @!p0 $0x0  }
0x12: {  	s1 =	sld [smem:$0x3F96];
	s0 =	simm.s32 @p0 $0x1  }
0x13: {  	[smem:$0x3FB1] =	sst s0;
	s0 =	simm.s32 @!p1 $0x0  }
0x14: {  	s2 =	sld [smem:$0x3F95];
	s0 =	simm.s32 @p1 $0x1  }
0x15: {  	[smem:$0x3FB2] =	sst s0;
	s0 =	simm.s32 @!p2 $0x0  }
0x16: {  	s3 =	sld [smem:$0x3FDB];
	s0 =	simm.s32 @p2 $0x1  }
0x17: {  	s4 =	simm.s32 $0x1BF5;
	[smem:$0x3FB4] =	sst s0  }
0x18: {  	s0 =	sld [smem:$0x3F97];
	_ =	swait.ge [sflag:s4], $0x0  }
0x19: {  	s7 =	sld [smem:$0x3F98]  }
0x1a: {  	s8 =	sadd.s32 $0xFFFFE003, lr  }
0x1b: {  	s9 =	sadd.s32 $0xFFFFFEF7, lr;
	s5 =	simm.s32 $0xFFFFFFFF;
	p2 =	slt.u32 s8, $0xFFFFF086  }
0x1c: {  	p1 =	slt.u32 s9, $0xF7A;
	s5 =	simm.s32 @!p2 $0x0  }
0x1d: {  	s5 =	simm.s32 @p1 $0x1;
	p0 =	seq.s32 s7, s2  }
0x1e: {  	s7 =	smul.u32 @!p0 $0xF7A, s2;
	p2 =	seq.s32 @!p0 s5, $0x0  }
0x1f: {  	s9 =	smul.u32 $0xF7A, s1;
	s8 =	simm.s32 @!p0 $0x1BF5;
	p2 =	por !p2, p0  }
0x20: {  	[sflag:s8] =	ssyncset.s32 @!p0 $0xFFFFF086;
	s6 =	sadd.s32 @!p0 s3, s7;
	s7 =	simm.s32 @!p0 $0x108  }
0x21: {  	s3 =	sadd.s32 s3, s9;
	s6 =	sadd.s32 @!p0 $0x88, s6;
	s7 =	simm.s32 @p2 $0x1082  }
0x22: {  	[simem:s7], [sflag:s8] =	dma.local @!p0 [hbm:s6], $0xF7A  }
0x23: {  	s9 =	sor.u32 $0xD0000000, s2;
	s6 =	simm.s32 $0x108;
	_ =	swait.ge @!p0 [sflag:s8], $0x0  }
0x24: {  	s3 =	sadd.s32 $0x88, s3;
	s6 =	simm.s32 @!p1 $0x1082;
	[sflag:s4] =	ssyncset.s32 $0xFFFFF086  }
0x25: {  	[simem:s6], [sflag:s4] =	dma.local [hbm:s3], $0xF7A  }
0x26: {  	[smem:$0x3F98] =	sst s1;
	(tag) =	ssettag s2;
	_ =	strace s9  }
0x27: {  	s1 =	sld [smem:$0x3FA8]  }
0x28: {  	s2 =	sld [smem:$0x3FA9]  }
0x29: {  	s4 =	sld [smem:$0x3FAB]  }
0x2a: {  	p0 =	seq.s32 s5, $0x0;
	s5 =	sld [smem:$0x3FAC]  }
0x2b: {  	s6 =	sld [smem:$0x3FAD]  }
0x2c: {  	s7 =	sld [smem:$0x3FAE]  }
0x2d: {  	s3 =	simm.s32 $0x108;
	s8 =	sld [smem:$0x3FAF]  }
0x2e: {  	s3 =	simm.s32 @!p0 $0x1082;
	s9 =	sld [smem:$0x3FB0]  }
0x2f: {  	lr =	sadd.s32 s0, s3;
	s0 =	sld [smem:$0x3FA7]  }
0x30: {  	s3 =	sld [smem:$0x3FAA]  }
0x31: {  	[smem:$0x3FB3] =	sst s10  }
0x32: {  	s10 =	sld [smem:$0x3FB1];
	_ =	sdelay $0x3  }
0x33: {  	p0 =	seq.s32 s10, $0x1;
	s10 =	sld [smem:$0x3FB3];
	_ =	sdelay $0x3  }
0x34: {  	[smem:$0x3FB3] =	sst s10  }
0x35: {  	s10 =	sld [smem:$0x3FB2];
	_ =	sdelay $0x3  }
0x36: {  	p1 =	seq.s32 s10, $0x1;
	s10 =	sld [smem:$0x3FB3];
	_ =	sdelay $0x3  }
0x37: {  	[smem:$0x3FB3] =	sst s10  }
0x38: {  	s10 =	sld [smem:$0x3FB4]  }
0x39: {  	_ = 	snop;
	(pc) =	sbr.ind lr, $3  }
0x3a: {  	_ = 	snop  }
0x3b: {  	_ = 	snop  }
0x3c: {  	p2 =	seq.s32 s10, $0x1;
	s10 =	sld [smem:$0x3FB3]  }
0x3d: {  	_ =	shalt  }
0x3e: {  	_ =	shalt  }
0x3f: {  	_ =	shalt  }
0x40: {  	_ =	shalt  }
0x41: {  	_ =	shalt  }
0x42: {  	_ =	shalt  }
0x43: {  	_ =	shalt  }
0x44: {  	_ =	shalt  }
0x45: {  	_ =	shalt  }
0x46: {  	_ =	shalt  }
0x47: {  	_ =	shalt  }
0x48: {  	_ =	shalt  }
0x49: {  	_ =	shalt  }
0x4a: {  	_ =	shalt  }
0x4b: {  	_ =	shalt  }
0x4c: {  	_ =	shalt  }
0x4d: {  	_ =	shalt  }
0x4e: {  	_ =	shalt  }
0x4f: {  	_ =	shalt  }
0x50: {  	_ =	shalt  }
0x51: {  	_ =	shalt  }
0x52: {  	_ =	shalt  }
0x53: {  	_ =	shalt  }
0x54: {  	_ =	shalt  }
0x55: {  	_ =	shalt  }
0x56: {  	_ =	shalt  }
0x57: {  	_ =	shalt  }
0x58: {  	_ =	shalt  }
0x59: {  	_ =	shalt  }
0x5a: {  	_ =	shalt  }
0x5b: {  	_ =	shalt  }
0x5c: {  	_ =	shalt  }
0x5d: {  	_ =	shalt  }
0x5e: {  	_ =	shalt  }
0x5f: {  	_ =	shalt  }
0x60: {  	_ =	shalt  }
0x61: {  	_ =	shalt  }
0x62: {  	_ =	shalt  }
0x63: {  	_ =	shalt  }
0x64: {  	_ =	shalt  }
0x65: {  	_ =	shalt  }
0x66: {  	_ =	shalt  }
0x67: {  	_ =	shalt  }
0x68: {  	_ =	shalt  }
0x69: {  	_ =	shalt  }
0x6a: {  	_ =	shalt  }
0x6b: {  	_ =	shalt  }
0x6c: {  	_ =	shalt  }
0x6d: {  	_ =	shalt  }
0x6e: {  	_ =	shalt  }
0x6f: {  	_ =	shalt  }
0x70: {  	_ =	shalt  }
0x71: {  	_ =	shalt  }
0x72: {  	_ =	shalt  }
0x73: {  	_ =	shalt  }
0x74: {  	_ =	shalt  }
0x75: {  	_ =	shalt  }
0x76: {  	_ =	shalt  }
0x77: {  	_ =	shalt  }
0x78: {  	_ =	shalt  }
0x79: {  	_ =	shalt  }
0x7a: {  	_ =	shalt  }
0x7b: {  	_ =	shalt  }
0x7c: {  	_ =	shalt  }
0x7d: {  	_ =	shalt  }
0x7e: {  	_ =	shalt  }
0x7f: {  	_ =	shalt  }
0x80: {  	_ =	shalt  }
0x81: {  	_ =	shalt  }
0x82: {  	_ =	shalt  }
0x83: {  	_ =	shalt  }
0x84: {  	_ =	shalt  }
0x85: {  	_ =	shalt  }
0x86: {  	_ =	shalt  }
0x87: {  	_ =	shalt  }
.Lfunc_end0:
.L_simem_size_0:
called_computation.1_lowered:
.L_overlay_start_0:
0x88: {  	s2 =	sld [smem:$0x3FD9]  }
0x89: {  	s3 =	sld [smem:$0x3FFE];
	_ =	sdelay $0x1  }
0x8a: {  	s1 =	srdreg.scid  }
0x8b: {  	s0 =	sand.u32 $0x1, s1  }
0x8c: {  	s16 =	sshll.u32 s0, $0xA;
	s2 =	sadd.s32 s3, s2  }
0x8d: {  	s2 =	sadd.s32 s2, s16  }
0x8e: {  	[smem:$0x3FBF] =	sst s2  }
0x8f: {  	_ = 	snop  }
0x90: {  	(tm) =	ssettm $0x1  }
0x91: {  	s17 =	sld [smem:$0x3FFB];
	_ =	sdelay $0x3  }
0x92: {  	_ =	strace s17  }
0x93: {  	s2 =	sld [smem:$0x3FFC];
	_ =	sdelay $0x3  }
0x94: {  	_ =	strace s2  }
0x95: {  	s2 =	sld [smem:$0x3FFD];
	_ =	sdelay $0x3  }
0x96: {  	_ =	strace s2  }
0x97: {  	_ =	strace $0x8FFFFFFF  }
0x98: {  	s18 =	sld [smem:$0x3FDB];
	_ =	sdelay $0x1  }
0x99: {  	s19 =	simm.s32 $_scs_section_size  }
0x9a: {  	s4 =	simm.s32 $_size__tile_overlayer_lowered;
	s5 =	simm.s32 $_tile_overlayer_lowered  }
0x9b: {  	s22 =	simm.s32 $0x1BFF;
	s21 =	sshll.u32 s5, $0x1;
	s2 =	sadd.s32 s19, s18  }
0x9c: {  	s6 =	simm.s32 $0x0;
	s20 =	sshll.u32 s4, $0x1;
	s4 =	sadd.s32 s21, s2  }
0x9d: {  	[timem:s6], [sflag:s22] =	dma.local [hbm:s4], s20  }
0x9e: {  	_ =	swait.ge [sflag:s22], s20  }
0x9f: {  	s3 =	ssub.s32 $0x0, s20;
	[sflag:s22] =	ssyncset.done $0x0  }
0xa0: {  	[sflag:s22] =	ssyncadd.s32 s3;
	_ =	sdelay $0x1  }
0xa1: {  	s23 =	simm.s32 $0x1B8B  }
0xa2: {  	_ =	swait.ge [sflag:s23], $0x1  }
0xa3: {  	[sflag:s23] =	ssyncset.done $0x0  }
0xa4: {  	s25 =	simm.s32 $0x1B8E;
	s24 =	sld [smem:$0x3FFE];
	[sflag:s23] =	ssyncadd.s32 $0xFFFFFFFF  }
0xa5: {  	s26 =	simm.s32 $execute0_lowered;
	[smem:$0x3FD2] =	sst s25  }
0xa6: {  	s4 =	sshll.u32 s26, $0x1;
	_ =	strace $0x80000046;
	[dreg:$0x1] =	wrdreg $0xFFFFFFFF  }
0xa7: {  	s28 =	simm.s32 $_size_execute0_lowered;
	s2 =	sadd.s32 s2, s4;
	[dreg:$0x0] =	wrdreg $0x0  }
0xa8: {  	s4 =	sshll.u32 s28, $0x1;
	[dreg:$0x2] =	wrdreg s2  }
0xa9: {  	[dreg:$0x3] =	wrdreg s4  }
0xaa: {  	[dreg:$0x4] =	wrdreg $0xC0  }
0xab: {  	_ =	task [dreg:s6], $0x5FFFF  }
0xac: {  	[dreg:$0x1] =	wrdreg $0xFFFFFFFF  }
0xad: {  	[dreg:$0x0] =	wrdreg $0x60  }
0xae: {  	[dreg:$0x2] =	wrdreg s24  }
0xaf: {  	[dreg:$0x3] =	wrdreg $0x9  }
0xb0: {  	_ =	task.clear_ibuf [dreg:s6], $0x4FFFF;
	_ =	strace $0x90000046  }
0xb1: {  	s29 =	simm.s32 $0x9;
	_ =	strace $0x80000048  }
0xb2: {  	_ =	swait.ge [sflag:s29], $0x1  }
0xb3: {  	[sflag:s29] =	ssyncadd.s32 $0xFFFFFFFF  }
0xb4: {  	_ =	strace $0x90000048  }
0xb5: {  	_ =	sfence  }
0xb6: {  	s30 =	sld [smem:$0x0];
	_ =	sdelay $0x2  }
0xb7: {  	s31 =	sshll.u32 s1, $0xD;
	s1 =	sshrl.u32 s1, $0x2  }
0xb8: {  	s3 =	sand.u32 $0x4000, s31;
	s1 =	sadd.s32 s1, s30  }
0xb9: {  	s0 =	sor.u32 s3, s0;
	s1 =	sshll.u32 s1, $0x11  }
0xba: {  	s0 =	sor.u32 s1, s0  }
0xbb: {  	s0 =	sadd.s32 $0x8F2B, s0  }
0xbc: {  	[sflag:s0] =	ssyncadd.remote.s32 $0x1  }
0xbd: {  	_ =	sfence.sel $0xFFFF  }
0xbe: {  	[dreg:$0x0] =	wrdreg $0xFFFFFFFF;
	(pc) =	sbr.abs _section_cstart, $3  }
0xbf: {  	[dreg:$0x1] =	wrdreg $0xFFFFFFFF  }
0xc0: {  	_ =	task.clear_ibuf [dreg:s6], $0x2FFFF;
	_ =	strace $0x9FFFFFFF  }
0xc1: {  	(tm) =	ssettm $0x7FFFFFFF  }
tec
execute0_lowered:
.L_overlay_start_1:
0x0: {  	(tag) =	ssettag $0x1  }
0x1: {  	s8 =	rddreg [dreg:$0x0]  }
0x2: {  	s0 =	rddreg [dreg:$0x1];
	_ =	strace $0x80000047;
	s1 =	stileid.u32  }
0x3: {  	s3 =	srdreg.scid;
	s4 =	simm.s32 $0x1;
	s7 =	simm.s32 $0x1  }
0x4: {  	s9 =	simm.s32 $0x1;
	s10 =	simm.s32 $0x3;
	s13 =	simm.s32 $0x0  }
0x5: {  	s12 =	simm.s32 $0x0;
	s5 =	sand.u32 $0x1, s3;
	s6 =	sshll.u32 s1, $0x1  }
0x6: {  	s2 =	sadd.s32 $0x12E00, s8;
	s3 =	sadd.s32 $0x1CC00, s8;
	s5 =	sor.u32 s6, s5  }
.Ltmp0:
0x7: {  	[sflag:s4] =	ssyncpa.u1 $0x0;
	p0 =	slt.u32 s5, $0x9;
	(pc) =	sbr.rel .LBB2_1-.Ltmp0, $4  }
0x8: {  	s6 =	simm.s32 $0x2;
	s7 =	simm.s32 @!p0 $0x0;
	p0 =	sne.s32 s5, $0x8  }
0x9: {  	[sflag:s6] =	ssyncpa.u1 $0x0;
	s5 =	smul.u32 $0x1F40, s5;
	s9 =	simm.s32 @!p0 $0x0  }
0xa: {  	s8 =	sadd.s32 $0x26A00, s8;
	[sflag:s10] =	ssyncpa.u1 $0x0;
	s7 =	sadd.s32 s9, s7  }
0xb: {  	vm0 =	vmmov $0xffff;
	s10 =	simm.s32 $0x0;
	s11 =	smov.u32 s5;
	s9 =	sadd.s32 $0x1, s7  }
.LBB2_4:
0xc: {  	v2 =	vnsel vm1, $0x0, v2  }
0xd: {  	vm1 =	vgt.s32 v0, $0x0;
	v2 =	vmin.u32 v2, $0x4E1FF  }
0xe: {  	v0 =	vnsel vm1, $0x0, v0  }
0xf: {  	v0 =	vmin.u32 v0, $0x4E1FF  }
0x10: {  	[tilespmem:s18], [sflag:$0x1] =	stream.indirect_vreg.gather [hbm4b:s2+s10], $0x1, v1, vm0, $0x4038;
	[tilespmem:$0x7D00] =	vst v63  }
0x11: {  	(ifvalue) =	ssetifvalue $0x7FFFFFFF  }
0x12: {  	[tilespmem:s15], [sflag:$0x1] =	stream.indirect_vreg.gather [hbm4b:s2+s10], $0x1, v2, vm0, $0x4038;
	[tilespmem:$0x7D00] =	vst v63  }
0x13: {  	s29 =	sadd.s32 $0x10, s15;
	(ifvalue) =	ssetifvalue $0x7FFFFFFF  }
0x14: {  	[tilespmem:s29], [sflag:$0x1] =	stream.indirect_vreg.gather [hbm4b:s2+s10], $0x1, v0, vm0, $0x4038;
	[tilespmem:$0x7D00] =	vst v63  }
0x15: {  	_ =	swait.ge [sflag:s4], $0x1F40  }
0x16: {  	s30 =	sshrl.u32 s13, $0x3;
	[sflag:s4] =	ssyncset.done $0x0  }
0x17: {  	s31 =	sand.u32 $0x7, s13;
	s15 =	sadd.s32 s8, s30;
	[sflag:s4] =	ssyncadd.s32 $0xFFFFE0C0  }
0x18: {  	[hbm4b:s15+s31] =	stream.linear.scatter [tilespmem:s14], [sflag:$0x3], $0x1F40, $0x38;
	[tilespmem:$0x7D00] =	vst v63  }
.LBB2_5:
0x19: {  	s15 =	sadd.s32 $0x3E800, s11  }
0x1a: {  	p1 =	sgt.s32 s15, $0x4E1FF  }
0x1b: {  	s15 =	smov.u32 @p1 s5;
	p1 =	sne.s32 s12, s9  }
.Ltmp1:
0x1c: {  	p0 =	slt.u32 s12, $0x2;
	(pc) =	sbr.rel @!p1 .LBB2_6-.Ltmp1, $4  }
0x1d: {  	s14 =	simm.s32 @!p0 $0x3  }
0x1e: {  	_ =	swait.ge @!p0 [sflag:s14], $0x1F40  }
0x1f: {  	s16 =	sadd.s32 $0x1, s12;
	s13 =	smov.u32 s11;
	[sflag:s14] =	ssyncset.done @!p0 $0x0  }
0x20: {  	s12 =	smov.u32 s16;
	s11 =	smov.u32 s15;
	[sflag:s14] =	ssyncadd.s32 @!p0 $0xFFFFE0C0  }
.LBB2_1:
0x21: {  	p0 =	sge.u32 s12, s7  }
0x22: {  	s14 =	sxor.u32 @!p0 $0x1, s12  }
0x23: {  	s14 =	smul.u32 @!p0 $0x7D00, s14  }
0x24: {  	s31 =	sadd.s32 $0xFFFFFFFF, s12;
	s15 =	sshrl.u32 @!p0 s11, $0x3  }
0x25: {  	s16 =	sand.u32 @!p0 $0x7, s11;
	s15 =	sadd.s32 @!p0 s3, s15;
	s14 =	sshra.s32 @!p0 s14, $0x2  }
0x26: {  	[tilespmem:s14], [sflag:$0x2] =	stream.linear.gather @!p0 [hbm4b:s15+s16], $0x1F40, $0x38;
	[tilespmem:$0x7D00] =	vst v63  }
0x27: {  	p0 =	sge.u32 s31, s7  }
.Ltmp2:
0x28: {  	_ = 	snop;
	(pc) =	sbr.rel @p0 .LBB2_5-.Ltmp2, $1  }
0x29: {  	_ =	sdelay $0x3  }
0x2a: {  	s14 =	sand.u32 $0x1, s12  }
0x2b: {  	_ =	swait.ge [sflag:s6], $0x1F40;
	p0 =	seq.s32 s14, $0x1;
	s14 =	simm.s32 $0x1F40  }
0x2c: {  	[sflag:s6] =	ssyncset.done $0x0;
	s14 =	simm.s32 @!p0 $0x0  }
0x2d: {  	[sflag:s6] =	ssyncadd.s32 $0xFFFFE0C0;
	(ifvalue) =	ssetifvalue $0x7FFFFFFF;
	v0 =	vld.msk [tilespmem:s14+$0x0 ss:$0x1], $0xffff;
	_ =	sdelay $0x4  }
0x2e: {  	s15 =	sadd.s32 $0x10, s14;
	vm1 =	vgt.s32 v0, $0x0  }
0x2f: {  	v2 =	vld.msk [tilespmem:s15+$0x0 ss:$0x1], $0xffff;
	v1 =	vnsel vm1, $0x0, v0  }
0x30: {  	v1 =	vmin.u32 v1, $0x4E1FF;
	_ =	sdelay $0x2  }
0x31: {  	s17 =	simm.s32 $0x20;
	s14 =	sadd.s32 $0x3E80, s14;
	s16 =	sadd.s32 $0x10, s15  }
0x32: {  	s15 =	sadd.s32 $0x10, s14;
	s18 =	smov.u32 s14;
	v0 =	vld.msk [tilespmem:s16+$0x0 ss:$0x1], $0xffff;
	vm1 =	vgt.s32 v2, $0x0;
	(ifvalue) =	ssetifvalue $0x7FFFFFFF  }
.LBB2_3:
0x33: {  	[tilespmem:s18], [sflag:$0x1] =	stream.indirect_vreg.gather [hbm4b:s2+s10], $0x1, v1, vm0, $0x4038;
	[tilespmem:$0x7D00] =	vst v63  }
0x34: {  	s17 =	sadd.s32 $0x10, s17  }
0x35: {  	v2 =	vnsel vm1, $0x0, v2;
	p0 =	slt.u32 s17, $0x1F30  }
.Ltmp3:
0x36: {  	s18 =	smov.u32 s15;
	v1 =	vmin.u32 v2, $0x4E1FF;
	(pc) =	sbr.rel @p0 .LBB2_3-.Ltmp3, $3  }
0x37: {  	_ =	sdelay $0x1  }
0x38: {  	s16 =	sadd.s32 $0x10, s16  }
0x39: {  	vm1 =	vgt.s32 v0, $0x0;
	s15 =	sadd.s32 $0x10, s15;
	v2 =	vmov v0;
	(ifvalue) =	ssetifvalue $0x7FFFFFFF;
	v0 =	vld.msk [tilespmem:s16+$0x0 ss:$0x1], $0xffff  }
.Ltmp4:
0x3a: {  	_ = 	snop;
	(pc) =	sbr.rel .LBB2_4-.Ltmp4, $1  }
0x3b: {  	_ =	sdelay $0x3  }
.LBB2_6:
0x3c: {  	_ =	sfence.sel $0x180000  }
0x3d: {  	s2 =	simm.s32 $0x2;
	[bflag:$0x0] =	sbarrier.arrive $0xFFFF  }
0x3e: {  	s30 =	simm.s32 $0x3;
	[sflag:s2] =	ssyncpa.u1 $0x1  }
0x3f: {  	s31 =	simm.s32 $0x1;
	[sflag:s30] =	ssyncpa.u1 $0x1  }
0x40: {  	[sflag:s31] =	ssyncpa.u1 $0x1  }
0x41: {  	p0 =	sne.s32 s1, $0x0;
	_ =	strace $0x90000047  }
0x42: {  	s0 =	sadd.s32 @!p0 $0x100000, s0;
	[bflag:$0x2] =	sbarrier.arrive $0xFFFF  }
0x43: {  	[sflag:s0] =	ssyncadd.tile.s32 @!p0 $0x1;
	_ =	shalt  }
.Lfunc_end2:
_tile_overlayer_lowered:
.L_overlay_start_2:
0x44: {  	(tag) =	ssettag $0x2  }
0x45: {  	s0 =	rddreg [dreg:$0x0];
	s2 =	stileid.u32  }
0x46: {  	s1 =	rddreg [dreg:$0x1];
	p0 =	sne.s32 s2, $0x0  }
0x47: {  	s3 =	rddreg [dreg:$0x2];
	[bflag:$0x3] =	sbarrier.arrive $0xFFFF;
	s2 =	simm.s32 @!p0 $0x1C01  }
0x48: {  	[timem:s3], [sflag:s2] =	dma.local @!p0 [hbm:s0], s1  }
0x49: {  	s0 =	simm.s32 @!p0 $0x1  }
0x4a: {  	_ =	swait.ge @!p0 [sflag:s0], s1  }
0x4b: {  	s1 =	ssub.s32 @!p0 $0x0, s1;
	[sflag:s0] =	ssyncset.done @!p0 $0x0  }
0x4c: {  	[sflag:s0] =	ssyncadd.s32 @!p0 s1  }
0x4d: {  	[bflag:$0x3] =	sbarrier.arrive $0xFFFF  }
0x4e: {  	_ =	shalt  }

// kernel: gather_offload_async_start.2
scs
__scs_entry_jumppad:
0x0: {  	(pc) =	sbr.rel $0x88, $3  }
0x1: {  	(tag) =	ssettag $0x0;
	lr =	simm.s32 $0x1  }
0x2: {  	[smem:$0x3F98] =	sst lr;
	_ =	strace $0xD0000000  }
0x3: {  	_ = 	snop  }
0x4: {  	_ = 	snop  }
0x5: {  	_ = 	snop  }
0x6: {  	_ = 	snop  }
0x7: {  	_ = 	snop  }
__scs_overlays_trampoline_lowered:
0x8: {  	[smem:$0x3FA7] =	sst s0  }
0x9: {  	[smem:$0x3FA8] =	sst s1  }
0xa: {  	[smem:$0x3FA9] =	sst s2  }
0xb: {  	[smem:$0x3FAA] =	sst s3  }
0xc: {  	[smem:$0x3FAB] =	sst s4  }
0xd: {  	[smem:$0x3FAC] =	sst s5  }
0xe: {  	[smem:$0x3FAD] =	sst s6  }
0xf: {  	[smem:$0x3FAE] =	sst s7  }
0x10: {  	[smem:$0x3FAF] =	sst s8  }
0x11: {  	[smem:$0x3FB0] =	sst s9;
	s0 =	simm.s32 @!p0 $0x0  }
0x12: {  	s1 =	sld [smem:$0x3F96];
	s0 =	simm.s32 @p0 $0x1  }
0x13: {  	[smem:$0x3FB1] =	sst s0;
	s0 =	simm.s32 @!p1 $0x0  }
0x14: {  	s2 =	sld [smem:$0x3F95];
	s0 =	simm.s32 @p1 $0x1  }
0x15: {  	[smem:$0x3FB2] =	sst s0;
	s0 =	simm.s32 @!p2 $0x0  }
0x16: {  	s3 =	sld [smem:$0x3FDB];
	s0 =	simm.s32 @p2 $0x1  }
0x17: {  	s4 =	simm.s32 $0x1BF5;
	[smem:$0x3FB4] =	sst s0  }
0x18: {  	s0 =	sld [smem:$0x3F97];
	_ =	swait.ge [sflag:s4], $0x0  }
0x19: {  	s7 =	sld [smem:$0x3F98]  }
0x1a: {  	s8 =	sadd.s32 $0xFFFFE003, lr  }
0x1b: {  	s9 =	sadd.s32 $0xFFFFFEF7, lr;
	s5 =	simm.s32 $0xFFFFFFFF;
	p2 =	slt.u32 s8, $0xFFFFF086  }
0x1c: {  	p1 =	slt.u32 s9, $0xF7A;
	s5 =	simm.s32 @!p2 $0x0  }
0x1d: {  	s5 =	simm.s32 @p1 $0x1;
	p0 =	seq.s32 s7, s2  }
0x1e: {  	s7 =	smul.u32 @!p0 $0xF7A, s2;
	p2 =	seq.s32 @!p0 s5, $0x0  }
0x1f: {  	s9 =	smul.u32 $0xF7A, s1;
	s8 =	simm.s32 @!p0 $0x1BF5;
	p2 =	por !p2, p0  }
0x20: {  	[sflag:s8] =	ssyncset.s32 @!p0 $0xFFFFF086;
	s6 =	sadd.s32 @!p0 s3, s7;
	s7 =	simm.s32 @!p0 $0x108  }
0x21: {  	s3 =	sadd.s32 s3, s9;
	s6 =	sadd.s32 @!p0 $0x88, s6;
	s7 =	simm.s32 @p2 $0x1082  }
0x22: {  	[simem:s7], [sflag:s8] =	dma.local @!p0 [hbm:s6], $0xF7A  }
0x23: {  	s9 =	sor.u32 $0xD0000000, s2;
	s6 =	simm.s32 $0x108;
	_ =	swait.ge @!p0 [sflag:s8], $0x0  }
0x24: {  	s3 =	sadd.s32 $0x88, s3;
	s6 =	simm.s32 @!p1 $0x1082;
	[sflag:s4] =	ssyncset.s32 $0xFFFFF086  }
0x25: {  	[simem:s6], [sflag:s4] =	dma.local [hbm:s3], $0xF7A  }
0x26: {  	[smem:$0x3F98] =	sst s1;
	(tag) =	ssettag s2;
	_ =	strace s9  }
0x27: {  	s1 =	sld [smem:$0x3FA8]  }
0x28: {  	s2 =	sld [smem:$0x3FA9]  }
0x29: {  	s4 =	sld [smem:$0x3FAB]  }
0x2a: {  	p0 =	seq.s32 s5, $0x0;
	s5 =	sld [smem:$0x3FAC]  }
0x2b: {  	s6 =	sld [smem:$0x3FAD]  }
0x2c: {  	s7 =	sld [smem:$0x3FAE]  }
0x2d: {  	s3 =	simm.s32 $0x108;
	s8 =	sld [smem:$0x3FAF]  }
0x2e: {  	s3 =	simm.s32 @!p0 $0x1082;
	s9 =	sld [smem:$0x3FB0]  }
0x2f: {  	lr =	sadd.s32 s0, s3;
	s0 =	sld [smem:$0x3FA7]  }
0x30: {  	s3 =	sld [smem:$0x3FAA]  }
0x31: {  	[smem:$0x3FB3] =	sst s10  }
0x32: {  	s10 =	sld [smem:$0x3FB1];
	_ =	sdelay $0x3  }
0x33: {  	p0 =	seq.s32 s10, $0x1;
	s10 =	sld [smem:$0x3FB3];
	_ =	sdelay $0x3  }
0x34: {  	[smem:$0x3FB3] =	sst s10  }
0x35: {  	s10 =	sld [smem:$0x3FB2];
	_ =	sdelay $0x3  }
0x36: {  	p1 =	seq.s32 s10, $0x1;
	s10 =	sld [smem:$0x3FB3];
	_ =	sdelay $0x3  }
0x37: {  	[smem:$0x3FB3] =	sst s10  }
0x38: {  	s10 =	sld [smem:$0x3FB4]  }
0x39: {  	_ = 	snop;
	(pc) =	sbr.ind lr, $3  }
0x3a: {  	_ = 	snop  }
0x3b: {  	_ = 	snop  }
0x3c: {  	p2 =	seq.s32 s10, $0x1;
	s10 =	sld [smem:$0x3FB3]  }
0x3d: {  	_ =	shalt  }
0x3e: {  	_ =	shalt  }
0x3f: {  	_ =	shalt  }
0x40: {  	_ =	shalt  }
0x41: {  	_ =	shalt  }
0x42: {  	_ =	shalt  }
0x43: {  	_ =	shalt  }
0x44: {  	_ =	shalt  }
0x45: {  	_ =	shalt  }
0x46: {  	_ =	shalt  }
0x47: {  	_ =	shalt  }
0x48: {  	_ =	shalt  }
0x49: {  	_ =	shalt  }
0x4a: {  	_ =	shalt  }
0x4b: {  	_ =	shalt  }
0x4c: {  	_ =	shalt  }
0x4d: {  	_ =	shalt  }
0x4e: {  	_ =	shalt  }
0x4f: {  	_ =	shalt  }
0x50: {  	_ =	shalt  }
0x51: {  	_ =	shalt  }
0x52: {  	_ =	shalt  }
0x53: {  	_ =	shalt  }
0x54: {  	_ =	shalt  }
0x55: {  	_ =	shalt  }
0x56: {  	_ =	shalt  }
0x57: {  	_ =	shalt  }
0x58: {  	_ =	shalt  }
0x59: {  	_ =	shalt  }
0x5a: {  	_ =	shalt  }
0x5b: {  	_ =	shalt  }
0x5c: {  	_ =	shalt  }
0x5d: {  	_ =	shalt  }
0x5e: {  	_ =	shalt  }
0x5f: {  	_ =	shalt  }
0x60: {  	_ =	shalt  }
0x61: {  	_ =	shalt  }
0x62: {  	_ =	shalt  }
0x63: {  	_ =	shalt  }
0x64: {  	_ =	shalt  }
0x65: {  	_ =	shalt  }
0x66: {  	_ =	shalt  }
0x67: {  	_ =	shalt  }
0x68: {  	_ =	shalt  }
0x69: {  	_ =	shalt  }
0x6a: {  	_ =	shalt  }
0x6b: {  	_ =	shalt  }
0x6c: {  	_ =	shalt  }
0x6d: {  	_ =	shalt  }
0x6e: {  	_ =	shalt  }
0x6f: {  	_ =	shalt  }
0x70: {  	_ =	shalt  }
0x71: {  	_ =	shalt  }
0x72: {  	_ =	shalt  }
0x73: {  	_ =	shalt  }
0x74: {  	_ =	shalt  }
0x75: {  	_ =	shalt  }
0x76: {  	_ =	shalt  }
0x77: {  	_ =	shalt  }
0x78: {  	_ =	shalt  }
0x79: {  	_ =	shalt  }
0x7a: {  	_ =	shalt  }
0x7b: {  	_ =	shalt  }
0x7c: {  	_ =	shalt  }
0x7d: {  	_ =	shalt  }
0x7e: {  	_ =	shalt  }
0x7f: {  	_ =	shalt  }
0x80: {  	_ =	shalt  }
0x81: {  	_ =	shalt  }
0x82: {  	_ =	shalt  }
0x83: {  	_ =	shalt  }
0x84: {  	_ =	shalt  }
0x85: {  	_ =	shalt  }
0x86: {  	_ =	shalt  }
0x87: {  	_ =	shalt  }
.Lfunc_end0:
.L_simem_size_0:
called_computation.2_lowered:
.L_overlay_start_0:
0x88: {  	s2 =	sld [smem:$0x3FD9]  }
0x89: {  	s3 =	sld [smem:$0x3FFE];
	_ =	sdelay $0x1  }
0x8a: {  	s1 =	srdreg.scid  }
0x8b: {  	s0 =	sand.u32 $0x1, s1  }
0x8c: {  	s17 =	sshll.u32 s0, $0xA;
	s2 =	sadd.s32 s3, s2  }
0x8d: {  	s2 =	sadd.s32 s2, s17  }
0x8e: {  	[smem:$0x3FBF] =	sst s2  }
0x8f: {  	_ = 	snop  }
0x90: {  	s2 =	sld [smem:$0x3FD0];
	(tm) =	ssettm $0x1  }
0x91: {  	s18 =	sld [smem:$0x3FFB];
	_ =	sdelay $0x3  }
0x92: {  	_ =	strace s18  }
0x93: {  	s3 =	sld [smem:$0x3FFC];
	_ =	sdelay $0x3  }
0x94: {  	_ =	strace s3  }
0x95: {  	s3 =	sld [smem:$0x3FFD];
	_ =	sdelay $0x3  }
0x96: {  	_ =	strace s3  }
0x97: {  	_ =	strace $0x8FFFFFFF  }
0x98: {  	s19 =	sld [smem:$0x3FDB];
	_ =	sdelay $0x1  }
0x99: {  	s4 =	simm.s32 $_scs_section_size  }
0x9a: {  	s5 =	simm.s32 $_size__tile_overlayer_lowered;
	s6 =	simm.s32 $_tile_overlayer_lowered  }
0x9b: {  	s22 =	simm.s32 $0x1BFF;
	s21 =	sshll.u32 s6, $0x1;
	s3 =	sadd.s32 s4, s19  }
0x9c: {  	s7 =	simm.s32 $0x0;
	s20 =	sshll.u32 s5, $0x1;
	s5 =	sadd.s32 s21, s3  }
0x9d: {  	[timem:s7], [sflag:s22] =	dma.local [hbm:s5], s20  }
0x9e: {  	_ =	swait.ge [sflag:s22], s20  }
0x9f: {  	s4 =	ssub.s32 $0x0, s20;
	[sflag:s22] =	ssyncset.done $0x0  }
0xa0: {  	[sflag:s22] =	ssyncadd.s32 s4;
	_ =	sdelay $0x1  }
0xa1: {  	s23 =	simm.s32 $0x1B8B  }
0xa2: {  	_ =	swait.ge [sflag:s23], $0x1  }
0xa3: {  	[sflag:s23] =	ssyncset.done $0x0  }
0xa4: {  	s25 =	simm.s32 $0x1B8E;
	s24 =	sld [smem:$0x3FFE];
	[sflag:s23] =	ssyncadd.s32 $0xFFFFFFFF  }
0xa5: {  	s26 =	simm.s32 $execute0_lowered;
	[smem:$0x3FD2] =	sst s25  }
0xa6: {  	s5 =	sshll.u32 s26, $0x1;
	_ =	strace $0x8000004C;
	[dreg:$0x1] =	wrdreg $0xFFFFFFFF  }
0xa7: {  	s28 =	simm.s32 $_size_execute0_lowered;
	s3 =	sadd.s32 s3, s5;
	[dreg:$0x0] =	wrdreg $0x0  }
0xa8: {  	s5 =	sshll.u32 s28, $0x1;
	[dreg:$0x2] =	wrdreg s3  }
0xa9: {  	[dreg:$0x3] =	wrdreg s5  }
0xaa: {  	[dreg:$0x4] =	wrdreg $0xC0  }
0xab: {  	_ =	task [dreg:s7], $0x5FFFF  }
0xac: {  	[dreg:$0x1] =	wrdreg $0xFFFFFFFF  }
0xad: {  	[dreg:$0x0] =	wrdreg $0x60  }
0xae: {  	[dreg:$0x2] =	wrdreg s24  }
0xaf: {  	[dreg:$0x3] =	wrdreg s2  }
0xb0: {  	[dreg:$0x4] =	wrdreg $0x9  }
0xb1: {  	_ =	task.clear_ibuf [dreg:s7], $0x5FFFF;
	_ =	strace $0x9000004C  }
0xb2: {  	s29 =	simm.s32 $0x9;
	_ =	strace $0x8000004E  }
0xb3: {  	_ =	swait.ge [sflag:s29], $0x1  }
0xb4: {  	[sflag:s29] =	ssyncadd.s32 $0xFFFFFFFF  }
0xb5: {  	_ =	strace $0x9000004E  }
0xb6: {  	_ =	sfence  }
0xb7: {  	s30 =	sld [smem:$0x0];
	_ =	sdelay $0x2  }
0xb8: {  	s31 =	sshll.u32 s1, $0xD;
	s1 =	sshrl.u32 s1, $0x2  }
0xb9: {  	s3 =	sand.u32 $0x4000, s31;
	s1 =	sadd.s32 s1, s30  }
0xba: {  	s0 =	sor.u32 s3, s0;
	s1 =	sshll.u32 s1, $0x11  }
0xbb: {  	s0 =	sor.u32 s1, s0  }
0xbc: {  	s0 =	sadd.s32 $0x8F2B, s0  }
0xbd: {  	[sflag:s0] =	ssyncadd.remote.s32 $0x1  }
0xbe: {  	_ =	sfence.sel $0xFFFF  }
0xbf: {  	[dreg:$0x0] =	wrdreg $0xFFFFFFFF;
	(pc) =	sbr.abs _section_cstart, $3  }
0xc0: {  	[dreg:$0x1] =	wrdreg $0xFFFFFFFF  }
0xc1: {  	_ =	task.clear_ibuf [dreg:s7], $0x2FFFF;
	_ =	strace $0x9FFFFFFF  }
0xc2: {  	(tm) =	ssettm $0x7FFFFFFF  }
0xc3: {  	_ =	shalt  }
tec
execute0_lowered:
.L_overlay_start_1:
0x0: {  	(tag) =	ssettag $0x1  }
0x1: {  	s8 =	rddreg [dreg:$0x0];
	s0 =	stileid.u32  }
0x2: {  	s1 =	srdreg.scid;
	s2 =	rddreg [dreg:$0x1]  }
0x3: {  	s5 =	simm.s32 $0x1;
	s9 =	simm.s32 $0x1;
	s10 =	simm.s32 $0x3  }
0x4: {  	s13 =	simm.s32 $0x0;
	s3 =	sand.u32 $0x1, s1;
	s4 =	sshll.u32 s0, $0x1  }
0x5: {  	s12 =	simm.s32 $0x0;
	s1 =	rddreg [dreg:$0x2];
	s6 =	sor.u32 s4, s3  }
0x6: {  	_ =	strace $0x8000004D;
	s3 =	sadd.s32 $0x30800, s8;
	s4 =	smul.u32 $0x2300, s6  }
0x7: {  	[sflag:s5] =	ssyncpa.u1 $0x0;
	p0 =	slt.u32 s6, $0x5;
	s6 =	simm.s32 $0x46000  }
.Ltmp0:
0x8: {  	s6 =	simm.s32 @!p0 $0x0;
	s7 =	ssub.s32 $0x4EC00, s4;
	(pc) =	sbr.rel .LBB2_1-.Ltmp0, $4  }
0x9: {  	s9 =	simm.s32 @!p0 $0x0;
	p0 =	sne.s32 s7, s6;
	s7 =	simm.s32 $0x1  }
0xa: {  	s8 =	sadd.s32 $0x1B200, s8;
	s6 =	simm.s32 $0x2;
	s7 =	simm.s32 @!p0 $0x0  }
0xb: {  	s11 =	smov.u32 s4;
	[sflag:s6] =	ssyncpa.u1 $0x0;
	s7 =	sadd.s32 s9, s7  }
0xc: {  	vm0 =	vmmov $0xffff;
	[sflag:s10] =	ssyncpa.u1 $0x0;
	s10 =	simm.s32 $0x0;
	s9 =	sadd.s32 $0x1, s7  }
.LBB2_4:
0xd: {  	v2 =	vnsel vm1, $0x0, v2  }
0xe: {  	vm1 =	vgt.s32 v0, $0x0;
	v2 =	vmin.u32 v2, $0x4E1FF  }
0xf: {  	v0 =	vnsel vm1, $0x0, v0  }
0x10: {  	v0 =	vmin.u32 v0, $0x4E1FF  }
0x11: {  	[tilespmem:s18], [sflag:$0x1] =	stream.indirect_vreg.gather [hbm4b:s3+s10], $0x1, v1, vm0, $0x4038;
	[tilespmem:$0x8C00] =	vst v63  }
0x12: {  	(ifvalue) =	ssetifvalue $0x7FFFFFFF  }
0x13: {  	[tilespmem:s15], [sflag:$0x1] =	stream.indirect_vreg.gather [hbm4b:s3+s10], $0x1, v2, vm0, $0x4038;
	[tilespmem:$0x8C00] =	vst v63  }
0x14: {  	s29 =	sadd.s32 $0x10, s15;
	(ifvalue) =	ssetifvalue $0x7FFFFFFF  }
0x15: {  	[tilespmem:s29], [sflag:$0x1] =	stream.indirect_vreg.gather [hbm4b:s3+s10], $0x1, v0, vm0, $0x4038;
	[tilespmem:$0x8C00] =	vst v63  }
0x16: {  	_ =	swait.ge [sflag:s5], $0x2300  }
0x17: {  	s30 =	sshrl.u32 s13, $0x3;
	[sflag:s5] =	ssyncset.done $0x0  }
0x18: {  	s31 =	sand.u32 $0x7, s13;
	s15 =	sadd.s32 s8, s30;
	[sflag:s5] =	ssyncadd.s32 $0xFFFFDD00  }
0x19: {  	[hbm4b:s15+s31] =	stream.linear.scatter [tilespmem:s14], [sflag:$0x3], $0x2300, $0x38;
	[tilespmem:$0x8C00] =	vst v63  }
.LBB2_5:
0x1a: {  	s15 =	sadd.s32 $0x46000, s11  }
0x1b: {  	p1 =	sgt.s32 s15, $0x4EBFF  }
0x1c: {  	s15 =	smov.u32 @p1 s4;
	p1 =	sne.s32 s12, s9  }
.Ltmp1:
0x1d: {  	p0 =	slt.u32 s12, $0x2;
	(pc) =	sbr.rel @!p1 .LBB2_6-.Ltmp1, $4  }
0x1e: {  	s14 =	simm.s32 @!p0 $0x3  }
0x1f: {  	_ =	swait.ge @!p0 [sflag:s14], $0x2300  }
0x20: {  	s16 =	sadd.s32 $0x1, s12;
	s13 =	smov.u32 s11;
	[sflag:s14] =	ssyncset.done @!p0 $0x0  }
0x21: {  	s12 =	smov.u32 s16;
	s11 =	smov.u32 s15;
	[sflag:s14] =	ssyncadd.s32 @!p0 $0xFFFFDD00  }
.LBB2_1:
0x22: {  	p0 =	sge.u32 s12, s7  }
0x23: {  	s14 =	sxor.u32 @!p0 $0x1, s12  }
0x24: {  	s14 =	smul.u32 @!p0 $0x8C00, s14  }
0x25: {  	s31 =	sadd.s32 $0xFFFFFFFF, s12;
	s15 =	sshrl.u32 @!p0 s11, $0x3  }
0x26: {  	s16 =	sand.u32 @!p0 $0x7, s11;
	s15 =	sadd.s32 @!p0 s2, s15;
	s14 =	sshra.s32 @!p0 s14, $0x2  }
0x27: {  	[tilespmem:s14], [sflag:$0x2] =	stream.linear.gather @!p0 [hbm4b:s15+s16], $0x2300, $0x38;
	[tilespmem:$0x8C00] =	vst v63  }
0x28: {  	p0 =	sge.u32 s31, s7  }
.Ltmp2:
0x29: {  	_ = 	snop;
	(pc) =	sbr.rel @p0 .LBB2_5-.Ltmp2, $1  }
0x2a: {  	_ =	sdelay $0x3  }
0x2b: {  	s14 =	sand.u32 $0x1, s12  }
0x2c: {  	_ =	swait.ge [sflag:s6], $0x2300;
	p0 =	seq.s32 s14, $0x1;
	s14 =	simm.s32 $0x2300  }
0x2d: {  	[sflag:s6] =	ssyncset.done $0x0;
	s14 =	simm.s32 @!p0 $0x0  }
0x2e: {  	[sflag:s6] =	ssyncadd.s32 $0xFFFFDD00;
	(ifvalue) =	ssetifvalue $0x7FFFFFFF;
	v0 =	vld.msk [tilespmem:s14+$0x0 ss:$0x1], $0xffff;
	_ =	sdelay $0x4  }
0x2f: {  	s15 =	sadd.s32 $0x10, s14;
	vm1 =	vgt.s32 v0, $0x0  }
0x30: {  	v2 =	vld.msk [tilespmem:s15+$0x0 ss:$0x1], $0xffff;
	v1 =	vnsel vm1, $0x0, v0  }
0x31: {  	v1 =	vmin.u32 v1, $0x4E1FF;
	_ =	sdelay $0x2  }
0x32: {  	s17 =	simm.s32 $0x20;
	s14 =	sadd.s32 $0x4600, s14;
	s16 =	sadd.s32 $0x10, s15  }
0x33: {  	s15 =	sadd.s32 $0x10, s14;
	s18 =	smov.u32 s14;
	v0 =	vld.msk [tilespmem:s16+$0x0 ss:$0x1], $0xffff;
	vm1 =	vgt.s32 v2, $0x0;
	(ifvalue) =	ssetifvalue $0x7FFFFFFF  }
.LBB2_3:
0x34: {  	[tilespmem:s18], [sflag:$0x1] =	stream.indirect_vreg.gather [hbm4b:s3+s10], $0x1, v1, vm0, $0x4038;
	[tilespmem:$0x8C00] =	vst v63  }
0x35: {  	s17 =	sadd.s32 $0x10, s17  }
0x36: {  	v2 =	vnsel vm1, $0x0, v2;
	p0 =	slt.u32 s17, $0x22F0  }
.Ltmp3:
0x37: {  	s18 =	smov.u32 s15;
	v1 =	vmin.u32 v2, $0x4E1FF;
	(pc) =	sbr.rel @p0 .LBB2_3-.Ltmp3, $3  }
0x38: {  	_ =	sdelay $0x1  }
0x39: {  	s16 =	sadd.s32 $0x10, s16  }
0x3a: {  	vm1 =	vgt.s32 v0, $0x0;
	s15 =	sadd.s32 $0x10, s15;
	v2 =	vmov v0;
	(ifvalue) =	ssetifvalue $0x7FFFFFFF;
	v0 =	vld.msk [tilespmem:s16+$0x0 ss:$0x1], $0xffff  }
.Ltmp4:
0x3b: {  	_ = 	snop;
	(pc) =	sbr.rel .LBB2_4-.Ltmp4, $1  }
0x3c: {  	_ =	sdelay $0x3  }
.LBB2_6:
0x3d: {  	_ =	sfence.sel $0x180000  }
0x3e: {  	s2 =	simm.s32 $0x2;
	[bflag:$0x0] =	sbarrier.arrive $0xFFFF  }
0x3f: {  	s30 =	simm.s32 $0x3;
	[sflag:s2] =	ssyncpa.u1 $0x1  }
0x40: {  	s31 =	simm.s32 $0x1;
	[sflag:s30] =	ssyncpa.u1 $0x1  }
0x41: {  	[sflag:s31] =	ssyncpa.u1 $0x1  }
0x42: {  	p0 =	sne.s32 s0, $0x0;
	_ =	strace $0x9000004D  }
0x43: {  	s0 =	sadd.s32 @!p0 $0x100000, s1;
	[bflag:$0x2] =	sbarrier.arrive $0xFFFF  }
0x44: {  	[sflag:s0] =	ssyncadd.tile.s32 @!p0 $0x1;
	_ =	shalt  }
.Lfunc_end2:
_tile_overlayer_lowered:
.L_overlay_start_2:
0x45: {  	(tag) =	ssettag $0x2  }
0x46: {  	s0 =	rddreg [dreg:$0x0];
	s2 =	stileid.u32  }
0x47: {  	s1 =	rddreg [dreg:$0x1];
	p0 =	sne.s32 s2, $0x0  }
0x48: {  	s3 =	rddreg [dreg:$0x2];
	[bflag:$0x3] =	sbarrier.arrive $0xFFFF;
	s2 =	simm.s32 @!p0 $0x1C01  }
0x49: {  	[timem:s3], [sflag:s2] =	dma.local @!p0 [hbm:s0], s1  }
0x4a: {  	s0 =	simm.s32 @!p0 $0x1  }
0x4b: {  	_ =	swait.ge @!p0 [sflag:s0], s1  }
0x4c: {  	s1 =	ssub.s32 @!p0 $0x0, s1;
	[sflag:s0] =	ssyncset.done @!p0 $0x0  }
0x4d: {  	[sflag:s0] =	ssyncadd.s32 @!p0 s1  }
0x4e: {  	[bflag:$0x3] =	sbarrier.arrive $0xFFFF  }
0x4f: {  	_ =	shalt  }

// kernel: gather_offload_async_start.3
scs
__scs_entry_jumppad:
0x0: {  	(pc) =	sbr.rel $0x88, $3  }
0x1: {  	(tag) =	ssettag $0x0;
	lr =	simm.s32 $0x1  }
0x2: {  	[smem:$0x3F98] =	sst lr;
	_ =	strace $0xD0000000  }
0x3: {  	_ = 	snop  }
0x4: {  	_ = 	snop  }
0x5: {  	_ = 	snop  }
0x6: {  	_ = 	snop  }
0x7: {  	_ = 	snop  }
__scs_overlays_trampoline_lowered:
0x8: {  	[smem:$0x3FA7] =	sst s0  }
0x9: {  	[smem:$0x3FA8] =	sst s1  }
0xa: {  	[smem:$0x3FA9] =	sst s2  }
0xb: {  	[smem:$0x3FAA] =	sst s3  }
0xc: {  	[smem:$0x3FAB] =	sst s4  }
0xd: {  	[smem:$0x3FAC] =	sst s5  }
0xe: {  	[smem:$0x3FAD] =	sst s6  }
0xf: {  	[smem:$0x3FAE] =	sst s7  }
0x10: {  	[smem:$0x3FAF] =	sst s8  }
0x11: {  	[smem:$0x3FB0] =	sst s9;
	s0 =	simm.s32 @!p0 $0x0  }
0x12: {  	s1 =	sld [smem:$0x3F96];
	s0 =	simm.s32 @p0 $0x1  }
0x13: {  	[smem:$0x3FB1] =	sst s0;
	s0 =	simm.s32 @!p1 $0x0  }
0x14: {  	s2 =	sld [smem:$0x3F95];
	s0 =	simm.s32 @p1 $0x1  }
0x15: {  	[smem:$0x3FB2] =	sst s0;
	s0 =	simm.s32 @!p2 $0x0  }
0x16: {  	s3 =	sld [smem:$0x3FDB];
	s0 =	simm.s32 @p2 $0x1  }
0x17: {  	s4 =	simm.s32 $0x1BF5;
	[smem:$0x3FB4] =	sst s0  }
0x18: {  	s0 =	sld [smem:$0x3F97];
	_ =	swait.ge [sflag:s4], $0x0  }
0x19: {  	s7 =	sld [smem:$0x3F98]  }
0x1a: {  	s8 =	sadd.s32 $0xFFFFE003, lr  }
0x1b: {  	s9 =	sadd.s32 $0xFFFFFEF7, lr;
	s5 =	simm.s32 $0xFFFFFFFF;
	p2 =	slt.u32 s8, $0xFFFFF086  }
0x1c: {  	p1 =	slt.u32 s9, $0xF7A;
	s5 =	simm.s32 @!p2 $0x0  }
0x1d: {  	s5 =	simm.s32 @p1 $0x1;
	p0 =	seq.s32 s7, s2  }
0x1e: {  	s7 =	smul.u32 @!p0 $0xF7A, s2;
	p2 =	seq.s32 @!p0 s5, $0x0  }
0x1f: {  	s9 =	smul.u32 $0xF7A, s1;
	s8 =	simm.s32 @!p0 $0x1BF5;
	p2 =	por !p2, p0  }
0x20: {  	[sflag:s8] =	ssyncset.s32 @!p0 $0xFFFFF086;
	s6 =	sadd.s32 @!p0 s3, s7;
	s7 =	simm.s32 @!p0 $0x108  }
0x21: {  	s3 =	sadd.s32 s3, s9;
	s6 =	sadd.s32 @!p0 $0x88, s6;
	s7 =	simm.s32 @p2 $0x1082  }
0x22: {  	[simem:s7], [sflag:s8] =	dma.local @!p0 [hbm:s6], $0xF7A  }
0x23: {  	s9 =	sor.u32 $0xD0000000, s2;
	s6 =	simm.s32 $0x108;
	_ =	swait.ge @!p0 [sflag:s8], $0x0  }
0x24: {  	s3 =	sadd.s32 $0x88, s3;
	s6 =	simm.s32 @!p1 $0x1082;
	[sflag:s4] =	ssyncset.s32 $0xFFFFF086  }
0x25: {  	[simem:s6], [sflag:s4] =	dma.local [hbm:s3], $0xF7A  }
0x26: {  	[smem:$0x3F98] =	sst s1;
	(tag) =	ssettag s2;
	_ =	strace s9  }
0x27: {  	s1 =	sld [smem:$0x3FA8]  }
0x28: {  	s2 =	sld [smem:$0x3FA9]  }
0x29: {  	s4 =	sld [smem:$0x3FAB]  }
0x2a: {  	p0 =	seq.s32 s5, $0x0;
	s5 =	sld [smem:$0x3FAC]  }
0x2b: {  	s6 =	sld [smem:$0x3FAD]  }
0x2c: {  	s7 =	sld [smem:$0x3FAE]  }
0x2d: {  	s3 =	simm.s32 $0x108;
	s8 =	sld [smem:$0x3FAF]  }
0x2e: {  	s3 =	simm.s32 @!p0 $0x1082;
	s9 =	sld [smem:$0x3FB0]  }
0x2f: {  	lr =	sadd.s32 s0, s3;
	s0 =	sld [smem:$0x3FA7]  }
0x30: {  	s3 =	sld [smem:$0x3FAA]  }
0x31: {  	[smem:$0x3FB3] =	sst s10  }
0x32: {  	s10 =	sld [smem:$0x3FB1];
	_ =	sdelay $0x3  }
0x33: {  	p0 =	seq.s32 s10, $0x1;
	s10 =	sld [smem:$0x3FB3];
	_ =	sdelay $0x3  }
0x34: {  	[smem:$0x3FB3] =	sst s10  }
0x35: {  	s10 =	sld [smem:$0x3FB2];
	_ =	sdelay $0x3  }
0x36: {  	p1 =	seq.s32 s10, $0x1;
	s10 =	sld [smem:$0x3FB3];
	_ =	sdelay $0x3  }
0x37: {  	[smem:$0x3FB3] =	sst s10  }
0x38: {  	s10 =	sld [smem:$0x3FB4]  }
0x39: {  	_ = 	snop;
	(pc) =	sbr.ind lr, $3  }
0x3a: {  	_ = 	snop  }
0x3b: {  	_ = 	snop  }
0x3c: {  	p2 =	seq.s32 s10, $0x1;
	s10 =	sld [smem:$0x3FB3]  }
0x3d: {  	_ =	shalt  }
0x3e: {  	_ =	shalt  }
0x3f: {  	_ =	shalt  }
0x40: {  	_ =	shalt  }
0x41: {  	_ =	shalt  }
0x42: {  	_ =	shalt  }
0x43: {  	_ =	shalt  }
0x44: {  	_ =	shalt  }
0x45: {  	_ =	shalt  }
0x46: {  	_ =	shalt  }
0x47: {  	_ =	shalt  }
0x48: {  	_ =	shalt  }
0x49: {  	_ =	shalt  }
0x4a: {  	_ =	shalt  }
0x4b: {  	_ =	shalt  }
0x4c: {  	_ =	shalt  }
0x4d: {  	_ =	shalt  }
0x4e: {  	_ =	shalt  }
0x4f: {  	_ =	shalt  }
0x50: {  	_ =	shalt  }
0x51: {  	_ =	shalt  }
0x52: {  	_ =	shalt  }
0x53: {  	_ =	shalt  }
0x54: {  	_ =	shalt  }
0x55: {  	_ =	shalt  }
0x56: {  	_ =	shalt  }
0x57: {  	_ =	shalt  }
0x58: {  	_ =	shalt  }
0x59: {  	_ =	shalt  }
0x5a: {  	_ =	shalt  }
0x5b: {  	_ =	shalt  }
0x5c: {  	_ =	shalt  }
0x5d: {  	_ =	shalt  }
0x5e: {  	_ =	shalt  }
0x5f: {  	_ =	shalt  }
0x60: {  	_ =	shalt  }
0x61: {  	_ =	shalt  }
0x62: {  	_ =	shalt  }
0x63: {  	_ =	shalt  }
0x64: {  	_ =	shalt  }
0x65: {  	_ =	shalt  }
0x66: {  	_ =	shalt  }
0x67: {  	_ =	shalt  }
0x68: {  	_ =	shalt  }
0x69: {  	_ =	shalt  }
0x6a: {  	_ =	shalt  }
0x6b: {  	_ =	shalt  }
0x6c: {  	_ =	shalt  }
0x6d: {  	_ =	shalt  }
0x6e: {  	_ =	shalt  }
0x6f: {  	_ =	shalt  }
0x70: {  	_ =	shalt  }
0x71: {  	_ =	shalt  }
0x72: {  	_ =	shalt  }
0x73: {  	_ =	shalt  }
0x74: {  	_ =	shalt  }
0x75: {  	_ =	shalt  }
0x76: {  	_ =	shalt  }
0x77: {  	_ =	shalt  }
0x78: {  	_ =	shalt  }
0x79: {  	_ =	shalt  }
0x7a: {  	_ =	shalt  }
0x7b: {  	_ =	shalt  }
0x7c: {  	_ =	shalt  }
0x7d: {  	_ =	shalt  }
0x7e: {  	_ =	shalt  }
0x7f: {  	_ =	shalt  }
0x80: {  	_ =	shalt  }
0x81: {  	_ =	shalt  }
0x82: {  	_ =	shalt  }
0x83: {  	_ =	shalt  }
0x84: {  	_ =	shalt  }
0x85: {  	_ =	shalt  }
0x86: {  	_ =	shalt  }
0x87: {  	_ =	shalt  }
.Lfunc_end0:
.L_simem_size_0:
called_computation.3_lowered:
.L_overlay_start_0:
0x88: {  	s2 =	sld [smem:$0x3FD9]  }
0x89: {  	s3 =	sld [smem:$0x3FFE];
	_ =	sdelay $0x1  }
0x8a: {  	s1 =	srdreg.scid  }
0x8b: {  	s0 =	sand.u32 $0x1, s1  }
0x8c: {  	s17 =	sshll.u32 s0, $0xA;
	s2 =	sadd.s32 s3, s2  }
0x8d: {  	s2 =	sadd.s32 s2, s17  }
0x8e: {  	[smem:$0x3FBF] =	sst s2  }
0x8f: {  	_ = 	snop  }
0x90: {  	s2 =	sld [smem:$0x3FD0];
	(tm) =	ssettm $0x1  }
0x91: {  	s18 =	sld [smem:$0x3FFB];
	_ =	sdelay $0x3  }
0x92: {  	_ =	strace s18  }
0x93: {  	s3 =	sld [smem:$0x3FFC];
	_ =	sdelay $0x3  }
0x94: {  	_ =	strace s3  }
0x95: {  	s3 =	sld [smem:$0x3FFD];
	_ =	sdelay $0x3  }
0x96: {  	_ =	strace s3  }
0x97: {  	_ =	strace $0x8FFFFFFF  }
0x98: {  	s19 =	sld [smem:$0x3FDB];
	_ =	sdelay $0x1  }
0x99: {  	s4 =	simm.s32 $_scs_section_size  }
0x9a: {  	s5 =	simm.s32 $_size__tile_overlayer_lowered;
	s6 =	simm.s32 $_tile_overlayer_lowered  }
0x9b: {  	s22 =	simm.s32 $0x1BFF;
	s21 =	sshll.u32 s6, $0x1;
	s3 =	sadd.s32 s4, s19  }
0x9c: {  	s7 =	simm.s32 $0x0;
	s20 =	sshll.u32 s5, $0x1;
	s5 =	sadd.s32 s21, s3  }
0x9d: {  	[timem:s7], [sflag:s22] =	dma.local [hbm:s5], s20  }
0x9e: {  	_ =	swait.ge [sflag:s22], s20  }
0x9f: {  	s4 =	ssub.s32 $0x0, s20;
	[sflag:s22] =	ssyncset.done $0x0  }
0xa0: {  	[sflag:s22] =	ssyncadd.s32 s4;
	_ =	sdelay $0x1  }
0xa1: {  	s23 =	simm.s32 $0x1B8B  }
0xa2: {  	_ =	swait.ge [sflag:s23], $0x1  }
0xa3: {  	[sflag:s23] =	ssyncset.done $0x0  }
0xa4: {  	s25 =	simm.s32 $0x1B8E;
	s24 =	sld [smem:$0x3FFE];
	[sflag:s23] =	ssyncadd.s32 $0xFFFFFFFF  }
0xa5: {  	s26 =	simm.s32 $execute0_lowered;
	[smem:$0x3FD2] =	sst s25  }
0xa6: {  	s5 =	sshll.u32 s26, $0x1;
	_ =	strace $0x8000004F;
	[dreg:$0x1] =	wrdreg $0xFFFFFFFF  }
0xa7: {  	s28 =	simm.s32 $_size_execute0_lowered;
	s3 =	sadd.s32 s3, s5;
	[dreg:$0x0] =	wrdreg $0x0  }
0xa8: {  	s5 =	sshll.u32 s28, $0x1;
	[dreg:$0x2] =	wrdreg s3  }
0xa9: {  	[dreg:$0x3] =	wrdreg s5  }
0xaa: {  	[dreg:$0x4] =	wrdreg $0xC0  }
0xab: {  	_ =	task [dreg:s7], $0x5FFFF  }
0xac: {  	[dreg:$0x1] =	wrdreg $0xFFFFFFFF  }
0xad: {  	[dreg:$0x0] =	wrdreg $0x60  }
0xae: {  	[dreg:$0x2] =	wrdreg s24  }
0xaf: {  	[dreg:$0x3] =	wrdreg s2  }
0xb0: {  	[dreg:$0x4] =	wrdreg $0x9  }
0xb1: {  	_ =	task.clear_ibuf [dreg:s7], $0x5FFFF;
	_ =	strace $0x9000004F  }
0xb2: {  	s29 =	simm.s32 $0x9;
	_ =	strace $0x80000051  }
0xb3: {  	_ =	swait.ge [sflag:s29], $0x1  }
0xb4: {  	[sflag:s29] =	ssyncadd.s32 $0xFFFFFFFF  }
0xb5: {  	_ =	strace $0x90000051  }
0xb6: {  	_ =	sfence  }
0xb7: {  	s30 =	sld [smem:$0x0];
	_ =	sdelay $0x2  }
0xb8: {  	s31 =	sshll.u32 s1, $0xD;
	s1 =	sshrl.u32 s1, $0x2  }
0xb9: {  	s3 =	sand.u32 $0x4000, s31;
	s1 =	sadd.s32 s1, s30  }
0xba: {  	s0 =	sor.u32 s3, s0;
	s1 =	sshll.u32 s1, $0x11  }
0xbb: {  	s0 =	sor.u32 s1, s0  }
0xbc: {  	s0 =	sadd.s32 $0x8F2B, s0  }
0xbd: {  	[sflag:s0] =	ssyncadd.remote.s32 $0x1  }
0xbe: {  	_ =	sfence.sel $0xFFFF  }
0xbf: {  	[dreg:$0x0] =	wrdreg $0xFFFFFFFF;
	(pc) =	sbr.abs _section_cstart, $3  }
0xc0: {  	[dreg:$0x1] =	wrdreg $0xFFFFFFFF  }
0xc1: {  	_ =	task.clear_ibuf [dreg:s7], $0x2FFFF;
	_ =	strace $0x9FFFFFFF  }
0xc2: {  	(tm) =	ssettm $0x7FFFFFFF  }
0xc3: {  	_ =	shalt  }
tec
execute0_lowered:
.L_overlay_start_1:
0x0: {  	(tag) =	ssettag $0x1  }
0x1: {  	s8 =	rddreg [dreg:$0x0];
	s0 =	stileid.u32  }
0x2: {  	s1 =	srdreg.scid;
	s2 =	rddreg [dreg:$0x1]  }
0x3: {  	s5 =	simm.s32 $0x1;
	s9 =	simm.s32 $0x1;
	s10 =	simm.s32 $0x3  }
0x4: {  	s13 =	simm.s32 $0x0;
	s3 =	sand.u32 $0x1, s1;
	s4 =	sshll.u32 s0, $0x1  }
0x5: {  	s12 =	simm.s32 $0x0;
	s1 =	rddreg [dreg:$0x2];
	s6 =	sor.u32 s4, s3  }
0x6: {  	_ =	strace $0x80000050;
	s3 =	sadd.s32 $0x9000, s8;
	s4 =	smul.u32 $0x2300, s6  }
0x7: {  	[sflag:s5] =	ssyncpa.u1 $0x0;
	p0 =	slt.u32 s6, $0x5;
	s6 =	simm.s32 $0x46000  }
.Ltmp0:
0x8: {  	s6 =	simm.s32 @!p0 $0x0;
	s7 =	ssub.s32 $0x4EC00, s4;
	(pc) =	sbr.rel .LBB2_1-.Ltmp0, $4  }
0x9: {  	s9 =	simm.s32 @!p0 $0x0;
	p0 =	sne.s32 s7, s6;
	s7 =	simm.s32 $0x1  }
0xa: {  	s8 =	sadd.s32 $0x17200, s8;
	s6 =	simm.s32 $0x2;
	s7 =	simm.s32 @!p0 $0x0  }
0xb: {  	s11 =	smov.u32 s4;
	[sflag:s6] =	ssyncpa.u1 $0x0;
	s7 =	sadd.s32 s9, s7  }
0xc: {  	vm0 =	vmmov $0xffff;
	[sflag:s10] =	ssyncpa.u1 $0x0;
	s10 =	simm.s32 $0x0;
	s9 =	sadd.s32 $0x1, s7  }
.LBB2_4:
0xd: {  	v2 =	vnsel vm1, $0x0, v2  }
0xe: {  	vm1 =	vgt.s32 v0, $0x0;
	v2 =	vmin.u32 v2, $0x4E1FF  }
0xf: {  	v0 =	vnsel vm1, $0x0, v0  }
0x10: {  	v0 =	vmin.u32 v0, $0x4E1FF  }
0x11: {  	[tilespmem:s18], [sflag:$0x1] =	stream.indirect_vreg.gather [hbm4b:s3+s10], $0x1, v1, vm0, $0x4038;
	[tilespmem:$0x8C00] =	vst v63  }
0x12: {  	(ifvalue) =	ssetifvalue $0x7FFFFFFF  }
0x13: {  	[tilespmem:s15], [sflag:$0x1] =	stream.indirect_vreg.gather [hbm4b:s3+s10], $0x1, v2, vm0, $0x4038;
	[tilespmem:$0x8C00] =	vst v63  }
0x14: {  	s29 =	sadd.s32 $0x10, s15;
	(ifvalue) =	ssetifvalue $0x7FFFFFFF  }
0x15: {  	[tilespmem:s29], [sflag:$0x1] =	stream.indirect_vreg.gather [hbm4b:s3+s10], $0x1, v0, vm0, $0x4038;
	[tilespmem:$0x8C00] =	vst v63  }
0x16: {  	_ =	swait.ge [sflag:s5], $0x2300  }
0x17: {  	s30 =	sshrl.u32 s13, $0x3;
	[sflag:s5] =	ssyncset.done $0x0  }
0x18: {  	s31 =	sand.u32 $0x7, s13;
	s15 =	sadd.s32 s8, s30;
	[sflag:s5] =	ssyncadd.s32 $0xFFFFDD00  }
0x19: {  	[hbm4b:s15+s31] =	stream.linear.scatter [tilespmem:s14], [sflag:$0x3], $0x2300, $0x38;
	[tilespmem:$0x8C00] =	vst v63  }
.LBB2_5:
0x1a: {  	s15 =	sadd.s32 $0x46000, s11  }
0x1b: {  	p1 =	sgt.s32 s15, $0x4EBFF  }
0x1c: {  	s15 =	smov.u32 @p1 s4;
	p1 =	sne.s32 s12, s9  }
.Ltmp1:
0x1d: {  	p0 =	slt.u32 s12, $0x2;
	(pc) =	sbr.rel @!p1 .LBB2_6-.Ltmp1, $4  }
0x1e: {  	s14 =	simm.s32 @!p0 $0x3  }
0x1f: {  	_ =	swait.ge @!p0 [sflag:s14], $0x2300  }
0x20: {  	s16 =	sadd.s32 $0x1, s12;
	s13 =	smov.u32 s11;
	[sflag:s14] =	ssyncset.done @!p0 $0x0  }
0x21: {  	s12 =	smov.u32 s16;
	s11 =	smov.u32 s15;
	[sflag:s14] =	ssyncadd.s32 @!p0 $0xFFFFDD00  }
.LBB2_1:
0x22: {  	p0 =	sge.u32 s12, s7  }
0x23: {  	s14 =	sxor.u32 @!p0 $0x1, s12  }
0x24: {  	s14 =	smul.u32 @!p0 $0x8C00, s14  }
0x25: {  	s31 =	sadd.s32 $0xFFFFFFFF, s12;
	s15 =	sshrl.u32 @!p0 s11, $0x3  }
0x26: {  	s16 =	sand.u32 @!p0 $0x7, s11;
	s15 =	sadd.s32 @!p0 s2, s15;
	s14 =	sshra.s32 @!p0 s14, $0x2  }
0x27: {  	[tilespmem:s14], [sflag:$0x2] =	stream.linear.gather @!p0 [hbm4b:s15+s16], $0x2300, $0x38;
	[tilespmem:$0x8C00] =	vst v63  }
0x28: {  	p0 =	sge.u32 s31, s7  }
.Ltmp2:
0x29: {  	_ = 	snop;
	(pc) =	sbr.rel @p0 .LBB2_5-.Ltmp2, $1  }
0x2a: {  	_ =	sdelay $0x3  }
0x2b: {  	s14 =	sand.u32 $0x1, s12  }
0x2c: {  	_ =	swait.ge [sflag:s6], $0x2300;
	p0 =	seq.s32 s14, $0x1;
	s14 =	simm.s32 $0x2300  }
0x2d: {  	[sflag:s6] =	ssyncset.done $0x0;
	s14 =	simm.s32 @!p0 $0x0  }
0x2e: {  	[sflag:s6] =	ssyncadd.s32 $0xFFFFDD00;
	(ifvalue) =	ssetifvalue $0x7FFFFFFF;
	v0 =	vld.msk [tilespmem:s14+$0x0 ss:$0x1], $0xffff;
	_ =	sdelay $0x4  }
0x2f: {  	s15 =	sadd.s32 $0x10, s14;
	vm1 =	vgt.s32 v0, $0x0  }
0x30: {  	v2 =	vld.msk [tilespmem:s15+$0x0 ss:$0x1], $0xffff;
	v1 =	vnsel vm1, $0x0, v0  }
0x31: {  	v1 =	vmin.u32 v1, $0x4E1FF;
	_ =	sdelay $0x2  }
0x32: {  	s17 =	simm.s32 $0x20;
	s14 =	sadd.s32 $0x4600, s14;
	s16 =	sadd.s32 $0x10, s15  }
0x33: {  	s15 =	sadd.s32 $0x10, s14;
	s18 =	smov.u32 s14;
	v0 =	vld.msk [tilespmem:s16+$0x0 ss:$0x1], $0xffff;
	vm1 =	vgt.s32 v2, $0x0;
	(ifvalue) =	ssetifvalue $0x7FFFFFFF  }
.LBB2_3:
0x34: {  	[tilespmem:s18], [sflag:$0x1] =	stream.indirect_vreg.gather [hbm4b:s3+s10], $0x1, v1, vm0, $0x4038;
	[tilespmem:$0x8C00] =	vst v63  }
0x35: {  	s17 =	sadd.s32 $0x10, s17  }
0x36: {  	v2 =	vnsel vm1, $0x0, v2;
	p0 =	slt.u32 s17, $0x22F0  }
.Ltmp3:
0x37: {  	s18 =	smov.u32 s15;
	v1 =	vmin.u32 v2, $0x4E1FF;
	(pc) =	sbr.rel @p0 .LBB2_3-.Ltmp3, $3  }
0x38: {  	_ =	sdelay $0x1  }
0x39: {  	s16 =	sadd.s32 $0x10, s16  }
0x3a: {  	vm1 =	vgt.s32 v0, $0x0;
	s15 =	sadd.s32 $0x10, s15;
	v2 =	vmov v0;
	(ifvalue) =	ssetifvalue $0x7FFFFFFF;
	v0 =	vld.msk [tilespmem:s16+$0x0 ss:$0x1], $0xffff  }
.Ltmp4:
0x3b: {  	_ = 	snop;
	(pc) =	sbr.rel .LBB2_4-.Ltmp4, $1  }
0x3c: {  	_ =	sdelay $0x3  }
.LBB2_6:
0x3d: {  	_ =	sfence.sel $0x180000  }
0x3e: {  	s2 =	simm.s32 $0x2;
	[bflag:$0x0] =	sbarrier.arrive $0xFFFF  }
0x3f: {  	s30 =	simm.s32 $0x3;
	[sflag:s2] =	ssyncpa.u1 $0x1  }
0x40: {  	s31 =	simm.s32 $0x1;
	[sflag:s30] =	ssyncpa.u1 $0x1  }
0x41: {  	[sflag:s31] =	ssyncpa.u1 $0x1  }
0x42: {  	p0 =	sne.s32 s0, $0x0;
	_ =	strace $0x90000050  }
0x43: {  	s0 =	sadd.s32 @!p0 $0x100000, s1;
	[bflag:$0x2] =	sbarrier.arrive $0xFFFF  }
0x44: {  	[sflag:s0] =	ssyncadd.tile.s32 @!p0 $0x1;
	_ =	shalt  }
.Lfunc_end2:
_tile_overlayer_lowered:
.L_overlay_start_2:
0x45: {  	(tag) =	ssettag $0x2  }
0x46: {  	s0 =	rddreg [dreg:$0x0];
	s2 =	stileid.u32  }
0x47: {  	s1 =	rddreg [dreg:$0x1];
	p0 =	sne.s32 s2, $0x0  }
0x48: {  	s3 =	rddreg [dreg:$0x2];
	[bflag:$0x3] =	sbarrier.arrive $0xFFFF;
	s2 =	simm.s32 @!p0 $0x1C01  }
0x49: {  	[timem:s3], [sflag:s2] =	dma.local @!p0 [hbm:s0], s1  }
0x4a: {  	s0 =	simm.s32 @!p0 $0x1  }
0x4b: {  	_ =	swait.ge @!p0 [sflag:s0], s1  }
0x4c: {  	s1 =	ssub.s32 @!p0 $0x0, s1;
	[sflag:s0] =	ssyncset.done @!p0 $0x0  }
0x4d: {  	[sflag:s0] =	ssyncadd.s32 @!p0 s1  }
0x4e: {  	[bflag:$0x3] =	sbarrier.arrive $0xFFFF  }
0x4f: {  	_ =	shalt  }

// kernel: gather_offload_async_start
scs
__scs_entry_jumppad:
0x0: {  	(pc) =	sbr.rel $0x88, $3  }
0x1: {  	(tag) =	ssettag $0x0;
	lr =	simm.s32 $0x1  }
0x2: {  	[smem:$0x3F98] =	sst lr;
	_ =	strace $0xD0000000  }
0x3: {  	_ = 	snop  }
0x4: {  	_ = 	snop  }
0x5: {  	_ = 	snop  }
0x6: {  	_ = 	snop  }
0x7: {  	_ = 	snop  }
__scs_overlays_trampoline_lowered:
0x8: {  	[smem:$0x3FA7] =	sst s0  }
0x9: {  	[smem:$0x3FA8] =	sst s1  }
0xa: {  	[smem:$0x3FA9] =	sst s2  }
0xb: {  	[smem:$0x3FAA] =	sst s3  }
0xc: {  	[smem:$0x3FAB] =	sst s4  }
0xd: {  	[smem:$0x3FAC] =	sst s5  }
0xe: {  	[smem:$0x3FAD] =	sst s6  }
0xf: {  	[smem:$0x3FAE] =	sst s7  }
0x10: {  	[smem:$0x3FAF] =	sst s8  }
0x11: {  	[smem:$0x3FB0] =	sst s9;
	s0 =	simm.s32 @!p0 $0x0  }
0x12: {  	s1 =	sld [smem:$0x3F96];
	s0 =	simm.s32 @p0 $0x1  }
0x13: {  	[smem:$0x3FB1] =	sst s0;
	s0 =	simm.s32 @!p1 $0x0  }
0x14: {  	s2 =	sld [smem:$0x3F95];
	s0 =	simm.s32 @p1 $0x1  }
0x15: {  	[smem:$0x3FB2] =	sst s0;
	s0 =	simm.s32 @!p2 $0x0  }
0x16: {  	s3 =	sld [smem:$0x3FDB];
	s0 =	simm.s32 @p2 $0x1  }
0x17: {  	s4 =	simm.s32 $0x1BF5;
	[smem:$0x3FB4] =	sst s0  }
0x18: {  	s0 =	sld [smem:$0x3F97];
	_ =	swait.ge [sflag:s4], $0x0  }
0x19: {  	s7 =	sld [smem:$0x3F98]  }
0x1a: {  	s8 =	sadd.s32 $0xFFFFE003, lr  }
0x1b: {  	s9 =	sadd.s32 $0xFFFFFEF7, lr;
	s5 =	simm.s32 $0xFFFFFFFF;
	p2 =	slt.u32 s8, $0xFFFFF086  }
0x1c: {  	p1 =	slt.u32 s9, $0xF7A;
	s5 =	simm.s32 @!p2 $0x0  }
0x1d: {  	s5 =	simm.s32 @p1 $0x1;
	p0 =	seq.s32 s7, s2  }
0x1e: {  	s7 =	smul.u32 @!p0 $0xF7A, s2;
	p2 =	seq.s32 @!p0 s5, $0x0  }
0x1f: {  	s9 =	smul.u32 $0xF7A, s1;
	s8 =	simm.s32 @!p0 $0x1BF5;
	p2 =	por !p2, p0  }
0x20: {  	[sflag:s8] =	ssyncset.s32 @!p0 $0xFFFFF086;
	s6 =	sadd.s32 @!p0 s3, s7;
	s7 =	simm.s32 @!p0 $0x108  }
0x21: {  	s3 =	sadd.s32 s3, s9;
	s6 =	sadd.s32 @!p0 $0x88, s6;
	s7 =	simm.s32 @p2 $0x1082  }
0x22: {  	[simem:s7], [sflag:s8] =	dma.local @!p0 [hbm:s6], $0xF7A  }
0x23: {  	s9 =	sor.u32 $0xD0000000, s2;
	s6 =	simm.s32 $0x108;
	_ =	swait.ge @!p0 [sflag:s8], $0x0  }
0x24: {  	s3 =	sadd.s32 $0x88, s3;
	s6 =	simm.s32 @!p1 $0x1082;
	[sflag:s4] =	ssyncset.s32 $0xFFFFF086  }
0x25: {  	[simem:s6], [sflag:s4] =	dma.local [hbm:s3], $0xF7A  }
0x26: {  	[smem:$0x3F98] =	sst s1;
	(tag) =	ssettag s2;
	_ =	strace s9  }
0x27: {  	s1 =	sld [smem:$0x3FA8]  }
0x28: {  	s2 =	sld [smem:$0x3FA9]  }
0x29: {  	s4 =	sld [smem:$0x3FAB]  }
0x2a: {  	p0 =	seq.s32 s5, $0x0;
	s5 =	sld [smem:$0x3FAC]  }
0x2b: {  	s6 =	sld [smem:$0x3FAD]  }
0x2c: {  	s7 =	sld [smem:$0x3FAE]  }
0x2d: {  	s3 =	simm.s32 $0x108;
	s8 =	sld [smem:$0x3FAF]  }
0x2e: {  	s3 =	simm.s32 @!p0 $0x1082;
	s9 =	sld [smem:$0x3FB0]  }
0x2f: {  	lr =	sadd.s32 s0, s3;
	s0 =	sld [smem:$0x3FA7]  }
0x30: {  	s3 =	sld [smem:$0x3FAA]  }
0x31: {  	[smem:$0x3FB3] =	sst s10  }
0x32: {  	s10 =	sld [smem:$0x3FB1];
	_ =	sdelay $0x3  }
0x33: {  	p0 =	seq.s32 s10, $0x1;
	s10 =	sld [smem:$0x3FB3];
	_ =	sdelay $0x3  }
0x34: {  	[smem:$0x3FB3] =	sst s10  }
0x35: {  	s10 =	sld [smem:$0x3FB2];
	_ =	sdelay $0x3  }
0x36: {  	p1 =	seq.s32 s10, $0x1;
	s10 =	sld [smem:$0x3FB3];
	_ =	sdelay $0x3  }
0x37: {  	[smem:$0x3FB3] =	sst s10  }
0x38: {  	s10 =	sld [smem:$0x3FB4]  }
0x39: {  	_ = 	snop;
	(pc) =	sbr.ind lr, $3  }
0x3a: {  	_ = 	snop  }
0x3b: {  	_ = 	snop  }
0x3c: {  	p2 =	seq.s32 s10, $0x1;
	s10 =	sld [smem:$0x3FB3]  }
0x3d: {  	_ =	shalt  }
0x3e: {  	_ =	shalt  }
0x3f: {  	_ =	shalt  }
0x40: {  	_ =	shalt  }
0x41: {  	_ =	shalt  }
0x42: {  	_ =	shalt  }
0x43: {  	_ =	shalt  }
0x44: {  	_ =	shalt  }
0x45: {  	_ =	shalt  }
0x46: {  	_ =	shalt  }
0x47: {  	_ =	shalt  }
0x48: {  	_ =	shalt  }
0x49: {  	_ =	shalt  }
0x4a: {  	_ =	shalt  }
0x4b: {  	_ =	shalt  }
0x4c: {  	_ =	shalt  }
0x4d: {  	_ =	shalt  }
0x4e: {  	_ =	shalt  }
0x4f: {  	_ =	shalt  }
0x50: {  	_ =	shalt  }
0x51: {  	_ =	shalt  }
0x52: {  	_ =	shalt  }
0x53: {  	_ =	shalt  }
0x54: {  	_ =	shalt  }
0x55: {  	_ =	shalt  }
0x56: {  	_ =	shalt  }
0x57: {  	_ =	shalt  }
0x58: {  	_ =	shalt  }
0x59: {  	_ =	shalt  }
0x5a: {  	_ =	shalt  }
0x5b: {  	_ =	shalt  }
0x5c: {  	_ =	shalt  }
0x5d: {  	_ =	shalt  }
0x5e: {  	_ =	shalt  }
0x5f: {  	_ =	shalt  }
0x60: {  	_ =	shalt  }
0x61: {  	_ =	shalt  }
0x62: {  	_ =	shalt  }
0x63: {  	_ =	shalt  }
0x64: {  	_ =	shalt  }
0x65: {  	_ =	shalt  }
0x66: {  	_ =	shalt  }
0x67: {  	_ =	shalt  }
0x68: {  	_ =	shalt  }
0x69: {  	_ =	shalt  }
0x6a: {  	_ =	shalt  }
0x6b: {  	_ =	shalt  }
0x6c: {  	_ =	shalt  }
0x6d: {  	_ =	shalt  }
0x6e: {  	_ =	shalt  }
0x6f: {  	_ =	shalt  }
0x70: {  	_ =	shalt  }
0x71: {  	_ =	shalt  }
0x72: {  	_ =	shalt  }
0x73: {  	_ =	shalt  }
0x74: {  	_ =	shalt  }
0x75: {  	_ =	shalt  }
0x76: {  	_ =	shalt  }
0x77: {  	_ =	shalt  }
0x78: {  	_ =	shalt  }
0x79: {  	_ =	shalt  }
0x7a: {  	_ =	shalt  }
0x7b: {  	_ =	shalt  }
0x7c: {  	_ =	shalt  }
0x7d: {  	_ =	shalt  }
0x7e: {  	_ =	shalt  }
0x7f: {  	_ =	shalt  }
0x80: {  	_ =	shalt  }
0x81: {  	_ =	shalt  }
0x82: {  	_ =	shalt  }
0x83: {  	_ =	shalt  }
0x84: {  	_ =	shalt  }
0x85: {  	_ =	shalt  }
0x86: {  	_ =	shalt  }
0x87: {  	_ =	shalt  }
.Lfunc_end0:
.L_simem_size_0:
called_computation_lowered:
.L_overlay_start_0:
0x88: {  	s2 =	sld [smem:$0x3FD9]  }
0x89: {  	s3 =	sld [smem:$0x3FFE];
	_ =	sdelay $0x1  }
0x8a: {  	s1 =	srdreg.scid  }
0x8b: {  	s0 =	sand.u32 $0x1, s1  }
0x8c: {  	s16 =	sshll.u32 s0, $0xA;
	s2 =	sadd.s32 s3, s2  }
0x8d: {  	s2 =	sadd.s32 s2, s16  }
0x8e: {  	[smem:$0x3FBF] =	sst s2  }
0x8f: {  	_ = 	snop  }
0x90: {  	(tm) =	ssettm $0x1  }
0x91: {  	s17 =	sld [smem:$0x3FFB];
	_ =	sdelay $0x3  }
0x92: {  	_ =	strace s17  }
0x93: {  	s2 =	sld [smem:$0x3FFC];
	_ =	sdelay $0x3  }
0x94: {  	_ =	strace s2  }
0x95: {  	s2 =	sld [smem:$0x3FFD];
	_ =	sdelay $0x3  }
0x96: {  	_ =	strace s2  }
0x97: {  	_ =	strace $0x8FFFFFFF  }
0x98: {  	s18 =	sld [smem:$0x3FDB];
	_ =	sdelay $0x1  }
0x99: {  	s19 =	simm.s32 $_scs_section_size  }
0x9a: {  	s4 =	simm.s32 $_size__tile_overlayer_lowered;
	s5 =	simm.s32 $_tile_overlayer_lowered  }
0x9b: {  	s22 =	simm.s32 $0x1BFF;
	s21 =	sshll.u32 s5, $0x1;
	s2 =	sadd.s32 s19, s18  }
0x9c: {  	s6 =	simm.s32 $0x0;
	s20 =	sshll.u32 s4, $0x1;
	s4 =	sadd.s32 s21, s2  }
0x9d: {  	[timem:s6], [sflag:s22] =	dma.local [hbm:s4], s20  }
0x9e: {  	_ =	swait.ge [sflag:s22], s20  }
0x9f: {  	s3 =	ssub.s32 $0x0, s20;
	[sflag:s22] =	ssyncset.done $0x0  }
0xa0: {  	[sflag:s22] =	ssyncadd.s32 s3;
	_ =	sdelay $0x1  }
0xa1: {  	s23 =	simm.s32 $0x1B8B  }
0xa2: {  	_ =	swait.ge [sflag:s23], $0x1  }
0xa3: {  	[sflag:s23] =	ssyncset.done $0x0  }
0xa4: {  	s25 =	simm.s32 $0x1B8E;
	s24 =	sld [smem:$0x3FFE];
	[sflag:s23] =	ssyncadd.s32 $0xFFFFFFFF  }
0xa5: {  	s26 =	simm.s32 $execute0_lowered;
	[smem:$0x3FD2] =	sst s25  }
0xa6: {  	s4 =	sshll.u32 s26, $0x1;
	_ =	strace $0x80000049;
	[dreg:$0x1] =	wrdreg $0xFFFFFFFF  }
0xa7: {  	s28 =	simm.s32 $_size_execute0_lowered;
	s2 =	sadd.s32 s2, s4;
	[dreg:$0x0] =	wrdreg $0x0  }
0xa8: {  	s4 =	sshll.u32 s28, $0x1;
	[dreg:$0x2] =	wrdreg s2  }
0xa9: {  	[dreg:$0x3] =	wrdreg s4  }
0xaa: {  	[dreg:$0x4] =	wrdreg $0xC0  }
0xab: {  	_ =	task [dreg:s6], $0x5FFFF  }
0xac: {  	[dreg:$0x1] =	wrdreg $0xFFFFFFFF  }
0xad: {  	[dreg:$0x0] =	wrdreg $0x60  }
0xae: {  	[dreg:$0x2] =	wrdreg s24  }
0xaf: {  	[dreg:$0x3] =	wrdreg $0x9  }
0xb0: {  	_ =	task.clear_ibuf [dreg:s6], $0x4FFFF;
	_ =	strace $0x90000049  }
0xb1: {  	s29 =	simm.s32 $0x9;
	_ =	strace $0x8000004B  }
0xb2: {  	_ =	swait.ge [sflag:s29], $0x1  }
0xb3: {  	[sflag:s29] =	ssyncadd.s32 $0xFFFFFFFF  }
0xb4: {  	_ =	strace $0x9000004B  }
0xb5: {  	_ =	sfence  }
0xb6: {  	s30 =	sld [smem:$0x0];
	_ =	sdelay $0x2  }
0xb7: {  	s31 =	sshll.u32 s1, $0xD;
	s1 =	sshrl.u32 s1, $0x2  }
0xb8: {  	s3 =	sand.u32 $0x4000, s31;
	s1 =	sadd.s32 s1, s30  }
0xb9: {  	s0 =	sor.u32 s3, s0;
	s1 =	sshll.u32 s1, $0x11  }
0xba: {  	s0 =	sor.u32 s1, s0  }
0xbb: {  	s0 =	sadd.s32 $0x8F2B, s0  }
0xbc: {  	[sflag:s0] =	ssyncadd.remote.s32 $0x1  }
0xbd: {  	_ =	sfence.sel $0xFFFF  }
0xbe: {  	[dreg:$0x0] =	wrdreg $0xFFFFFFFF;
	(pc) =	sbr.abs _section_cstart, $3  }
0xbf: {  	[dreg:$0x1] =	wrdreg $0xFFFFFFFF  }
0xc0: {  	_ =	task.clear_ibuf [dreg:s6], $0x2FFFF;
	_ =	strace $0x9FFFFFFF  }
0xc1: {  	(tm) =	ssettm $0x7FFFFFFF  }
tec
execute0_lowered:
.L_overlay_start_1:
0x0: {  	(tag) =	ssettag $0x1  }
0x1: {  	s8 =	rddreg [dreg:$0x0]  }
0x2: {  	s0 =	rddreg [dreg:$0x1];
	_ =	strace $0x8000004A;
	s1 =	stileid.u32  }
0x3: {  	s3 =	srdreg.scid;
	s4 =	simm.s32 $0x1;
	s7 =	simm.s32 $0x1  }
0x4: {  	s9 =	simm.s32 $0x1;
	s10 =	simm.s32 $0x3;
	s13 =	simm.s32 $0x0  }
0x5: {  	s12 =	simm.s32 $0x0;
	s5 =	sand.u32 $0x1, s3;
	s6 =	sshll.u32 s1, $0x1  }
0x6: {  	s2 =	sadd.s32 $0x9000, s8;
	s3 =	sadd.s32 $0x1CC00, s8;
	s5 =	sor.u32 s6, s5  }
.Ltmp0:
0x7: {  	[sflag:s4] =	ssyncpa.u1 $0x0;
	p0 =	slt.u32 s5, $0x9;
	(pc) =	sbr.rel .LBB2_1-.Ltmp0, $4  }
0x8: {  	s6 =	simm.s32 $0x2;
	s7 =	simm.s32 @!p0 $0x0;
	p0 =	sne.s32 s5, $0x8  }
0x9: {  	[sflag:s6] =	ssyncpa.u1 $0x0;
	s5 =	smul.u32 $0x1F40, s5;
	s9 =	simm.s32 @!p0 $0x0  }
0xa: {  	s8 =	sadd.s32 $0x30800, s8;
	[sflag:s10] =	ssyncpa.u1 $0x0;
	s7 =	sadd.s32 s9, s7  }
0xb: {  	vm0 =	vmmov $0xffff;
	s10 =	simm.s32 $0x0;
	s11 =	smov.u32 s5;
	s9 =	sadd.s32 $0x1, s7  }
.LBB2_4:
0xc: {  	v2 =	vnsel vm1, $0x0, v2  }
0xd: {  	vm1 =	vgt.s32 v0, $0x0;
	v2 =	vmin.u32 v2, $0x4E1FF  }
0xe: {  	v0 =	vnsel vm1, $0x0, v0  }
0xf: {  	v0 =	vmin.u32 v0, $0x4E1FF  }
0x10: {  	[tilespmem:s18], [sflag:$0x1] =	stream.indirect_vreg.gather [hbm4b:s2+s10], $0x1, v1, vm0, $0x4038;
	[tilespmem:$0x7D00] =	vst v63  }
0x11: {  	(ifvalue) =	ssetifvalue $0x7FFFFFFF  }
0x12: {  	[tilespmem:s15], [sflag:$0x1] =	stream.indirect_vreg.gather [hbm4b:s2+s10], $0x1, v2, vm0, $0x4038;
	[tilespmem:$0x7D00] =	vst v63  }
0x13: {  	s29 =	sadd.s32 $0x10, s15;
	(ifvalue) =	ssetifvalue $0x7FFFFFFF  }
0x14: {  	[tilespmem:s29], [sflag:$0x1] =	stream.indirect_vreg.gather [hbm4b:s2+s10], $0x1, v0, vm0, $0x4038;
	[tilespmem:$0x7D00] =	vst v63  }
0x15: {  	_ =	swait.ge [sflag:s4], $0x1F40  }
0x16: {  	s30 =	sshrl.u32 s13, $0x3;
	[sflag:s4] =	ssyncset.done $0x0  }
0x17: {  	s31 =	sand.u32 $0x7, s13;
	s15 =	sadd.s32 s8, s30;
	[sflag:s4] =	ssyncadd.s32 $0xFFFFE0C0  }
0x18: {  	[hbm4b:s15+s31] =	stream.linear.scatter [tilespmem:s14], [sflag:$0x3], $0x1F40, $0x38;
	[tilespmem:$0x7D00] =	vst v63  }
.LBB2_5:
0x19: {  	s15 =	sadd.s32 $0x3E800, s11  }
0x1a: {  	p1 =	sgt.s32 s15, $0x4E1FF  }
0x1b: {  	s15 =	smov.u32 @p1 s5;
	p1 =	sne.s32 s12, s9  }
.Ltmp1:
0x1c: {  	p0 =	slt.u32 s12, $0x2;
	(pc) =	sbr.rel @!p1 .LBB2_6-.Ltmp1, $4  }
0x1d: {  	s14 =	simm.s32 @!p0 $0x3  }
0x1e: {  	_ =	swait.ge @!p0 [sflag:s14], $0x1F40  }
0x1f: {  	s16 =	sadd.s32 $0x1, s12;
	s13 =	smov.u32 s11;
	[sflag:s14] =	ssyncset.done @!p0 $0x0  }
0x20: {  	s12 =	smov.u32 s16;
	s11 =	smov.u32 s15;
	[sflag:s14] =	ssyncadd.s32 @!p0 $0xFFFFE0C0  }
.LBB2_1:
0x21: {  	p0 =	sge.u32 s12, s7  }
0x22: {  	s14 =	sxor.u32 @!p0 $0x1, s12  }
0x23: {  	s14 =	smul.u32 @!p0 $0x7D00, s14  }
0x24: {  	s31 =	sadd.s32 $0xFFFFFFFF, s12;
	s15 =	sshrl.u32 @!p0 s11, $0x3  }
0x25: {  	s16 =	sand.u32 @!p0 $0x7, s11;
	s15 =	sadd.s32 @!p0 s3, s15;
	s14 =	sshra.s32 @!p0 s14, $0x2  }
0x26: {  	[tilespmem:s14], [sflag:$0x2] =	stream.linear.gather @!p0 [hbm4b:s15+s16], $0x1F40, $0x38;
	[tilespmem:$0x7D00] =	vst v63  }
0x27: {  	p0 =	sge.u32 s31, s7  }
.Ltmp2:
0x28: {  	_ = 	snop;
	(pc) =	sbr.rel @p0 .LBB2_5-.Ltmp2, $1  }
0x29: {  	_ =	sdelay $0x3  }
0x2a: {  	s14 =	sand.u32 $0x1, s12  }
0x2b: {  	_ =	swait.ge [sflag:s6], $0x1F40;
	p0 =	seq.s32 s14, $0x1;
	s14 =	simm.s32 $0x1F40  }
0x2c: {  	[sflag:s6] =	ssyncset.done $0x0;
	s14 =	simm.s32 @!p0 $0x0  }
0x2d: {  	[sflag:s6] =	ssyncadd.s32 $0xFFFFE0C0;
	(ifvalue) =	ssetifvalue $0x7FFFFFFF;
	v0 =	vld.msk [tilespmem:s14+$0x0 ss:$0x1], $0xffff;
	_ =	sdelay $0x4  }
0x2e: {  	s15 =	sadd.s32 $0x10, s14;
	vm1 =	vgt.s32 v0, $0x0  }
0x2f: {  	v2 =	vld.msk [tilespmem:s15+$0x0 ss:$0x1], $0xffff;
	v1 =	vnsel vm1, $0x0, v0  }
0x30: {  	v1 =	vmin.u32 v1, $0x4E1FF;
	_ =	sdelay $0x2  }
0x31: {  	s17 =	simm.s32 $0x20;
	s14 =	sadd.s32 $0x3E80, s14;
	s16 =	sadd.s32 $0x10, s15  }
0x32: {  	s15 =	sadd.s32 $0x10, s14;
	s18 =	smov.u32 s14;
	v0 =	vld.msk [tilespmem:s16+$0x0 ss:$0x1], $0xffff;
	vm1 =	vgt.s32 v2, $0x0;
	(ifvalue) =	ssetifvalue $0x7FFFFFFF  }
.LBB2_3:
0x33: {  	[tilespmem:s18], [sflag:$0x1] =	stream.indirect_vreg.gather [hbm4b:s2+s10], $0x1, v1, vm0, $0x4038;
	[tilespmem:$0x7D00] =	vst v63  }
0x34: {  	s17 =	sadd.s32 $0x10, s17  }
0x35: {  	v2 =	vnsel vm1, $0x0, v2;
	p0 =	slt.u32 s17, $0x1F30  }
.Ltmp3:
0x36: {  	s18 =	smov.u32 s15;
	v1 =	vmin.u32 v2, $0x4E1FF;
	(pc) =	sbr.rel @p0 .LBB2_3-.Ltmp3, $3  }
0x37: {  	_ =	sdelay $0x1  }
0x38: {  	s16 =	sadd.s32 $0x10, s16  }
0x39: {  	vm1 =	vgt.s32 v0, $0x0;
	s15 =	sadd.s32 $0x10, s15;
	v2 =	vmov v0;
	(ifvalue) =	ssetifvalue $0x7FFFFFFF;
	v0 =	vld.msk [tilespmem:s16+$0x0 ss:$0x1], $0xffff  }
.Ltmp4:
0x3a: {  	_ = 	snop;
	(pc) =	sbr.rel .LBB2_4-.Ltmp4, $1  }
0x3b: {  	_ =	sdelay $0x3  }
.LBB2_6:
0x3c: {  	_ =	sfence.sel $0x180000  }
0x3d: {  	s2 =	simm.s32 $0x2;
	[bflag:$0x0] =	sbarrier.arrive $0xFFFF  }
0x3e: {  	s30 =	simm.s32 $0x3;
	[sflag:s2] =	ssyncpa.u1 $0x1  }
0x3f: {  	s31 =	simm.s32 $0x1;
	[sflag:s30] =	ssyncpa.u1 $0x1  }
0x40: {  	[sflag:s31] =	ssyncpa.u1 $0x1  }
0x41: {  	p0 =	sne.s32 s1, $0x0;
	_ =	strace $0x9000004A  }
0x42: {  	s0 =	sadd.s32 @!p0 $0x100000, s0;
	[bflag:$0x2] =	sbarrier.arrive $0xFFFF  }
0x43: {  	[sflag:s0] =	ssyncadd.tile.s32 @!p0 $0x1;
	_ =	shalt  }
.Lfunc_end2:
_tile_overlayer_lowered:
.L_overlay_start_2:
0x44: {  	(tag) =	ssettag $0x2  }
0x45: {  	s0 =	rddreg [dreg:$0x0];
	s2 =	stileid.u32  }
0x46: {  	s1 =	rddreg [dreg:$0x1];
	p0 =	sne.s32 s2, $0x0  }
0x47: {  	s3 =	rddreg [dreg:$0x2];
	[bflag:$0x3] =	sbarrier.arrive $0xFFFF;
	s2 =	simm.s32 @!p0 $0x1C01  }
0x48: {  	[timem:s3], [sflag:s2] =	dma.local @!p0 [hbm:s0], s1  }
0x49: {  	s0 =	simm.s32 @!p0 $0x1  }
0x4a: {  	_ =	swait.ge @!p0 [sflag:s0], s1  }
0x4b: {  	s1 =	ssub.s32 @!p0 $0x0, s1;
	[sflag:s0] =	ssyncset.done @!p0 $0x0  }
0x4c: {  	[sflag:s0] =	ssyncadd.s32 @!p0 s1  }
0x4d: {  	[bflag:$0x3] =	sbarrier.arrive $0xFFFF  }
0x4e: {  	_ =	shalt  }

// kernel: kernel.12.cloned.1.call-start
scs
__scs_entry_jumppad:
0x0: {  	(pc) =	sbr.rel $0x88, $3  }
0x1: {  	(tag) =	ssettag $0x0;
	lr =	simm.s32 $0x1  }
0x2: {  	[smem:$0x3F98] =	sst lr;
	_ =	strace $0xD0000000  }
0x3: {  	_ = 	snop  }
0x4: {  	_ = 	snop  }
0x5: {  	_ = 	snop  }
0x6: {  	_ = 	snop  }
0x7: {  	_ = 	snop  }
__scs_overlays_trampoline_lowered:
0x8: {  	[smem:$0x3FA7] =	sst s0  }
0x9: {  	[smem:$0x3FA8] =	sst s1  }
0xa: {  	[smem:$0x3FA9] =	sst s2  }
0xb: {  	[smem:$0x3FAA] =	sst s3  }
0xc: {  	[smem:$0x3FAB] =	sst s4  }
0xd: {  	[smem:$0x3FAC] =	sst s5  }
0xe: {  	[smem:$0x3FAD] =	sst s6  }
0xf: {  	[smem:$0x3FAE] =	sst s7  }
0x10: {  	[smem:$0x3FAF] =	sst s8  }
0x11: {  	[smem:$0x3FB0] =	sst s9;
	s0 =	simm.s32 @!p0 $0x0  }
0x12: {  	s1 =	sld [smem:$0x3F96];
	s0 =	simm.s32 @p0 $0x1  }
0x13: {  	[smem:$0x3FB1] =	sst s0;
	s0 =	simm.s32 @!p1 $0x0  }
0x14: {  	s2 =	sld [smem:$0x3F95];
	s0 =	simm.s32 @p1 $0x1  }
0x15: {  	[smem:$0x3FB2] =	sst s0;
	s0 =	simm.s32 @!p2 $0x0  }
0x16: {  	s3 =	sld [smem:$0x3FDB];
	s0 =	simm.s32 @p2 $0x1  }
0x17: {  	s4 =	simm.s32 $0x1BF5;
	[smem:$0x3FB4] =	sst s0  }
0x18: {  	s0 =	sld [smem:$0x3F97];
	_ =	swait.ge [sflag:s4], $0x0  }
0x19: {  	s7 =	sld [smem:$0x3F98]  }
0x1a: {  	s8 =	sadd.s32 $0xFFFFE003, lr  }
0x1b: {  	s9 =	sadd.s32 $0xFFFFFEF7, lr;
	s5 =	simm.s32 $0xFFFFFFFF;
	p2 =	slt.u32 s8, $0xFFFFF086  }
0x1c: {  	p1 =	slt.u32 s9, $0xF7A;
	s5 =	simm.s32 @!p2 $0x0  }
0x1d: {  	s5 =	simm.s32 @p1 $0x1;
	p0 =	seq.s32 s7, s2  }
0x1e: {  	s7 =	smul.u32 @!p0 $0xF7A, s2;
	p2 =	seq.s32 @!p0 s5, $0x0  }
0x1f: {  	s9 =	smul.u32 $0xF7A, s1;
	s8 =	simm.s32 @!p0 $0x1BF5;
	p2 =	por !p2, p0  }
0x20: {  	[sflag:s8] =	ssyncset.s32 @!p0 $0xFFFFF086;
	s6 =	sadd.s32 @!p0 s3, s7;
	s7 =	simm.s32 @!p0 $0x108  }
0x21: {  	s3 =	sadd.s32 s3, s9;
	s6 =	sadd.s32 @!p0 $0x88, s6;
	s7 =	simm.s32 @p2 $0x1082  }
0x22: {  	[simem:s7], [sflag:s8] =	dma.local @!p0 [hbm:s6], $0xF7A  }
0x23: {  	s9 =	sor.u32 $0xD0000000, s2;
	s6 =	simm.s32 $0x108;
	_ =	swait.ge @!p0 [sflag:s8], $0x0  }
0x24: {  	s3 =	sadd.s32 $0x88, s3;
	s6 =	simm.s32 @!p1 $0x1082;
	[sflag:s4] =	ssyncset.s32 $0xFFFFF086  }
0x25: {  	[simem:s6], [sflag:s4] =	dma.local [hbm:s3], $0xF7A  }
0x26: {  	[smem:$0x3F98] =	sst s1;
	(tag) =	ssettag s2;
	_ =	strace s9  }
0x27: {  	s1 =	sld [smem:$0x3FA8]  }
0x28: {  	s2 =	sld [smem:$0x3FA9]  }
0x29: {  	s4 =	sld [smem:$0x3FAB]  }
0x2a: {  	p0 =	seq.s32 s5, $0x0;
	s5 =	sld [smem:$0x3FAC]  }
0x2b: {  	s6 =	sld [smem:$0x3FAD]  }
0x2c: {  	s7 =	sld [smem:$0x3FAE]  }
0x2d: {  	s3 =	simm.s32 $0x108;
	s8 =	sld [smem:$0x3FAF]  }
0x2e: {  	s3 =	simm.s32 @!p0 $0x1082;
	s9 =	sld [smem:$0x3FB0]  }
0x2f: {  	lr =	sadd.s32 s0, s3;
	s0 =	sld [smem:$0x3FA7]  }
0x30: {  	s3 =	sld [smem:$0x3FAA]  }
0x31: {  	[smem:$0x3FB3] =	sst s10  }
0x32: {  	s10 =	sld [smem:$0x3FB1];
	_ =	sdelay $0x3  }
0x33: {  	p0 =	seq.s32 s10, $0x1;
	s10 =	sld [smem:$0x3FB3];
	_ =	sdelay $0x3  }
0x34: {  	[smem:$0x3FB3] =	sst s10  }
0x35: {  	s10 =	sld [smem:$0x3FB2];
	_ =	sdelay $0x3  }
0x36: {  	p1 =	seq.s32 s10, $0x1;
	s10 =	sld [smem:$0x3FB3];
	_ =	sdelay $0x3  }
0x37: {  	[smem:$0x3FB3] =	sst s10  }
0x38: {  	s10 =	sld [smem:$0x3FB4]  }
0x39: {  	_ = 	snop;
	(pc) =	sbr.ind lr, $3  }
0x3a: {  	_ = 	snop  }
0x3b: {  	_ = 	snop  }
0x3c: {  	p2 =	seq.s32 s10, $0x1;
	s10 =	sld [smem:$0x3FB3]  }
0x3d: {  	_ =	shalt  }
0x3e: {  	_ =	shalt  }
0x3f: {  	_ =	shalt  }
0x40: {  	_ =	shalt  }
0x41: {  	_ =	shalt  }
0x42: {  	_ =	shalt  }
0x43: {  	_ =	shalt  }
0x44: {  	_ =	shalt  }
0x45: {  	_ =	shalt  }
0x46: {  	_ =	shalt  }
0x47: {  	_ =	shalt  }
0x48: {  	_ =	shalt  }
0x49: {  	_ =	shalt  }
0x4a: {  	_ =	shalt  }
0x4b: {  	_ =	shalt  }
0x4c: {  	_ =	shalt  }
0x4d: {  	_ =	shalt  }
0x4e: {  	_ =	shalt  }
0x4f: {  	_ =	shalt  }
0x50: {  	_ =	shalt  }
0x51: {  	_ =	shalt  }
0x52: {  	_ =	shalt  }
0x53: {  	_ =	shalt  }
0x54: {  	_ =	shalt  }
0x55: {  	_ =	shalt  }
0x56: {  	_ =	shalt  }
0x57: {  	_ =	shalt  }
0x58: {  	_ =	shalt  }
0x59: {  	_ =	shalt  }
0x5a: {  	_ =	shalt  }
0x5b: {  	_ =	shalt  }
0x5c: {  	_ =	shalt  }
0x5d: {  	_ =	shalt  }
0x5e: {  	_ =	shalt  }
0x5f: {  	_ =	shalt  }
0x60: {  	_ =	shalt  }
0x61: {  	_ =	shalt  }
0x62: {  	_ =	shalt  }
0x63: {  	_ =	shalt  }
0x64: {  	_ =	shalt  }
0x65: {  	_ =	shalt  }
0x66: {  	_ =	shalt  }
0x67: {  	_ =	shalt  }
0x68: {  	_ =	shalt  }
0x69: {  	_ =	shalt  }
0x6a: {  	_ =	shalt  }
0x6b: {  	_ =	shalt  }
0x6c: {  	_ =	shalt  }
0x6d: {  	_ =	shalt  }
0x6e: {  	_ =	shalt  }
0x6f: {  	_ =	shalt  }
0x70: {  	_ =	shalt  }
0x71: {  	_ =	shalt  }
0x72: {  	_ =	shalt  }
0x73: {  	_ =	shalt  }
0x74: {  	_ =	shalt  }
0x75: {  	_ =	shalt  }
0x76: {  	_ =	shalt  }
0x77: {  	_ =	shalt  }
0x78: {  	_ =	shalt  }
0x79: {  	_ =	shalt  }
0x7a: {  	_ =	shalt  }
0x7b: {  	_ =	shalt  }
0x7c: {  	_ =	shalt  }
0x7d: {  	_ =	shalt  }
0x7e: {  	_ =	shalt  }
0x7f: {  	_ =	shalt  }
0x80: {  	_ =	shalt  }
0x81: {  	_ =	shalt  }
0x82: {  	_ =	shalt  }
0x83: {  	_ =	shalt  }
0x84: {  	_ =	shalt  }
0x85: {  	_ =	shalt  }
0x86: {  	_ =	shalt  }
0x87: {  	_ =	shalt  }
.Lfunc_end0:
.L_simem_size_0:
called_computation.4_lowered:
.L_overlay_start_0:
0x88: {  	s2 =	sld [smem:$0x3FD9]  }
0x89: {  	s3 =	sld [smem:$0x3FFE];
	_ =	sdelay $0x1  }
0x8a: {  	s1 =	srdreg.scid  }
0x8b: {  	s0 =	sand.u32 $0x1, s1  }
0x8c: {  	s17 =	sshll.u32 s0, $0xA;
	s2 =	sadd.s32 s3, s2  }
0x8d: {  	s2 =	sadd.s32 s2, s17  }
0x8e: {  	[smem:$0x3FBF] =	sst s2  }
0x8f: {  	_ = 	snop  }
0x90: {  	s2 =	sld [smem:$0x3FC9];
	(tm) =	ssettm $0x1  }
0x91: {  	s18 =	sld [smem:$0x3FFB];
	_ =	sdelay $0x3  }
0x92: {  	_ =	strace s18  }
0x93: {  	s3 =	sld [smem:$0x3FFC];
	_ =	sdelay $0x3  }
0x94: {  	_ =	strace s3  }
0x95: {  	s3 =	sld [smem:$0x3FFD];
	_ =	sdelay $0x3  }
0x96: {  	_ =	strace s3  }
0x97: {  	_ =	strace $0x8FFFFFFF  }
0x98: {  	s19 =	sld [smem:$0x3FDB];
	_ =	sdelay $0x1  }
0x99: {  	s4 =	simm.s32 $_scs_section_size  }
0x9a: {  	s5 =	simm.s32 $_size__tile_overlayer_lowered;
	s6 =	simm.s32 $_tile_overlayer_lowered  }
0x9b: {  	s22 =	simm.s32 $0x1BFF;
	s21 =	sshll.u32 s6, $0x1;
	s3 =	sadd.s32 s4, s19  }
0x9c: {  	s7 =	simm.s32 $0x0;
	s20 =	sshll.u32 s5, $0x1;
	s5 =	sadd.s32 s21, s3  }
0x9d: {  	[timem:s7], [sflag:s22] =	dma.local [hbm:s5], s20  }
0x9e: {  	_ =	swait.ge [sflag:s22], s20  }
0x9f: {  	s4 =	ssub.s32 $0x0, s20;
	[sflag:s22] =	ssyncset.done $0x0  }
0xa0: {  	[sflag:s22] =	ssyncadd.s32 s4;
	_ =	sdelay $0x1  }
0xa1: {  	s23 =	simm.s32 $0x1B8B  }
0xa2: {  	_ =	swait.ge [sflag:s23], $0x1  }
0xa3: {  	[sflag:s23] =	ssyncset.done $0x0  }
0xa4: {  	s25 =	simm.s32 $0x1B8E;
	s24 =	sld [smem:$0x3FFE];
	[sflag:s23] =	ssyncadd.s32 $0xFFFFFFFF  }
0xa5: {  	s26 =	simm.s32 $execute0_lowered;
	[smem:$0x3FD2] =	sst s25  }
0xa6: {  	s5 =	sshll.u32 s26, $0x1;
	_ =	strace $0x80000052;
	[dreg:$0x1] =	wrdreg $0xFFFFFFFF  }
0xa7: {  	s28 =	simm.s32 $_size_execute0_lowered;
	s3 =	sadd.s32 s3, s5;
	[dreg:$0x0] =	wrdreg $0x0  }
0xa8: {  	s5 =	sshll.u32 s28, $0x1;
	[dreg:$0x2] =	wrdreg s3  }
0xa9: {  	[dreg:$0x3] =	wrdreg s5  }
0xaa: {  	[dreg:$0x4] =	wrdreg $0xC0  }
0xab: {  	_ =	task [dreg:s7], $0x5FFFF  }
0xac: {  	[dreg:$0x1] =	wrdreg $0xFFFFFFFF  }
0xad: {  	[dreg:$0x0] =	wrdreg $0x60  }
0xae: {  	[dreg:$0x2] =	wrdreg s2  }
0xaf: {  	[dreg:$0x3] =	wrdreg s24  }
0xb0: {  	[dreg:$0x4] =	wrdreg $0xA8000  }
0xb1: {  	[dreg:$0x5] =	wrdreg $0x9  }
0xb2: {  	_ =	task.clear_ibuf [dreg:s7], $0x6FFFF;
	_ =	strace $0x90000052  }
0xb3: {  	s29 =	simm.s32 $0x9;
	_ =	strace $0x80000054  }
0xb4: {  	_ =	swait.ge [sflag:s29], $0x1  }
0xb5: {  	[sflag:s29] =	ssyncadd.s32 $0xFFFFFFFF  }
0xb6: {  	_ =	strace $0x90000054  }
0xb7: {  	_ =	sfence  }
0xb8: {  	s30 =	sld [smem:$0x0];
	_ =	sdelay $0x2  }
0xb9: {  	s31 =	sshll.u32 s1, $0xD;
	s1 =	sshrl.u32 s1, $0x2  }
0xba: {  	s3 =	sand.u32 $0x4000, s31;
	s1 =	sadd.s32 s1, s30  }
0xbb: {  	s0 =	sor.u32 s3, s0;
	s1 =	sshll.u32 s1, $0x11  }
0xbc: {  	s0 =	sor.u32 s1, s0  }
0xbd: {  	s0 =	sadd.s32 $0x8F2B, s0  }
0xbe: {  	[sflag:s0] =	ssyncadd.remote.s32 $0x1  }
0xbf: {  	_ =	sfence.sel $0xFFFF  }
0xc0: {  	[dreg:$0x0] =	wrdreg $0xFFFFFFFF;
	(pc) =	sbr.abs _section_cstart, $3  }
0xc1: {  	[dreg:$0x1] =	wrdreg $0xFFFFFFFF  }
0xc2: {  	_ =	task.clear_ibuf [dreg:s7], $0x2FFFF;
	_ =	strace $0x9FFFFFFF  }
0xc3: {  	(tm) =	ssettm $0x7FFFFFFF  }
tec
execute0_lowered:
.L_overlay_start_1:
0x0: {  	(tag) =	ssettag $0x1  }
0x1: {  	s1 =	rddreg [dreg:$0x0]  }
0x2: {  	s5 =	rddreg [dreg:$0x1]  }
0x3: {  	s3 =	rddreg [dreg:$0x2]  }
0x4: {  	s0 =	rddreg [dreg:$0x3];
	s6 =	srdreg.scid  }
0x5: {  	s4 =	simm.s32 $0x0;
	s2 =	stileid.u32;
	s14 =	simm.s32 $0x50  }
0x6: {  	s15 =	simm.s32 $0x8000;
	s16 =	simm.s32 $0x1;
	s17 =	simm.s32 $0x0  }
0x7: {  	s6 =	sand.u32 $0x1, s6;
	s8 =	sshll.u32 s2, $0xB;
	s9 =	smul.u32 $0x14000, s2  }
0x8: {  	[smem:$0x7FF] =	sst s4;
	s29 =	smul.u32 $0x50000, s2;
	s31 =	sshll.u32 s2, $0x6  }
0x9: {  	s7 =	sshll.u32 s6, $0xF;
	s26 =	smul.u32 $0x140000, s6;
	_ =	strace $0x80000053  }
0xa: {  	s6 =	ssub.s32 $0x2, s6;
	s7 =	sor.u32 s8, s7;
	s28 =	sshrl.u32 s9, $0x3  }
0xb: {  	s11 =	sshrl.u32 s6, $0x1;
	s30 =	sshrl.u32 s29, $0x2;
	s10 =	sadd.s32 s7, s5  }
0xc: {  	s8 =	sadd.s32 s9, s26;
	s7 =	sadd.s32 s28, s5;
	s11 =	ssub.s32 s6, s11  }
0xd: {  	s13 =	sadd.s32 s30, s3;
	s6 =	sor.u32 $0x1C02, s31;
	s8 =	sshrl.u32 s8, $0x3  }
0xe: {  	s12 =	sadd.s32 s8, s5;
	s5 =	sadd.s32 $0x41000, s7;
	s7 =	sadd.s32 $0x21000, s10  }
0xf: {  	s8 =	sadd.s32 $0x31000, s10;
	s10 =	smax.u32 s11, $0x1;
	s11 =	sshrl.u32 s13, $0x3  }
0x10: {  	s13 =	simm.s32 $0x4000;
	s9 =	sadd.s32 $0x69000, s12;
	s12 =	simm.s32 $0x2  }
.LBB2_1:
0x11: {  	[spmem:s11], [sflag:s6] =	dma.local [hbm:s5], $0x2800  }
0x12: {  	_ =	swait.ge [sflag:s12], $0x2800  }
0x13: {  	[sflag:s12] =	ssyncset.done $0x0  }
0x14: {  	[sflag:s12] =	ssyncadd.s32 $0xFFFFD800  }
0x15: {  	[tilespmem:s4], [sflag:$0x2] =	stream.linear.gather [hbm4b:s7+s4], $0x3F00, $0x38;
	[tilespmem:$0x1E800] =	vst v63  }
0x16: {  	_ =	swait.ge [sflag:s12], $0x3F00  }
0x17: {  	[sflag:s12] =	ssyncset.done $0x0  }
0x18: {  	[sflag:s12] =	ssyncadd.s32 $0xFFFFC100  }
0x19: {  	[tilespmem:s13], [sflag:$0x2] =	stream.linear.gather [hbm4b:s8+s4], $0x3F00, $0x38;
	[tilespmem:$0x1E800] =	vst v63  }
0x1a: {  	_ =	swait.ge [sflag:s12], $0x3F00  }
0x1b: {  	[sflag:s12] =	ssyncset.done $0x0  }
0x1c: {  	[sflag:s12] =	ssyncadd.s32 $0xFFFFC100  }
0x1d: {  	s18 =	simm.s32 $0x0;
	[bflag:$0x0] =	sbarrier.arrive $0xFFFF  }
0x1e: {  	[tilespmem:s15], [sflag:$0x1] =	stream.indirect.gather [hbm4b:s1+s14], $0x80, s18, s14, $0xb8;
	[tilespmem:$0x1E800] =	vst v63  }
0x1f: {  	_ =	swait.ge [sflag:s16], $0x2800  }
0x20: {  	[sflag:s16] =	ssyncset.done $0x0  }
0x21: {  	s31 =	simm.s32 $0x4000;
	[sflag:s16] =	ssyncadd.s32 $0xFFFFD800  }
0x22: {  	[spmem:s3] =	stream.indirect.scatter.add.f32 [tilespmem:s15], [sflag:$0x2], $0x80, s31, s14, $0xb8;
	[tilespmem:$0x1E800] =	vst v63  }
0x23: {  	_ =	swait.ge [sflag:s12], $0x2800  }
0x24: {  	s19 =	simm.s32 $0x400;
	s18 =	simm.s32 $0x200;
	[sflag:s12] =	ssyncset.done $0x0  }
.LBB2_2:
0x25: {  	s20 =	sshra.s32 s18, $0x2  }
0x26: {  	[sflag:s12] =	ssyncadd.s32 $0xFFFFD800;
	s18 =	smov.u32 s19;
	s21 =	sadd.s32 $0x200, s19  }
0x27: {  	[tilespmem:s15], [sflag:$0x1] =	stream.indirect.gather [hbm4b:s1+s14], $0x80, s20, s14, $0xb8;
	[tilespmem:$0x1E800] =	vst v63  }
0x28: {  	p0 =	sne.s32 s19, $0xFA00;
	_ =	swait.ge [sflag:s16], $0x2800  }
.Ltmp0:
0x29: {  	[sflag:s16] =	ssyncset.done $0x0;
	(pc) =	sbr.rel @p0 .LBB2_2-.Ltmp0, $4  }
0x2a: {  	s19 =	sadd.s32 $0x4000, s20;
	[sflag:s16] =	ssyncadd.s32 $0xFFFFD800  }
0x2b: {  	[spmem:s3] =	stream.indirect.scatter.add.f32 [tilespmem:s15], [sflag:$0x2], $0x80, s19, s14, $0xb8;
	[tilespmem:$0x1E800] =	vst v63  }
0x2c: {  	_ =	swait.ge [sflag:s12], $0x2800  }
0x2d: {  	s19 =	smov.u32 s21;
	[sflag:s12] =	ssyncset.done $0x0  }
0x2e: {  	s18 =	sshra.s32 s18, $0x2;
	[sflag:s12] =	ssyncadd.s32 $0xFFFFD800  }
0x2f: {  	[tilespmem:s15], [sflag:$0x1] =	stream.indirect.gather [hbm4b:s1+s14], $0x80, s18, s14, $0xb8;
	[tilespmem:$0x1E800] =	vst v63  }
0x30: {  	_ =	swait.ge [sflag:s16], $0x2800  }
0x31: {  	[sflag:s16] =	ssyncset.done $0x0  }
0x32: {  	s18 =	sadd.s32 $0x4000, s18;
	[sflag:s16] =	ssyncadd.s32 $0xFFFFD800  }
0x33: {  	[spmem:s3] =	stream.indirect.scatter.add.f32 [tilespmem:s15], [sflag:$0x2], $0x80, s18, s14, $0xb8;
	[tilespmem:$0x1E800] =	vst v63  }
0x34: {  	_ =	swait.ge [sflag:s12], $0x2800  }
0x35: {  	s17 =	sadd.s32 $0x1, s17;
	[sflag:s12] =	ssyncset.done $0x0  }
0x36: {  	p0 =	sne.s32 s17, s10;
	[sflag:s12] =	ssyncadd.s32 $0xFFFFD800  }
.Ltmp1:
0x37: {  	[bflag:$0x0] =	sbarrier.arrive $0xFFFF;
	(pc) =	sbr.rel @p0 .LBB2_1-.Ltmp1, $4  }
0x38: {  	[hbm:s9], [sflag:s6] =	dma.local [spmem:s11], $0x2800  }
0x39: {  	_ =	swait.ge [sflag:s12], $0x2800  }
0x3a: {  	[sflag:s12] =	ssyncset.done $0x0  }
0x3b: {  	[sflag:s12] =	ssyncadd.s32 $0xFFFFD800  }
0x3c: {  	_ =	sfence.sel $0x180000  }
0x3d: {  	[bflag:$0x0] =	sbarrier.arrive $0xFFFF  }
0x3e: {  	p0 =	sne.s32 s2, $0x0;
	_ =	strace $0x90000053  }
0x3f: {  	s0 =	sadd.s32 @!p0 $0x100000, s0;
	[bflag:$0x2] =	sbarrier.arrive $0xFFFF  }
0x40: {  	[sflag:s0] =	ssyncadd.tile.s32 @!p0 $0x1;
	_ =	shalt  }
.Lfunc_end2:
_tile_overlayer_lowered:
.L_overlay_start_2:
0x41: {  	(tag) =	ssettag $0x2  }
0x42: {  	s0 =	rddreg [dreg:$0x0];
	s2 =	stileid.u32  }
0x43: {  	s1 =	rddreg [dreg:$0x1];
	p0 =	sne.s32 s2, $0x0  }
0x44: {  	s3 =	rddreg [dreg:$0x2];
	[bflag:$0x3] =	sbarrier.arrive $0xFFFF;
	s2 =	simm.s32 @!p0 $0x1C02  }
0x45: {  	[timem:s3], [sflag:s2] =	dma.local @!p0 [hbm:s0], s1  }
0x46: {  	s0 =	simm.s32 @!p0 $0x2  }
0x47: {  	_ =	swait.ge @!p0 [sflag:s0], s1  }
0x48: {  	s1 =	ssub.s32 @!p0 $0x0, s1;
	[sflag:s0] =	ssyncset.done @!p0 $0x0  }
0x49: {  	[sflag:s0] =	ssyncadd.s32 @!p0 s1  }
0x4a: {  	[bflag:$0x3] =	sbarrier.arrive $0xFFFF  }
0x4b: {  	_ =	shalt  }

// kernel: kernel.15.cloned.1.call-start
scs
__scs_entry_jumppad:
0x0: {  	(pc) =	sbr.rel $0x88, $3  }
0x1: {  	(tag) =	ssettag $0x0;
	lr =	simm.s32 $0x1  }
0x2: {  	[smem:$0x3F98] =	sst lr;
	_ =	strace $0xD0000000  }
0x3: {  	_ = 	snop  }
0x4: {  	_ = 	snop  }
0x5: {  	_ = 	snop  }
0x6: {  	_ = 	snop  }
0x7: {  	_ = 	snop  }
__scs_overlays_trampoline_lowered:
0x8: {  	[smem:$0x3FA7] =	sst s0  }
0x9: {  	[smem:$0x3FA8] =	sst s1  }
0xa: {  	[smem:$0x3FA9] =	sst s2  }
0xb: {  	[smem:$0x3FAA] =	sst s3  }
0xc: {  	[smem:$0x3FAB] =	sst s4  }
0xd: {  	[smem:$0x3FAC] =	sst s5  }
0xe: {  	[smem:$0x3FAD] =	sst s6  }
0xf: {  	[smem:$0x3FAE] =	sst s7  }
0x10: {  	[smem:$0x3FAF] =	sst s8  }
0x11: {  	[smem:$0x3FB0] =	sst s9;
	s0 =	simm.s32 @!p0 $0x0  }
0x12: {  	s1 =	sld [smem:$0x3F96];
	s0 =	simm.s32 @p0 $0x1  }
0x13: {  	[smem:$0x3FB1] =	sst s0;
	s0 =	simm.s32 @!p1 $0x0  }
0x14: {  	s2 =	sld [smem:$0x3F95];
	s0 =	simm.s32 @p1 $0x1  }
0x15: {  	[smem:$0x3FB2] =	sst s0;
	s0 =	simm.s32 @!p2 $0x0  }
0x16: {  	s3 =	sld [smem:$0x3FDB];
	s0 =	simm.s32 @p2 $0x1  }
0x17: {  	s4 =	simm.s32 $0x1BF5;
	[smem:$0x3FB4] =	sst s0  }
0x18: {  	s0 =	sld [smem:$0x3F97];
	_ =	swait.ge [sflag:s4], $0x0  }
0x19: {  	s7 =	sld [smem:$0x3F98]  }
0x1a: {  	s8 =	sadd.s32 $0xFFFFE003, lr  }
0x1b: {  	s9 =	sadd.s32 $0xFFFFFEF7, lr;
	s5 =	simm.s32 $0xFFFFFFFF;
	p2 =	slt.u32 s8, $0xFFFFF086  }
0x1c: {  	p1 =	slt.u32 s9, $0xF7A;
	s5 =	simm.s32 @!p2 $0x0  }
0x1d: {  	s5 =	simm.s32 @p1 $0x1;
	p0 =	seq.s32 s7, s2  }
0x1e: {  	s7 =	smul.u32 @!p0 $0xF7A, s2;
	p2 =	seq.s32 @!p0 s5, $0x0  }
0x1f: {  	s9 =	smul.u32 $0xF7A, s1;
	s8 =	simm.s32 @!p0 $0x1BF5;
	p2 =	por !p2, p0  }
0x20: {  	[sflag:s8] =	ssyncset.s32 @!p0 $0xFFFFF086;
	s6 =	sadd.s32 @!p0 s3, s7;
	s7 =	simm.s32 @!p0 $0x108  }
0x21: {  	s3 =	sadd.s32 s3, s9;
	s6 =	sadd.s32 @!p0 $0x88, s6;
	s7 =	simm.s32 @p2 $0x1082  }
0x22: {  	[simem:s7], [sflag:s8] =	dma.local @!p0 [hbm:s6], $0xF7A  }
0x23: {  	s9 =	sor.u32 $0xD0000000, s2;
	s6 =	simm.s32 $0x108;
	_ =	swait.ge @!p0 [sflag:s8], $0x0  }
0x24: {  	s3 =	sadd.s32 $0x88, s3;
	s6 =	simm.s32 @!p1 $0x1082;
	[sflag:s4] =	ssyncset.s32 $0xFFFFF086  }
0x25: {  	[simem:s6], [sflag:s4] =	dma.local [hbm:s3], $0xF7A  }
0x26: {  	[smem:$0x3F98] =	sst s1;
	(tag) =	ssettag s2;
	_ =	strace s9  }
0x27: {  	s1 =	sld [smem:$0x3FA8]  }
0x28: {  	s2 =	sld [smem:$0x3FA9]  }
0x29: {  	s4 =	sld [smem:$0x3FAB]  }
0x2a: {  	p0 =	seq.s32 s5, $0x0;
	s5 =	sld [smem:$0x3FAC]  }
0x2b: {  	s6 =	sld [smem:$0x3FAD]  }
0x2c: {  	s7 =	sld [smem:$0x3FAE]  }
0x2d: {  	s3 =	simm.s32 $0x108;
	s8 =	sld [smem:$0x3FAF]  }
0x2e: {  	s3 =	simm.s32 @!p0 $0x1082;
	s9 =	sld [smem:$0x3FB0]  }
0x2f: {  	lr =	sadd.s32 s0, s3;
	s0 =	sld [smem:$0x3FA7]  }
0x30: {  	s3 =	sld [smem:$0x3FAA]  }
0x31: {  	[smem:$0x3FB3] =	sst s10  }
0x32: {  	s10 =	sld [smem:$0x3FB1];
	_ =	sdelay $0x3  }
0x33: {  	p0 =	seq.s32 s10, $0x1;
	s10 =	sld [smem:$0x3FB3];
	_ =	sdelay $0x3  }
0x34: {  	[smem:$0x3FB3] =	sst s10  }
0x35: {  	s10 =	sld [smem:$0x3FB2];
	_ =	sdelay $0x3  }
0x36: {  	p1 =	seq.s32 s10, $0x1;
	s10 =	sld [smem:$0x3FB3];
	_ =	sdelay $0x3  }
0x37: {  	[smem:$0x3FB3] =	sst s10  }
0x38: {  	s10 =	sld [smem:$0x3FB4]  }
0x39: {  	_ = 	snop;
	(pc) =	sbr.ind lr, $3  }
0x3a: {  	_ = 	snop  }
0x3b: {  	_ = 	snop  }
0x3c: {  	p2 =	seq.s32 s10, $0x1;
	s10 =	sld [smem:$0x3FB3]  }
0x3d: {  	_ =	shalt  }
0x3e: {  	_ =	shalt  }
0x3f: {  	_ =	shalt  }
0x40: {  	_ =	shalt  }
0x41: {  	_ =	shalt  }
0x42: {  	_ =	shalt  }
0x43: {  	_ =	shalt  }
0x44: {  	_ =	shalt  }
0x45: {  	_ =	shalt  }
0x46: {  	_ =	shalt  }
0x47: {  	_ =	shalt  }
0x48: {  	_ =	shalt  }
0x49: {  	_ =	shalt  }
0x4a: {  	_ =	shalt  }
0x4b: {  	_ =	shalt  }
0x4c: {  	_ =	shalt  }
0x4d: {  	_ =	shalt  }
0x4e: {  	_ =	shalt  }
0x4f: {  	_ =	shalt  }
0x50: {  	_ =	shalt  }
0x51: {  	_ =	shalt  }
0x52: {  	_ =	shalt  }
0x53: {  	_ =	shalt  }
0x54: {  	_ =	shalt  }
0x55: {  	_ =	shalt  }
0x56: {  	_ =	shalt  }
0x57: {  	_ =	shalt  }
0x58: {  	_ =	shalt  }
0x59: {  	_ =	shalt  }
0x5a: {  	_ =	shalt  }
0x5b: {  	_ =	shalt  }
0x5c: {  	_ =	shalt  }
0x5d: {  	_ =	shalt  }
0x5e: {  	_ =	shalt  }
0x5f: {  	_ =	shalt  }
0x60: {  	_ =	shalt  }
0x61: {  	_ =	shalt  }
0x62: {  	_ =	shalt  }
0x63: {  	_ =	shalt  }
0x64: {  	_ =	shalt  }
0x65: {  	_ =	shalt  }
0x66: {  	_ =	shalt  }
0x67: {  	_ =	shalt  }
0x68: {  	_ =	shalt  }
0x69: {  	_ =	shalt  }
0x6a: {  	_ =	shalt  }
0x6b: {  	_ =	shalt  }
0x6c: {  	_ =	shalt  }
0x6d: {  	_ =	shalt  }
0x6e: {  	_ =	shalt  }
0x6f: {  	_ =	shalt  }
0x70: {  	_ =	shalt  }
0x71: {  	_ =	shalt  }
0x72: {  	_ =	shalt  }
0x73: {  	_ =	shalt  }
0x74: {  	_ =	shalt  }
0x75: {  	_ =	shalt  }
0x76: {  	_ =	shalt  }
0x77: {  	_ =	shalt  }
0x78: {  	_ =	shalt  }
0x79: {  	_ =	shalt  }
0x7a: {  	_ =	shalt  }
0x7b: {  	_ =	shalt  }
0x7c: {  	_ =	shalt  }
0x7d: {  	_ =	shalt  }
0x7e: {  	_ =	shalt  }
0x7f: {  	_ =	shalt  }
0x80: {  	_ =	shalt  }
0x81: {  	_ =	shalt  }
0x82: {  	_ =	shalt  }
0x83: {  	_ =	shalt  }
0x84: {  	_ =	shalt  }
0x85: {  	_ =	shalt  }
0x86: {  	_ =	shalt  }
0x87: {  	_ =	shalt  }
.Lfunc_end0:
.L_simem_size_0:
called_computation.5_lowered:
.L_overlay_start_0:
0x88: {  	s2 =	sld [smem:$0x3FD9]  }
0x89: {  	s3 =	sld [smem:$0x3FFE];
	_ =	sdelay $0x1  }
0x8a: {  	s1 =	srdreg.scid  }
0x8b: {  	s0 =	sand.u32 $0x1, s1  }
0x8c: {  	s16 =	sshll.u32 s0, $0xA;
	s2 =	sadd.s32 s3, s2  }
0x8d: {  	s2 =	sadd.s32 s2, s16  }
0x8e: {  	[smem:$0x3FBF] =	sst s2  }
0x8f: {  	_ = 	snop  }
0x90: {  	(tm) =	ssettm $0x1  }
0x91: {  	s17 =	sld [smem:$0x3FFB];
	_ =	sdelay $0x3  }
0x92: {  	_ =	strace s17  }
0x93: {  	s2 =	sld [smem:$0x3FFC];
	_ =	sdelay $0x3  }
0x94: {  	_ =	strace s2  }
0x95: {  	s2 =	sld [smem:$0x3FFD];
	_ =	sdelay $0x3  }
0x96: {  	_ =	strace s2  }
0x97: {  	_ =	strace $0x8FFFFFFF  }
0x98: {  	s18 =	sld [smem:$0x3FDB];
	_ =	sdelay $0x1  }
0x99: {  	s19 =	simm.s32 $_scs_section_size  }
0x9a: {  	s4 =	simm.s32 $_size__tile_overlayer_lowered;
	s5 =	simm.s32 $_tile_overlayer_lowered  }
0x9b: {  	s22 =	simm.s32 $0x1BFF;
	s21 =	sshll.u32 s5, $0x1;
	s2 =	sadd.s32 s19, s18  }
0x9c: {  	s6 =	simm.s32 $0x0;
	s20 =	sshll.u32 s4, $0x1;
	s4 =	sadd.s32 s21, s2  }
0x9d: {  	[timem:s6], [sflag:s22] =	dma.local [hbm:s4], s20  }
0x9e: {  	_ =	swait.ge [sflag:s22], s20  }
0x9f: {  	s3 =	ssub.s32 $0x0, s20;
	[sflag:s22] =	ssyncset.done $0x0  }
0xa0: {  	[sflag:s22] =	ssyncadd.s32 s3;
	_ =	sdelay $0x1  }
0xa1: {  	s23 =	simm.s32 $0x1B8B  }
0xa2: {  	_ =	swait.ge [sflag:s23], $0x1  }
0xa3: {  	[sflag:s23] =	ssyncset.done $0x0  }
0xa4: {  	s25 =	simm.s32 $0x1B8E;
	s24 =	sld [smem:$0x3FFE];
	[sflag:s23] =	ssyncadd.s32 $0xFFFFFFFF  }
0xa5: {  	s26 =	simm.s32 $execute0_lowered;
	[smem:$0x3FD2] =	sst s25  }
0xa6: {  	s4 =	sshll.u32 s26, $0x1;
	_ =	strace $0x80000055;
	[dreg:$0x1] =	wrdreg $0xFFFFFFFF  }
0xa7: {  	s28 =	simm.s32 $_size_execute0_lowered;
	s2 =	sadd.s32 s2, s4;
	[dreg:$0x0] =	wrdreg $0x0  }
0xa8: {  	s4 =	sshll.u32 s28, $0x1;
	[dreg:$0x2] =	wrdreg s2  }
0xa9: {  	[dreg:$0x3] =	wrdreg s4  }
0xaa: {  	[dreg:$0x4] =	wrdreg $0xC0  }
0xab: {  	_ =	task [dreg:s6], $0x5FFFF  }
0xac: {  	[dreg:$0x1] =	wrdreg $0xFFFFFFFF  }
0xad: {  	[dreg:$0x0] =	wrdreg $0x60  }
0xae: {  	[dreg:$0x2] =	wrdreg s24  }
0xaf: {  	[dreg:$0x3] =	wrdreg $0xA8000  }
0xb0: {  	[dreg:$0x4] =	wrdreg $0x9  }
0xb1: {  	_ =	task.clear_ibuf [dreg:s6], $0x5FFFF;
	_ =	strace $0x90000055  }
0xb2: {  	s29 =	simm.s32 $0x9;
	_ =	strace $0x80000057  }
0xb3: {  	_ =	swait.ge [sflag:s29], $0x1  }
0xb4: {  	[sflag:s29] =	ssyncadd.s32 $0xFFFFFFFF  }
0xb5: {  	_ =	strace $0x90000057  }
0xb6: {  	_ =	sfence  }
0xb7: {  	s30 =	sld [smem:$0x0];
	_ =	sdelay $0x2  }
0xb8: {  	s31 =	sshll.u32 s1, $0xD;
	s1 =	sshrl.u32 s1, $0x2  }
0xb9: {  	s3 =	sand.u32 $0x4000, s31;
	s1 =	sadd.s32 s1, s30  }
0xba: {  	s0 =	sor.u32 s3, s0;
	s1 =	sshll.u32 s1, $0x11  }
0xbb: {  	s0 =	sor.u32 s1, s0  }
0xbc: {  	s0 =	sadd.s32 $0x8F2B, s0  }
0xbd: {  	[sflag:s0] =	ssyncadd.remote.s32 $0x1  }
0xbe: {  	_ =	sfence.sel $0xFFFF  }
0xbf: {  	[dreg:$0x0] =	wrdreg $0xFFFFFFFF;
	(pc) =	sbr.abs _section_cstart, $3  }
0xc0: {  	[dreg:$0x1] =	wrdreg $0xFFFFFFFF  }
0xc1: {  	_ =	task.clear_ibuf [dreg:s6], $0x2FFFF;
	_ =	strace $0x9FFFFFFF  }
0xc2: {  	(tm) =	ssettm $0x7FFFFFFF  }
0xc3: {  	_ =	shalt  }
tec
execute0_lowered:
.L_overlay_start_1:
0x0: {  	(tag) =	ssettag $0x1  }
0x1: {  	s5 =	rddreg [dreg:$0x0]  }
0x2: {  	s1 =	rddreg [dreg:$0x1]  }
0x3: {  	s0 =	rddreg [dreg:$0x2];
	s3 =	simm.s32 $0x0;
	s4 =	srdreg.scid  }
0x4: {  	s2 =	stileid.u32;
	s14 =	simm.s32 $0x50;
	s15 =	simm.s32 $0x8000  }
0x5: {  	s16 =	simm.s32 $0x1;
	s17 =	simm.s32 $0x0;
	[smem:$0x7FF] =	sst s3  }
0x6: {  	s6 =	sand.u32 $0x1, s4;
	s7 =	sshll.u32 s2, $0xB;
	s8 =	smul.u32 $0x14000, s2  }
0x7: {  	s29 =	smul.u32 $0x50000, s2;
	s31 =	sshll.u32 s2, $0x6;
	s4 =	sshll.u32 s6, $0xF  }
0x8: {  	_ =	strace $0x80000056;
	s9 =	smul.u32 $0x140000, s6;
	s6 =	ssub.s32 $0x2, s6  }
0x9: {  	s7 =	sor.u32 s7, s4;
	s4 =	sadd.s32 $0x69000, s5;
	s28 =	sshrl.u32 s8, $0x3  }
0xa: {  	s11 =	sshrl.u32 s6, $0x1;
	s30 =	sshrl.u32 s29, $0x2;
	s10 =	sadd.s32 s7, s5  }
0xb: {  	s8 =	sadd.s32 s8, s9;
	s7 =	sadd.s32 s28, s5;
	s11 =	ssub.s32 s6, s11  }
0xc: {  	s13 =	sadd.s32 s30, s1;
	s6 =	sor.u32 $0x1C02, s31;
	s8 =	sshrl.u32 s8, $0x3  }
0xd: {  	s12 =	sadd.s32 s8, s5;
	s5 =	sadd.s32 $0x41000, s7;
	s7 =	sadd.s32 $0x21000, s10  }
0xe: {  	s8 =	sadd.s32 $0x31000, s10;
	s10 =	smax.u32 s11, $0x1;
	s11 =	sshrl.u32 s13, $0x3  }
0xf: {  	s13 =	simm.s32 $0x4000;
	s9 =	sadd.s32 $0x90200, s12;
	s12 =	simm.s32 $0x2  }
.LBB2_1:
0x10: {  	[spmem:s11], [sflag:s6] =	dma.local [hbm:s5], $0x2800  }
0x11: {  	_ =	swait.ge [sflag:s12], $0x2800  }
0x12: {  	[sflag:s12] =	ssyncset.done $0x0  }
0x13: {  	[sflag:s12] =	ssyncadd.s32 $0xFFFFD800  }
0x14: {  	[tilespmem:s3], [sflag:$0x2] =	stream.linear.gather [hbm4b:s7+s3], $0x3F00, $0x38;
	[tilespmem:$0x1E800] =	vst v63  }
0x15: {  	_ =	swait.ge [sflag:s12], $0x3F00  }
0x16: {  	[sflag:s12] =	ssyncset.done $0x0  }
0x17: {  	[sflag:s12] =	ssyncadd.s32 $0xFFFFC100  }
0x18: {  	[tilespmem:s13], [sflag:$0x2] =	stream.linear.gather [hbm4b:s8+s3], $0x3F00, $0x38;
	[tilespmem:$0x1E800] =	vst v63  }
0x19: {  	_ =	swait.ge [sflag:s12], $0x3F00  }
0x1a: {  	[sflag:s12] =	ssyncset.done $0x0  }
0x1b: {  	[sflag:s12] =	ssyncadd.s32 $0xFFFFC100  }
0x1c: {  	s18 =	simm.s32 $0x0;
	[bflag:$0x0] =	sbarrier.arrive $0xFFFF  }
0x1d: {  	[tilespmem:s15], [sflag:$0x1] =	stream.indirect.gather [hbm4b:s4+s14], $0x80, s18, s14, $0xb8;
	[tilespmem:$0x1E800] =	vst v63  }
0x1e: {  	_ =	swait.ge [sflag:s16], $0x2800  }
0x1f: {  	[sflag:s16] =	ssyncset.done $0x0  }
0x20: {  	s31 =	simm.s32 $0x4000;
	[sflag:s16] =	ssyncadd.s32 $0xFFFFD800  }
0x21: {  	[spmem:s1] =	stream.indirect.scatter.add.f32 [tilespmem:s15], [sflag:$0x2], $0x80, s31, s14, $0xb8;
	[tilespmem:$0x1E800] =	vst v63  }
0x22: {  	_ =	swait.ge [sflag:s12], $0x2800  }
0x23: {  	s19 =	simm.s32 $0x400;
	s18 =	simm.s32 $0x200;
	[sflag:s12] =	ssyncset.done $0x0  }
.LBB2_2:
0x24: {  	s20 =	sshra.s32 s18, $0x2  }
0x25: {  	[sflag:s12] =	ssyncadd.s32 $0xFFFFD800;
	s18 =	smov.u32 s19;
	s21 =	sadd.s32 $0x200, s19  }
0x26: {  	[tilespmem:s15], [sflag:$0x1] =	stream.indirect.gather [hbm4b:s4+s14], $0x80, s20, s14, $0xb8;
	[tilespmem:$0x1E800] =	vst v63  }
0x27: {  	p0 =	sne.s32 s19, $0xFA00;
	_ =	swait.ge [sflag:s16], $0x2800  }
.Ltmp0:
0x28: {  	[sflag:s16] =	ssyncset.done $0x0;
	(pc) =	sbr.rel @p0 .LBB2_2-.Ltmp0, $4  }
0x29: {  	s19 =	sadd.s32 $0x4000, s20;
	[sflag:s16] =	ssyncadd.s32 $0xFFFFD800  }
0x2a: {  	[spmem:s1] =	stream.indirect.scatter.add.f32 [tilespmem:s15], [sflag:$0x2], $0x80, s19, s14, $0xb8;
	[tilespmem:$0x1E800] =	vst v63  }
0x2b: {  	_ =	swait.ge [sflag:s12], $0x2800  }
0x2c: {  	s19 =	smov.u32 s21;
	[sflag:s12] =	ssyncset.done $0x0  }
0x2d: {  	s18 =	sshra.s32 s18, $0x2;
	[sflag:s12] =	ssyncadd.s32 $0xFFFFD800  }
0x2e: {  	[tilespmem:s15], [sflag:$0x1] =	stream.indirect.gather [hbm4b:s4+s14], $0x80, s18, s14, $0xb8;
	[tilespmem:$0x1E800] =	vst v63  }
0x2f: {  	_ =	swait.ge [sflag:s16], $0x2800  }
0x30: {  	[sflag:s16] =	ssyncset.done $0x0  }
0x31: {  	s18 =	sadd.s32 $0x4000, s18;
	[sflag:s16] =	ssyncadd.s32 $0xFFFFD800  }
0x32: {  	[spmem:s1] =	stream.indirect.scatter.add.f32 [tilespmem:s15], [sflag:$0x2], $0x80, s18, s14, $0xb8;
	[tilespmem:$0x1E800] =	vst v63  }
0x33: {  	_ =	swait.ge [sflag:s12], $0x2800  }
0x34: {  	s17 =	sadd.s32 $0x1, s17;
	[sflag:s12] =	ssyncset.done $0x0  }
0x35: {  	p0 =	sne.s32 s17, s10;
	[sflag:s12] =	ssyncadd.s32 $0xFFFFD800  }
.Ltmp1:
0x36: {  	[bflag:$0x0] =	sbarrier.arrive $0xFFFF;
	(pc) =	sbr.rel @p0 .LBB2_1-.Ltmp1, $4  }
0x37: {  	[hbm:s9], [sflag:s6] =	dma.local [spmem:s11], $0x2800  }
0x38: {  	_ =	swait.ge [sflag:s12], $0x2800  }
0x39: {  	[sflag:s12] =	ssyncset.done $0x0  }
0x3a: {  	[sflag:s12] =	ssyncadd.s32 $0xFFFFD800  }
0x3b: {  	_ =	sfence.sel $0x180000  }
0x3c: {  	[bflag:$0x0] =	sbarrier.arrive $0xFFFF  }
0x3d: {  	p0 =	sne.s32 s2, $0x0;
	_ =	strace $0x90000056  }
0x3e: {  	s0 =	sadd.s32 @!p0 $0x100000, s0;
	[bflag:$0x2] =	sbarrier.arrive $0xFFFF  }
0x3f: {  	[sflag:s0] =	ssyncadd.tile.s32 @!p0 $0x1;
	_ =	shalt  }
.Lfunc_end2:
_tile_overlayer_lowered:
.L_overlay_start_2:
0x40: {  	(tag) =	ssettag $0x2  }
0x41: {  	s0 =	rddreg [dreg:$0x0];
	s2 =	stileid.u32  }
0x42: {  	s1 =	rddreg [dreg:$0x1];
	p0 =	sne.s32 s2, $0x0  }
0x43: {  	s3 =	rddreg [dreg:$0x2];
	[bflag:$0x3] =	sbarrier.arrive $0xFFFF;
	s2 =	simm.s32 @!p0 $0x1C02  }
0x44: {  	[timem:s3], [sflag:s2] =	dma.local @!p0 [hbm:s0], s1  }
0x45: {  	s0 =	simm.s32 @!p0 $0x2  }
0x46: {  	_ =	swait.ge @!p0 [sflag:s0], s1  }
0x47: {  	s1 =	ssub.s32 @!p0 $0x0, s1;
	[sflag:s0] =	ssyncset.done @!p0 $0x0  }
0x48: {  	[sflag:s0] =	ssyncadd.s32 @!p0 s1  }
0x49: {  	[bflag:$0x3] =	sbarrier.arrive $0xFFFF  }
0x4a: {  	_ =	shalt  }

// kernel: kernel.18.cloned.1.call-start
scs
__scs_entry_jumppad:
0x0: {  	(pc) =	sbr.rel $0x88, $3  }
0x1: {  	(tag) =	ssettag $0x0;
	lr =	simm.s32 $0x1  }
0x2: {  	[smem:$0x3F98] =	sst lr;
	_ =	strace $0xD0000000  }
0x3: {  	_ = 	snop  }
0x4: {  	_ = 	snop  }
0x5: {  	_ = 	snop  }
0x6: {  	_ = 	snop  }
0x7: {  	_ = 	snop  }
__scs_overlays_trampoline_lowered:
0x8: {  	[smem:$0x3FA7] =	sst s0  }
0x9: {  	[smem:$0x3FA8] =	sst s1  }
0xa: {  	[smem:$0x3FA9] =	sst s2  }
0xb: {  	[smem:$0x3FAA] =	sst s3  }
0xc: {  	[smem:$0x3FAB] =	sst s4  }
0xd: {  	[smem:$0x3FAC] =	sst s5  }
0xe: {  	[smem:$0x3FAD] =	sst s6  }
0xf: {  	[smem:$0x3FAE] =	sst s7  }
0x10: {  	[smem:$0x3FAF] =	sst s8  }
0x11: {  	[smem:$0x3FB0] =	sst s9;
	s0 =	simm.s32 @!p0 $0x0  }
0x12: {  	s1 =	sld [smem:$0x3F96];
	s0 =	simm.s32 @p0 $0x1  }
0x13: {  	[smem:$0x3FB1] =	sst s0;
	s0 =	simm.s32 @!p1 $0x0  }
0x14: {  	s2 =	sld [smem:$0x3F95];
	s0 =	simm.s32 @p1 $0x1  }
0x15: {  	[smem:$0x3FB2] =	sst s0;
	s0 =	simm.s32 @!p2 $0x0  }
0x16: {  	s3 =	sld [smem:$0x3FDB];
	s0 =	simm.s32 @p2 $0x1  }
0x17: {  	s4 =	simm.s32 $0x1BF5;
	[smem:$0x3FB4] =	sst s0  }
0x18: {  	s0 =	sld [smem:$0x3F97];
	_ =	swait.ge [sflag:s4], $0x0  }
0x19: {  	s7 =	sld [smem:$0x3F98]  }
0x1a: {  	s8 =	sadd.s32 $0xFFFFE003, lr  }
0x1b: {  	s9 =	sadd.s32 $0xFFFFFEF7, lr;
	s5 =	simm.s32 $0xFFFFFFFF;
	p2 =	slt.u32 s8, $0xFFFFF086  }
0x1c: {  	p1 =	slt.u32 s9, $0xF7A;
	s5 =	simm.s32 @!p2 $0x0  }
0x1d: {  	s5 =	simm.s32 @p1 $0x1;
	p0 =	seq.s32 s7, s2  }
0x1e: {  	s7 =	smul.u32 @!p0 $0xF7A, s2;
	p2 =	seq.s32 @!p0 s5, $0x0  }
0x1f: {  	s9 =	smul.u32 $0xF7A, s1;
	s8 =	simm.s32 @!p0 $0x1BF5;
	p2 =	por !p2, p0  }
0x20: {  	[sflag:s8] =	ssyncset.s32 @!p0 $0xFFFFF086;
	s6 =	sadd.s32 @!p0 s3, s7;
	s7 =	simm.s32 @!p0 $0x108  }
0x21: {  	s3 =	sadd.s32 s3, s9;
	s6 =	sadd.s32 @!p0 $0x88, s6;
	s7 =	simm.s32 @p2 $0x1082  }
0x22: {  	[simem:s7], [sflag:s8] =	dma.local @!p0 [hbm:s6], $0xF7A  }
0x23: {  	s9 =	sor.u32 $0xD0000000, s2;
	s6 =	simm.s32 $0x108;
	_ =	swait.ge @!p0 [sflag:s8], $0x0  }
0x24: {  	s3 =	sadd.s32 $0x88, s3;
	s6 =	simm.s32 @!p1 $0x1082;
	[sflag:s4] =	ssyncset.s32 $0xFFFFF086  }
0x25: {  	[simem:s6], [sflag:s4] =	dma.local [hbm:s3], $0xF7A  }
0x26: {  	[smem:$0x3F98] =	sst s1;
	(tag) =	ssettag s2;
	_ =	strace s9  }
0x27: {  	s1 =	sld [smem:$0x3FA8]  }
0x28: {  	s2 =	sld [smem:$0x3FA9]  }
0x29: {  	s4 =	sld [smem:$0x3FAB]  }
0x2a: {  	p0 =	seq.s32 s5, $0x0;
	s5 =	sld [smem:$0x3FAC]  }
0x2b: {  	s6 =	sld [smem:$0x3FAD]  }
0x2c: {  	s7 =	sld [smem:$0x3FAE]  }
0x2d: {  	s3 =	simm.s32 $0x108;
	s8 =	sld [smem:$0x3FAF]  }
0x2e: {  	s3 =	simm.s32 @!p0 $0x1082;
	s9 =	sld [smem:$0x3FB0]  }
0x2f: {  	lr =	sadd.s32 s0, s3;
	s0 =	sld [smem:$0x3FA7]  }
0x30: {  	s3 =	sld [smem:$0x3FAA]  }
0x31: {  	[smem:$0x3FB3] =	sst s10  }
0x32: {  	s10 =	sld [smem:$0x3FB1];
	_ =	sdelay $0x3  }
0x33: {  	p0 =	seq.s32 s10, $0x1;
	s10 =	sld [smem:$0x3FB3];
	_ =	sdelay $0x3  }
0x34: {  	[smem:$0x3FB3] =	sst s10  }
0x35: {  	s10 =	sld [smem:$0x3FB2];
	_ =	sdelay $0x3  }
0x36: {  	p1 =	seq.s32 s10, $0x1;
	s10 =	sld [smem:$0x3FB3];
	_ =	sdelay $0x3  }
0x37: {  	[smem:$0x3FB3] =	sst s10  }
0x38: {  	s10 =	sld [smem:$0x3FB4]  }
0x39: {  	_ = 	snop;
	(pc) =	sbr.ind lr, $3  }
0x3a: {  	_ = 	snop  }
0x3b: {  	_ = 	snop  }
0x3c: {  	p2 =	seq.s32 s10, $0x1;
	s10 =	sld [smem:$0x3FB3]  }
0x3d: {  	_ =	shalt  }
0x3e: {  	_ =	shalt  }
0x3f: {  	_ =	shalt  }
0x40: {  	_ =	shalt  }
0x41: {  	_ =	shalt  }
0x42: {  	_ =	shalt  }
0x43: {  	_ =	shalt  }
0x44: {  	_ =	shalt  }
0x45: {  	_ =	shalt  }
0x46: {  	_ =	shalt  }
0x47: {  	_ =	shalt  }
0x48: {  	_ =	shalt  }
0x49: {  	_ =	shalt  }
0x4a: {  	_ =	shalt  }
0x4b: {  	_ =	shalt  }
0x4c: {  	_ =	shalt  }
0x4d: {  	_ =	shalt  }
0x4e: {  	_ =	shalt  }
0x4f: {  	_ =	shalt  }
0x50: {  	_ =	shalt  }
0x51: {  	_ =	shalt  }
0x52: {  	_ =	shalt  }
0x53: {  	_ =	shalt  }
0x54: {  	_ =	shalt  }
0x55: {  	_ =	shalt  }
0x56: {  	_ =	shalt  }
0x57: {  	_ =	shalt  }
0x58: {  	_ =	shalt  }
0x59: {  	_ =	shalt  }
0x5a: {  	_ =	shalt  }
0x5b: {  	_ =	shalt  }
0x5c: {  	_ =	shalt  }
0x5d: {  	_ =	shalt  }
0x5e: {  	_ =	shalt  }
0x5f: {  	_ =	shalt  }
0x60: {  	_ =	shalt  }
0x61: {  	_ =	shalt  }
0x62: {  	_ =	shalt  }
0x63: {  	_ =	shalt  }
0x64: {  	_ =	shalt  }
0x65: {  	_ =	shalt  }
0x66: {  	_ =	shalt  }
0x67: {  	_ =	shalt  }
0x68: {  	_ =	shalt  }
0x69: {  	_ =	shalt  }
0x6a: {  	_ =	shalt  }
0x6b: {  	_ =	shalt  }
0x6c: {  	_ =	shalt  }
0x6d: {  	_ =	shalt  }
0x6e: {  	_ =	shalt  }
0x6f: {  	_ =	shalt  }
0x70: {  	_ =	shalt  }
0x71: {  	_ =	shalt  }
0x72: {  	_ =	shalt  }
0x73: {  	_ =	shalt  }
0x74: {  	_ =	shalt  }
0x75: {  	_ =	shalt  }
0x76: {  	_ =	shalt  }
0x77: {  	_ =	shalt  }
0x78: {  	_ =	shalt  }
0x79: {  	_ =	shalt  }
0x7a: {  	_ =	shalt  }
0x7b: {  	_ =	shalt  }
0x7c: {  	_ =	shalt  }
0x7d: {  	_ =	shalt  }
0x7e: {  	_ =	shalt  }
0x7f: {  	_ =	shalt  }
0x80: {  	_ =	shalt  }
0x81: {  	_ =	shalt  }
0x82: {  	_ =	shalt  }
0x83: {  	_ =	shalt  }
0x84: {  	_ =	shalt  }
0x85: {  	_ =	shalt  }
0x86: {  	_ =	shalt  }
0x87: {  	_ =	shalt  }
.Lfunc_end0:
.L_simem_size_0:
called_computation.6_lowered:
.L_overlay_start_0:
0x88: {  	s2 =	sld [smem:$0x3FD9]  }
0x89: {  	s3 =	sld [smem:$0x3FFE];
	_ =	sdelay $0x1  }
0x8a: {  	s1 =	srdreg.scid  }
0x8b: {  	s0 =	sand.u32 $0x1, s1  }
0x8c: {  	s16 =	sshll.u32 s0, $0xA;
	s2 =	sadd.s32 s3, s2  }
0x8d: {  	s2 =	sadd.s32 s2, s16  }
0x8e: {  	[smem:$0x3FBF] =	sst s2  }
0x8f: {  	_ = 	snop  }
0x90: {  	(tm) =	ssettm $0x1  }
0x91: {  	s17 =	sld [smem:$0x3FFB];
	_ =	sdelay $0x3  }
0x92: {  	_ =	strace s17  }
0x93: {  	s2 =	sld [smem:$0x3FFC];
	_ =	sdelay $0x3  }
0x94: {  	_ =	strace s2  }
0x95: {  	s2 =	sld [smem:$0x3FFD];
	_ =	sdelay $0x3  }
0x96: {  	_ =	strace s2  }
0x97: {  	_ =	strace $0x8FFFFFFF  }
0x98: {  	s18 =	sld [smem:$0x3FDB];
	_ =	sdelay $0x1  }
0x99: {  	s19 =	simm.s32 $_scs_section_size  }
0x9a: {  	s4 =	simm.s32 $_size__tile_overlayer_lowered;
	s5 =	simm.s32 $_tile_overlayer_lowered  }
0x9b: {  	s22 =	simm.s32 $0x1BFF;
	s21 =	sshll.u32 s5, $0x1;
	s2 =	sadd.s32 s19, s18  }
0x9c: {  	s6 =	simm.s32 $0x0;
	s20 =	sshll.u32 s4, $0x1;
	s4 =	sadd.s32 s21, s2  }
0x9d: {  	[timem:s6], [sflag:s22] =	dma.local [hbm:s4], s20  }
0x9e: {  	_ =	swait.ge [sflag:s22], s20  }
0x9f: {  	s3 =	ssub.s32 $0x0, s20;
	[sflag:s22] =	ssyncset.done $0x0  }
0xa0: {  	[sflag:s22] =	ssyncadd.s32 s3;
	_ =	sdelay $0x1  }
0xa1: {  	s23 =	simm.s32 $0x1B8B  }
0xa2: {  	_ =	swait.ge [sflag:s23], $0x1  }
0xa3: {  	[sflag:s23] =	ssyncset.done $0x0  }
0xa4: {  	s25 =	simm.s32 $0x1B8E;
	s24 =	sld [smem:$0x3FFE];
	[sflag:s23] =	ssyncadd.s32 $0xFFFFFFFF  }
0xa5: {  	s26 =	simm.s32 $execute0_lowered;
	[smem:$0x3FD2] =	sst s25  }
0xa6: {  	s4 =	sshll.u32 s26, $0x1;
	_ =	strace $0x80000058;
	[dreg:$0x1] =	wrdreg $0xFFFFFFFF  }
0xa7: {  	s28 =	simm.s32 $_size_execute0_lowered;
	s2 =	sadd.s32 s2, s4;
	[dreg:$0x0] =	wrdreg $0x0  }
0xa8: {  	s4 =	sshll.u32 s28, $0x1;
	[dreg:$0x2] =	wrdreg s2  }
0xa9: {  	[dreg:$0x3] =	wrdreg s4  }
0xaa: {  	[dreg:$0x4] =	wrdreg $0xC0  }
0xab: {  	_ =	task [dreg:s6], $0x5FFFF  }
0xac: {  	[dreg:$0x1] =	wrdreg $0xFFFFFFFF  }
0xad: {  	[dreg:$0x0] =	wrdreg $0x60  }
0xae: {  	[dreg:$0x2] =	wrdreg s24  }
0xaf: {  	[dreg:$0x3] =	wrdreg $0xA8000  }
0xb0: {  	[dreg:$0x4] =	wrdreg $0x9  }
0xb1: {  	_ =	task.clear_ibuf [dreg:s6], $0x5FFFF;
	_ =	strace $0x90000058  }
0xb2: {  	s29 =	simm.s32 $0x9;
	_ =	strace $0x8000005A  }
0xb3: {  	_ =	swait.ge [sflag:s29], $0x1  }
0xb4: {  	[sflag:s29] =	ssyncadd.s32 $0xFFFFFFFF  }
0xb5: {  	_ =	strace $0x9000005A  }
0xb6: {  	_ =	sfence  }
0xb7: {  	s30 =	sld [smem:$0x0];
	_ =	sdelay $0x2  }
0xb8: {  	s31 =	sshll.u32 s1, $0xD;
	s1 =	sshrl.u32 s1, $0x2  }
0xb9: {  	s3 =	sand.u32 $0x4000, s31;
	s1 =	sadd.s32 s1, s30  }
0xba: {  	s0 =	sor.u32 s3, s0;
	s1 =	sshll.u32 s1, $0x11  }
0xbb: {  	s0 =	sor.u32 s1, s0  }
0xbc: {  	s0 =	sadd.s32 $0x8F2B, s0  }
0xbd: {  	[sflag:s0] =	ssyncadd.remote.s32 $0x1  }
0xbe: {  	_ =	sfence.sel $0xFFFF  }
0xbf: {  	[dreg:$0x0] =	wrdreg $0xFFFFFFFF;
	(pc) =	sbr.abs _section_cstart, $3  }
0xc0: {  	[dreg:$0x1] =	wrdreg $0xFFFFFFFF  }
0xc1: {  	_ =	task.clear_ibuf [dreg:s6], $0x2FFFF;
	_ =	strace $0x9FFFFFFF  }
0xc2: {  	(tm) =	ssettm $0x7FFFFFFF  }
0xc3: {  	_ =	shalt  }
tec
execute0_lowered:
.L_overlay_start_1:
0x0: {  	(tag) =	ssettag $0x1  }
0x1: {  	s5 =	rddreg [dreg:$0x0]  }
0x2: {  	s1 =	rddreg [dreg:$0x1]  }
0x3: {  	s0 =	rddreg [dreg:$0x2];
	s3 =	simm.s32 $0x0;
	s4 =	srdreg.scid  }
0x4: {  	s2 =	stileid.u32;
	s14 =	simm.s32 $0x50;
	s15 =	simm.s32 $0x8000  }
0x5: {  	s16 =	simm.s32 $0x1;
	s17 =	simm.s32 $0x0;
	[smem:$0x7FF] =	sst s3  }
0x6: {  	s6 =	sand.u32 $0x1, s4;
	s7 =	sshll.u32 s2, $0xB;
	s8 =	smul.u32 $0x14000, s2  }
0x7: {  	s29 =	smul.u32 $0x50000, s2;
	s31 =	sshll.u32 s2, $0x6;
	s4 =	sshll.u32 s6, $0xF  }
0x8: {  	_ =	strace $0x80000059;
	s9 =	smul.u32 $0x140000, s6;
	s6 =	ssub.s32 $0x2, s6  }
0x9: {  	s7 =	sor.u32 s7, s4;
	s4 =	sadd.s32 $0x69000, s5;
	s28 =	sshrl.u32 s8, $0x3  }
0xa: {  	s11 =	sshrl.u32 s6, $0x1;
	s30 =	sshrl.u32 s29, $0x2;
	s10 =	sadd.s32 s7, s5  }
0xb: {  	s8 =	sadd.s32 s8, s9;
	s7 =	sadd.s32 s28, s5;
	s11 =	ssub.s32 s6, s11  }
0xc: {  	s13 =	sadd.s32 s30, s1;
	s6 =	sor.u32 $0x1C02, s31;
	s8 =	sshrl.u32 s8, $0x3  }
0xd: {  	s12 =	sadd.s32 s8, s5;
	s5 =	sadd.s32 $0x41000, s7;
	s7 =	sadd.s32 $0x21000, s10  }
0xe: {  	s8 =	sadd.s32 $0x31000, s10;
	s10 =	smax.u32 s11, $0x1;
	s11 =	sshrl.u32 s13, $0x3  }
0xf: {  	s13 =	simm.s32 $0x4000;
	s9 =	sadd.s32 $0x90200, s12;
	s12 =	simm.s32 $0x2  }
.LBB2_1:
0x10: {  	[spmem:s11], [sflag:s6] =	dma.local [hbm:s5], $0x2800  }
0x11: {  	_ =	swait.ge [sflag:s12], $0x2800  }
0x12: {  	[sflag:s12] =	ssyncset.done $0x0  }
0x13: {  	[sflag:s12] =	ssyncadd.s32 $0xFFFFD800  }
0x14: {  	[tilespmem:s3], [sflag:$0x2] =	stream.linear.gather [hbm4b:s7+s3], $0x3F00, $0x38;
	[tilespmem:$0x1E800] =	vst v63  }
0x15: {  	_ =	swait.ge [sflag:s12], $0x3F00  }
0x16: {  	[sflag:s12] =	ssyncset.done $0x0  }
0x17: {  	[sflag:s12] =	ssyncadd.s32 $0xFFFFC100  }
0x18: {  	[tilespmem:s13], [sflag:$0x2] =	stream.linear.gather [hbm4b:s8+s3], $0x3F00, $0x38;
	[tilespmem:$0x1E800] =	vst v63  }
0x19: {  	_ =	swait.ge [sflag:s12], $0x3F00  }
0x1a: {  	[sflag:s12] =	ssyncset.done $0x0  }
0x1b: {  	[sflag:s12] =	ssyncadd.s32 $0xFFFFC100  }
0x1c: {  	s18 =	simm.s32 $0x0;
	[bflag:$0x0] =	sbarrier.arrive $0xFFFF  }
0x1d: {  	[tilespmem:s15], [sflag:$0x1] =	stream.indirect.gather [hbm4b:s4+s14], $0x80, s18, s14, $0xb8;
	[tilespmem:$0x1E800] =	vst v63  }
0x1e: {  	_ =	swait.ge [sflag:s16], $0x2800  }
0x1f: {  	[sflag:s16] =	ssyncset.done $0x0  }
0x20: {  	s31 =	simm.s32 $0x4000;
	[sflag:s16] =	ssyncadd.s32 $0xFFFFD800  }
0x21: {  	[spmem:s1] =	stream.indirect.scatter.add.f32 [tilespmem:s15], [sflag:$0x2], $0x80, s31, s14, $0xb8;
	[tilespmem:$0x1E800] =	vst v63  }
0x22: {  	_ =	swait.ge [sflag:s12], $0x2800  }
0x23: {  	s19 =	simm.s32 $0x400;
	s18 =	simm.s32 $0x200;
	[sflag:s12] =	ssyncset.done $0x0  }
.LBB2_2:
0x24: {  	s20 =	sshra.s32 s18, $0x2  }
0x25: {  	[sflag:s12] =	ssyncadd.s32 $0xFFFFD800;
	s18 =	smov.u32 s19;
	s21 =	sadd.s32 $0x200, s19  }
0x26: {  	[tilespmem:s15], [sflag:$0x1] =	stream.indirect.gather [hbm4b:s4+s14], $0x80, s20, s14, $0xb8;
	[tilespmem:$0x1E800] =	vst v63  }
0x27: {  	p0 =	sne.s32 s19, $0xFA00;
	_ =	swait.ge [sflag:s16], $0x2800  }
.Ltmp0:
0x28: {  	[sflag:s16] =	ssyncset.done $0x0;
	(pc) =	sbr.rel @p0 .LBB2_2-.Ltmp0, $4  }
0x29: {  	s19 =	sadd.s32 $0x4000, s20;
	[sflag:s16] =	ssyncadd.s32 $0xFFFFD800  }
0x2a: {  	[spmem:s1] =	stream.indirect.scatter.add.f32 [tilespmem:s15], [sflag:$0x2], $0x80, s19, s14, $0xb8;
	[tilespmem:$0x1E800] =	vst v63  }
0x2b: {  	_ =	swait.ge [sflag:s12], $0x2800  }
0x2c: {  	s19 =	smov.u32 s21;
	[sflag:s12] =	ssyncset.done $0x0  }
0x2d: {  	s18 =	sshra.s32 s18, $0x2;
	[sflag:s12] =	ssyncadd.s32 $0xFFFFD800  }
0x2e: {  	[tilespmem:s15], [sflag:$0x1] =	stream.indirect.gather [hbm4b:s4+s14], $0x80, s18, s14, $0xb8;
	[tilespmem:$0x1E800] =	vst v63  }
0x2f: {  	_ =	swait.ge [sflag:s16], $0x2800  }
0x30: {  	[sflag:s16] =	ssyncset.done $0x0  }
0x31: {  	s18 =	sadd.s32 $0x4000, s18;
	[sflag:s16] =	ssyncadd.s32 $0xFFFFD800  }
0x32: {  	[spmem:s1] =	stream.indirect.scatter.add.f32 [tilespmem:s15], [sflag:$0x2], $0x80, s18, s14, $0xb8;
	[tilespmem:$0x1E800] =	vst v63  }
0x33: {  	_ =	swait.ge [sflag:s12], $0x2800  }
0x34: {  	s17 =	sadd.s32 $0x1, s17;
	[sflag:s12] =	ssyncset.done $0x0  }
0x35: {  	p0 =	sne.s32 s17, s10;
	[sflag:s12] =	ssyncadd.s32 $0xFFFFD800  }
.Ltmp1:
0x36: {  	[bflag:$0x0] =	sbarrier.arrive $0xFFFF;
	(pc) =	sbr.rel @p0 .LBB2_1-.Ltmp1, $4  }
0x37: {  	[hbm:s9], [sflag:s6] =	dma.local [spmem:s11], $0x2800  }
0x38: {  	_ =	swait.ge [sflag:s12], $0x2800  }
0x39: {  	[sflag:s12] =	ssyncset.done $0x0  }
0x3a: {  	[sflag:s12] =	ssyncadd.s32 $0xFFFFD800  }
0x3b: {  	_ =	sfence.sel $0x180000  }
0x3c: {  	[bflag:$0x0] =	sbarrier.arrive $0xFFFF  }
0x3d: {  	p0 =	sne.s32 s2, $0x0;
	_ =	strace $0x90000059  }
0x3e: {  	s0 =	sadd.s32 @!p0 $0x100000, s0;
	[bflag:$0x2] =	sbarrier.arrive $0xFFFF  }
0x3f: {  	[sflag:s0] =	ssyncadd.tile.s32 @!p0 $0x1;
	_ =	shalt  }
.Lfunc_end2:
_tile_overlayer_lowered:
.L_overlay_start_2:
0x40: {  	(tag) =	ssettag $0x2  }
0x41: {  	s0 =	rddreg [dreg:$0x0];
	s2 =	stileid.u32  }
0x42: {  	s1 =	rddreg [dreg:$0x1];
	p0 =	sne.s32 s2, $0x0  }
0x43: {  	s3 =	rddreg [dreg:$0x2];
	[bflag:$0x3] =	sbarrier.arrive $0xFFFF;
	s2 =	simm.s32 @!p0 $0x1C02  }
0x44: {  	[timem:s3], [sflag:s2] =	dma.local @!p0 [hbm:s0], s1  }
0x45: {  	s0 =	simm.s32 @!p0 $0x2  }
0x46: {  	_ =	swait.ge @!p0 [sflag:s0], s1  }
0x47: {  	s1 =	ssub.s32 @!p0 $0x0, s1;
	[sflag:s0] =	ssyncset.done @!p0 $0x0  }
0x48: {  	[sflag:s0] =	ssyncadd.s32 @!p0 s1  }
0x49: {  	[bflag:$0x3] =	sbarrier.arrive $0xFFFF  }
0x4a: {  	_ =	shalt  }

// kernel: kernel.21.cloned.1.call-start
scs
__scs_entry_jumppad:
0x0: {  	(pc) =	sbr.rel $0x88, $3  }
0x1: {  	(tag) =	ssettag $0x0;
	lr =	simm.s32 $0x1  }
0x2: {  	[smem:$0x3F98] =	sst lr;
	_ =	strace $0xD0000000  }
0x3: {  	_ = 	snop  }
0x4: {  	_ = 	snop  }
0x5: {  	_ = 	snop  }
0x6: {  	_ = 	snop  }
0x7: {  	_ = 	snop  }
__scs_overlays_trampoline_lowered:
0x8: {  	[smem:$0x3FA7] =	sst s0  }
0x9: {  	[smem:$0x3FA8] =	sst s1  }
0xa: {  	[smem:$0x3FA9] =	sst s2  }
0xb: {  	[smem:$0x3FAA] =	sst s3  }
0xc: {  	[smem:$0x3FAB] =	sst s4  }
0xd: {  	[smem:$0x3FAC] =	sst s5  }
0xe: {  	[smem:$0x3FAD] =	sst s6  }
0xf: {  	[smem:$0x3FAE] =	sst s7  }
0x10: {  	[smem:$0x3FAF] =	sst s8  }
0x11: {  	[smem:$0x3FB0] =	sst s9;
	s0 =	simm.s32 @!p0 $0x0  }
0x12: {  	s1 =	sld [smem:$0x3F96];
	s0 =	simm.s32 @p0 $0x1  }
0x13: {  	[smem:$0x3FB1] =	sst s0;
	s0 =	simm.s32 @!p1 $0x0  }
0x14: {  	s2 =	sld [smem:$0x3F95];
	s0 =	simm.s32 @p1 $0x1  }
0x15: {  	[smem:$0x3FB2] =	sst s0;
	s0 =	simm.s32 @!p2 $0x0  }
0x16: {  	s3 =	sld [smem:$0x3FDB];
	s0 =	simm.s32 @p2 $0x1  }
0x17: {  	s4 =	simm.s32 $0x1BF5;
	[smem:$0x3FB4] =	sst s0  }
0x18: {  	s0 =	sld [smem:$0x3F97];
	_ =	swait.ge [sflag:s4], $0x0  }
0x19: {  	s7 =	sld [smem:$0x3F98]  }
0x1a: {  	s8 =	sadd.s32 $0xFFFFE003, lr  }
0x1b: {  	s9 =	sadd.s32 $0xFFFFFEF7, lr;
	s5 =	simm.s32 $0xFFFFFFFF;
	p2 =	slt.u32 s8, $0xFFFFF086  }
0x1c: {  	p1 =	slt.u32 s9, $0xF7A;
	s5 =	simm.s32 @!p2 $0x0  }
0x1d: {  	s5 =	simm.s32 @p1 $0x1;
	p0 =	seq.s32 s7, s2  }
0x1e: {  	s7 =	smul.u32 @!p0 $0xF7A, s2;
	p2 =	seq.s32 @!p0 s5, $0x0  }
0x1f: {  	s9 =	smul.u32 $0xF7A, s1;
	s8 =	simm.s32 @!p0 $0x1BF5;
	p2 =	por !p2, p0  }
0x20: {  	[sflag:s8] =	ssyncset.s32 @!p0 $0xFFFFF086;
	s6 =	sadd.s32 @!p0 s3, s7;
	s7 =	simm.s32 @!p0 $0x108  }
0x21: {  	s3 =	sadd.s32 s3, s9;
	s6 =	sadd.s32 @!p0 $0x88, s6;
	s7 =	simm.s32 @p2 $0x1082  }
0x22: {  	[simem:s7], [sflag:s8] =	dma.local @!p0 [hbm:s6], $0xF7A  }
0x23: {  	s9 =	sor.u32 $0xD0000000, s2;
	s6 =	simm.s32 $0x108;
	_ =	swait.ge @!p0 [sflag:s8], $0x0  }
0x24: {  	s3 =	sadd.s32 $0x88, s3;
	s6 =	simm.s32 @!p1 $0x1082;
	[sflag:s4] =	ssyncset.s32 $0xFFFFF086  }
0x25: {  	[simem:s6], [sflag:s4] =	dma.local [hbm:s3], $0xF7A  }
0x26: {  	[smem:$0x3F98] =	sst s1;
	(tag) =	ssettag s2;
	_ =	strace s9  }
0x27: {  	s1 =	sld [smem:$0x3FA8]  }
0x28: {  	s2 =	sld [smem:$0x3FA9]  }
0x29: {  	s4 =	sld [smem:$0x3FAB]  }
0x2a: {  	p0 =	seq.s32 s5, $0x0;
	s5 =	sld [smem:$0x3FAC]  }
0x2b: {  	s6 =	sld [smem:$0x3FAD]  }
0x2c: {  	s7 =	sld [smem:$0x3FAE]  }
0x2d: {  	s3 =	simm.s32 $0x108;
	s8 =	sld [smem:$0x3FAF]  }
0x2e: {  	s3 =	simm.s32 @!p0 $0x1082;
	s9 =	sld [smem:$0x3FB0]  }
0x2f: {  	lr =	sadd.s32 s0, s3;
	s0 =	sld [smem:$0x3FA7]  }
0x30: {  	s3 =	sld [smem:$0x3FAA]  }
0x31: {  	[smem:$0x3FB3] =	sst s10  }
0x32: {  	s10 =	sld [smem:$0x3FB1];
	_ =	sdelay $0x3  }
0x33: {  	p0 =	seq.s32 s10, $0x1;
	s10 =	sld [smem:$0x3FB3];
	_ =	sdelay $0x3  }
0x34: {  	[smem:$0x3FB3] =	sst s10  }
0x35: {  	s10 =	sld [smem:$0x3FB2];
	_ =	sdelay $0x3  }
0x36: {  	p1 =	seq.s32 s10, $0x1;
	s10 =	sld [smem:$0x3FB3];
	_ =	sdelay $0x3  }
0x37: {  	[smem:$0x3FB3] =	sst s10  }
0x38: {  	s10 =	sld [smem:$0x3FB4]  }
0x39: {  	_ = 	snop;
	(pc) =	sbr.ind lr, $3  }
0x3a: {  	_ = 	snop  }
0x3b: {  	_ = 	snop  }
0x3c: {  	p2 =	seq.s32 s10, $0x1;
	s10 =	sld [smem:$0x3FB3]  }
0x3d: {  	_ =	shalt  }
0x3e: {  	_ =	shalt  }
0x3f: {  	_ =	shalt  }
0x40: {  	_ =	shalt  }
0x41: {  	_ =	shalt  }
0x42: {  	_ =	shalt  }
0x43: {  	_ =	shalt  }
0x44: {  	_ =	shalt  }
0x45: {  	_ =	shalt  }
0x46: {  	_ =	shalt  }
0x47: {  	_ =	shalt  }
0x48: {  	_ =	shalt  }
0x49: {  	_ =	shalt  }
0x4a: {  	_ =	shalt  }
0x4b: {  	_ =	shalt  }
0x4c: {  	_ =	shalt  }
0x4d: {  	_ =	shalt  }
0x4e: {  	_ =	shalt  }
0x4f: {  	_ =	shalt  }
0x50: {  	_ =	shalt  }
0x51: {  	_ =	shalt  }
0x52: {  	_ =	shalt  }
0x53: {  	_ =	shalt  }
0x54: {  	_ =	shalt  }
0x55: {  	_ =	shalt  }
0x56: {  	_ =	shalt  }
0x57: {  	_ =	shalt  }
0x58: {  	_ =	shalt  }
0x59: {  	_ =	shalt  }
0x5a: {  	_ =	shalt  }
0x5b: {  	_ =	shalt  }
0x5c: {  	_ =	shalt  }
0x5d: {  	_ =	shalt  }
0x5e: {  	_ =	shalt  }
0x5f: {  	_ =	shalt  }
0x60: {  	_ =	shalt  }
0x61: {  	_ =	shalt  }
0x62: {  	_ =	shalt  }
0x63: {  	_ =	shalt  }
0x64: {  	_ =	shalt  }
0x65: {  	_ =	shalt  }
0x66: {  	_ =	shalt  }
0x67: {  	_ =	shalt  }
0x68: {  	_ =	shalt  }
0x69: {  	_ =	shalt  }
0x6a: {  	_ =	shalt  }
0x6b: {  	_ =	shalt  }
0x6c: {  	_ =	shalt  }
0x6d: {  	_ =	shalt  }
0x6e: {  	_ =	shalt  }
0x6f: {  	_ =	shalt  }
0x70: {  	_ =	shalt  }
0x71: {  	_ =	shalt  }
0x72: {  	_ =	shalt  }
0x73: {  	_ =	shalt  }
0x74: {  	_ =	shalt  }
0x75: {  	_ =	shalt  }
0x76: {  	_ =	shalt  }
0x77: {  	_ =	shalt  }
0x78: {  	_ =	shalt  }
0x79: {  	_ =	shalt  }
0x7a: {  	_ =	shalt  }
0x7b: {  	_ =	shalt  }
0x7c: {  	_ =	shalt  }
0x7d: {  	_ =	shalt  }
0x7e: {  	_ =	shalt  }
0x7f: {  	_ =	shalt  }
0x80: {  	_ =	shalt  }
0x81: {  	_ =	shalt  }
0x82: {  	_ =	shalt  }
0x83: {  	_ =	shalt  }
0x84: {  	_ =	shalt  }
0x85: {  	_ =	shalt  }
0x86: {  	_ =	shalt  }
0x87: {  	_ =	shalt  }
.Lfunc_end0:
.L_simem_size_0:
called_computation.7_lowered:
.L_overlay_start_0:
0x88: {  	s2 =	sld [smem:$0x3FD9]  }
0x89: {  	s3 =	sld [smem:$0x3FFE];
	_ =	sdelay $0x1  }
0x8a: {  	s1 =	srdreg.scid  }
0x8b: {  	s0 =	sand.u32 $0x1, s1  }
0x8c: {  	s16 =	sshll.u32 s0, $0xA;
	s2 =	sadd.s32 s3, s2  }
0x8d: {  	s2 =	sadd.s32 s2, s16  }
0x8e: {  	[smem:$0x3FBF] =	sst s2  }
0x8f: {  	_ = 	snop  }
0x90: {  	(tm) =	ssettm $0x1  }
0x91: {  	s17 =	sld [smem:$0x3FFB];
	_ =	sdelay $0x3  }
0x92: {  	_ =	strace s17  }
0x93: {  	s2 =	sld [smem:$0x3FFC];
	_ =	sdelay $0x3  }
0x94: {  	_ =	strace s2  }
0x95: {  	s2 =	sld [smem:$0x3FFD];
	_ =	sdelay $0x3  }
0x96: {  	_ =	strace s2  }
0x97: {  	_ =	strace $0x8FFFFFFF  }
0x98: {  	s18 =	sld [smem:$0x3FDB];
	_ =	sdelay $0x1  }
0x99: {  	s19 =	simm.s32 $_scs_section_size  }
0x9a: {  	s4 =	simm.s32 $_size__tile_overlayer_lowered;
	s5 =	simm.s32 $_tile_overlayer_lowered  }
0x9b: {  	s22 =	simm.s32 $0x1BFF;
	s21 =	sshll.u32 s5, $0x1;
	s2 =	sadd.s32 s19, s18  }
0x9c: {  	s6 =	simm.s32 $0x0;
	s20 =	sshll.u32 s4, $0x1;
	s4 =	sadd.s32 s21, s2  }
0x9d: {  	[timem:s6], [sflag:s22] =	dma.local [hbm:s4], s20  }
0x9e: {  	_ =	swait.ge [sflag:s22], s20  }
0x9f: {  	s3 =	ssub.s32 $0x0, s20;
	[sflag:s22] =	ssyncset.done $0x0  }
0xa0: {  	[sflag:s22] =	ssyncadd.s32 s3;
	_ =	sdelay $0x1  }
0xa1: {  	s23 =	simm.s32 $0x1B8B  }
0xa2: {  	_ =	swait.ge [sflag:s23], $0x1  }
0xa3: {  	[sflag:s23] =	ssyncset.done $0x0  }
0xa4: {  	s25 =	simm.s32 $0x1B8E;
	s24 =	sld [smem:$0x3FFE];
	[sflag:s23] =	ssyncadd.s32 $0xFFFFFFFF  }
0xa5: {  	s26 =	simm.s32 $execute0_lowered;
	[smem:$0x3FD2] =	sst s25  }
0xa6: {  	s4 =	sshll.u32 s26, $0x1;
	_ =	strace $0x8000005B;
	[dreg:$0x1] =	wrdreg $0xFFFFFFFF  }
0xa7: {  	s28 =	simm.s32 $_size_execute0_lowered;
	s2 =	sadd.s32 s2, s4;
	[dreg:$0x0] =	wrdreg $0x0  }
0xa8: {  	s4 =	sshll.u32 s28, $0x1;
	[dreg:$0x2] =	wrdreg s2  }
0xa9: {  	[dreg:$0x3] =	wrdreg s4  }
0xaa: {  	[dreg:$0x4] =	wrdreg $0xC0  }
0xab: {  	_ =	task [dreg:s6], $0x5FFFF  }
0xac: {  	[dreg:$0x1] =	wrdreg $0xFFFFFFFF  }
0xad: {  	[dreg:$0x0] =	wrdreg $0x60  }
0xae: {  	[dreg:$0x2] =	wrdreg s24  }
0xaf: {  	[dreg:$0x3] =	wrdreg $0xA8000  }
0xb0: {  	[dreg:$0x4] =	wrdreg $0x9  }
0xb1: {  	_ =	task.clear_ibuf [dreg:s6], $0x5FFFF;
	_ =	strace $0x9000005B  }
0xb2: {  	s29 =	simm.s32 $0x9;
	_ =	strace $0x8000005D  }
0xb3: {  	_ =	swait.ge [sflag:s29], $0x1  }
0xb4: {  	[sflag:s29] =	ssyncadd.s32 $0xFFFFFFFF  }
0xb5: {  	_ =	strace $0x9000005D  }
0xb6: {  	_ =	sfence  }
0xb7: {  	s30 =	sld [smem:$0x0];
	_ =	sdelay $0x2  }
0xb8: {  	s31 =	sshll.u32 s1, $0xD;
	s1 =	sshrl.u32 s1, $0x2  }
0xb9: {  	s3 =	sand.u32 $0x4000, s31;
	s1 =	sadd.s32 s1, s30  }
0xba: {  	s0 =	sor.u32 s3, s0;
	s1 =	sshll.u32 s1, $0x11  }
0xbb: {  	s0 =	sor.u32 s1, s0  }
0xbc: {  	s0 =	sadd.s32 $0x8F2B, s0  }
0xbd: {  	[sflag:s0] =	ssyncadd.remote.s32 $0x1  }
0xbe: {  	_ =	sfence.sel $0xFFFF  }
0xbf: {  	[dreg:$0x0] =	wrdreg $0xFFFFFFFF;
	(pc) =	sbr.abs _section_cstart, $3  }
0xc0: {  	[dreg:$0x1] =	wrdreg $0xFFFFFFFF  }
0xc1: {  	_ =	task.clear_ibuf [dreg:s6], $0x2FFFF;
	_ =	strace $0x9FFFFFFF  }
0xc2: {  	(tm) =	ssettm $0x7FFFFFFF  }
0xc3: {  	_ =	shalt  }
tec
execute0_lowered:
.L_overlay_start_1:
0x0: {  	(tag) =	ssettag $0x1  }
0x1: {  	s5 =	rddreg [dreg:$0x0]  }
0x2: {  	s1 =	rddreg [dreg:$0x1]  }
0x3: {  	s0 =	rddreg [dreg:$0x2];
	s3 =	simm.s32 $0x0;
	s4 =	srdreg.scid  }
0x4: {  	s2 =	stileid.u32;
	s14 =	simm.s32 $0x50;
	s15 =	simm.s32 $0x8000  }
0x5: {  	s16 =	simm.s32 $0x1;
	s17 =	simm.s32 $0x0;
	[smem:$0x7FF] =	sst s3  }
0x6: {  	s6 =	sand.u32 $0x1, s4;
	s7 =	sshll.u32 s2, $0xB;
	s8 =	smul.u32 $0x14000, s2  }
0x7: {  	s29 =	smul.u32 $0x50000, s2;
	s31 =	sshll.u32 s2, $0x6;
	s4 =	sshll.u32 s6, $0xF  }
0x8: {  	_ =	strace $0x8000005C;
	s9 =	smul.u32 $0x140000, s6;
	s6 =	ssub.s32 $0x2, s6  }
0x9: {  	s7 =	sor.u32 s7, s4;
	s4 =	sadd.s32 $0x69000, s5;
	s28 =	sshrl.u32 s8, $0x3  }
0xa: {  	s11 =	sshrl.u32 s6, $0x1;
	s30 =	sshrl.u32 s29, $0x2;
	s10 =	sadd.s32 s7, s5  }
0xb: {  	s8 =	sadd.s32 s8, s9;
	s7 =	sadd.s32 s28, s5;
	s11 =	ssub.s32 s6, s11  }
0xc: {  	s13 =	sadd.s32 s30, s1;
	s6 =	sor.u32 $0x1C02, s31;
	s8 =	sshrl.u32 s8, $0x3  }
0xd: {  	s12 =	sadd.s32 s8, s5;
	s5 =	sadd.s32 $0x41000, s7;
	s7 =	sadd.s32 $0x21000, s10  }
0xe: {  	s8 =	sadd.s32 $0x31000, s10;
	s10 =	smax.u32 s11, $0x1;
	s11 =	sshrl.u32 s13, $0x3  }
0xf: {  	s13 =	simm.s32 $0x4000;
	s9 =	sadd.s32 $0x90200, s12;
	s12 =	simm.s32 $0x2  }
.LBB2_1:
0x10: {  	[spmem:s11], [sflag:s6] =	dma.local [hbm:s5], $0x2800  }
0x11: {  	_ =	swait.ge [sflag:s12], $0x2800  }
0x12: {  	[sflag:s12] =	ssyncset.done $0x0  }
0x13: {  	[sflag:s12] =	ssyncadd.s32 $0xFFFFD800  }
0x14: {  	[tilespmem:s3], [sflag:$0x2] =	stream.linear.gather [hbm4b:s7+s3], $0x3F00, $0x38;
	[tilespmem:$0x1E800] =	vst v63  }
0x15: {  	_ =	swait.ge [sflag:s12], $0x3F00  }
0x16: {  	[sflag:s12] =	ssyncset.done $0x0  }
0x17: {  	[sflag:s12] =	ssyncadd.s32 $0xFFFFC100  }
0x18: {  	[tilespmem:s13], [sflag:$0x2] =	stream.linear.gather [hbm4b:s8+s3], $0x3F00, $0x38;
	[tilespmem:$0x1E800] =	vst v63  }
0x19: {  	_ =	swait.ge [sflag:s12], $0x3F00  }
0x1a: {  	[sflag:s12] =	ssyncset.done $0x0  }
0x1b: {  	[sflag:s12] =	ssyncadd.s32 $0xFFFFC100  }
0x1c: {  	s18 =	simm.s32 $0x0;
	[bflag:$0x0] =	sbarrier.arrive $0xFFFF  }
0x1d: {  	[tilespmem:s15], [sflag:$0x1] =	stream.indirect.gather [hbm4b:s4+s14], $0x80, s18, s14, $0xb8;
	[tilespmem:$0x1E800] =	vst v63  }
0x1e: {  	_ =	swait.ge [sflag:s16], $0x2800  }
0x1f: {  	[sflag:s16] =	ssyncset.done $0x0  }
0x20: {  	s31 =	simm.s32 $0x4000;
	[sflag:s16] =	ssyncadd.s32 $0xFFFFD800  }
0x21: {  	[spmem:s1] =	stream.indirect.scatter.add.f32 [tilespmem:s15], [sflag:$0x2], $0x80, s31, s14, $0xb8;
	[tilespmem:$0x1E800] =	vst v63  }
0x22: {  	_ =	swait.ge [sflag:s12], $0x2800  }
0x23: {  	s19 =	simm.s32 $0x400;
	s18 =	simm.s32 $0x200;
	[sflag:s12] =	ssyncset.done $0x0  }
.LBB2_2:
0x24: {  	s20 =	sshra.s32 s18, $0x2  }
0x25: {  	[sflag:s12] =	ssyncadd.s32 $0xFFFFD800;
	s18 =	smov.u32 s19;
	s21 =	sadd.s32 $0x200, s19  }
0x26: {  	[tilespmem:s15], [sflag:$0x1] =	stream.indirect.gather [hbm4b:s4+s14], $0x80, s20, s14, $0xb8;
	[tilespmem:$0x1E800] =	vst v63  }
0x27: {  	p0 =	sne.s32 s19, $0xFA00;
	_ =	swait.ge [sflag:s16], $0x2800  }
.Ltmp0:
0x28: {  	[sflag:s16] =	ssyncset.done $0x0;
	(pc) =	sbr.rel @p0 .LBB2_2-.Ltmp0, $4  }
0x29: {  	s19 =	sadd.s32 $0x4000, s20;
	[sflag:s16] =	ssyncadd.s32 $0xFFFFD800  }
0x2a: {  	[spmem:s1] =	stream.indirect.scatter.add.f32 [tilespmem:s15], [sflag:$0x2], $0x80, s19, s14, $0xb8;
	[tilespmem:$0x1E800] =	vst v63  }
0x2b: {  	_ =	swait.ge [sflag:s12], $0x2800  }
0x2c: {  	s19 =	smov.u32 s21;
	[sflag:s12] =	ssyncset.done $0x0  }
0x2d: {  	s18 =	sshra.s32 s18, $0x2;
	[sflag:s12] =	ssyncadd.s32 $0xFFFFD800  }
0x2e: {  	[tilespmem:s15], [sflag:$0x1] =	stream.indirect.gather [hbm4b:s4+s14], $0x80, s18, s14, $0xb8;
	[tilespmem:$0x1E800] =	vst v63  }
0x2f: {  	_ =	swait.ge [sflag:s16], $0x2800  }
0x30: {  	[sflag:s16] =	ssyncset.done $0x0  }
0x31: {  	s18 =	sadd.s32 $0x4000, s18;
	[sflag:s16] =	ssyncadd.s32 $0xFFFFD800  }
0x32: {  	[spmem:s1] =	stream.indirect.scatter.add.f32 [tilespmem:s15], [sflag:$0x2], $0x80, s18, s14, $0xb8;
	[tilespmem:$0x1E800] =	vst v63  }
0x33: {  	_ =	swait.ge [sflag:s12], $0x2800  }
0x34: {  	s17 =	sadd.s32 $0x1, s17;
	[sflag:s12] =	ssyncset.done $0x0  }
0x35: {  	p0 =	sne.s32 s17, s10;
	[sflag:s12] =	ssyncadd.s32 $0xFFFFD800  }
.Ltmp1:
0x36: {  	[bflag:$0x0] =	sbarrier.arrive $0xFFFF;
	(pc) =	sbr.rel @p0 .LBB2_1-.Ltmp1, $4  }
0x37: {  	[hbm:s9], [sflag:s6] =	dma.local [spmem:s11], $0x2800  }
0x38: {  	_ =	swait.ge [sflag:s12], $0x2800  }
0x39: {  	[sflag:s12] =	ssyncset.done $0x0  }
0x3a: {  	[sflag:s12] =	ssyncadd.s32 $0xFFFFD800  }
0x3b: {  	_ =	sfence.sel $0x180000  }
0x3c: {  	[bflag:$0x0] =	sbarrier.arrive $0xFFFF  }
0x3d: {  	p0 =	sne.s32 s2, $0x0;
	_ =	strace $0x9000005C  }
0x3e: {  	s0 =	sadd.s32 @!p0 $0x100000, s0;
	[bflag:$0x2] =	sbarrier.arrive $0xFFFF  }
0x3f: {  	[sflag:s0] =	ssyncadd.tile.s32 @!p0 $0x1;
	_ =	shalt  }
.Lfunc_end2:
_tile_overlayer_lowered:
.L_overlay_start_2:
0x40: {  	(tag) =	ssettag $0x2  }
0x41: {  	s0 =	rddreg [dreg:$0x0];
	s2 =	stileid.u32  }
0x42: {  	s1 =	rddreg [dreg:$0x1];
	p0 =	sne.s32 s2, $0x0  }
0x43: {  	s3 =	rddreg [dreg:$0x2];
	[bflag:$0x3] =	sbarrier.arrive $0xFFFF;
	s2 =	simm.s32 @!p0 $0x1C02  }
0x44: {  	[timem:s3], [sflag:s2] =	dma.local @!p0 [hbm:s0], s1  }
0x45: {  	s0 =	simm.s32 @!p0 $0x2  }
0x46: {  	_ =	swait.ge @!p0 [sflag:s0], s1  }
0x47: {  	s1 =	ssub.s32 @!p0 $0x0, s1;
	[sflag:s0] =	ssyncset.done @!p0 $0x0  }
0x48: {  	[sflag:s0] =	ssyncadd.s32 @!p0 s1  }
0x49: {  	[bflag:$0x3] =	sbarrier.arrive $0xFFFF  }
0x4a: {  	_ =	shalt  }

// kernel: kernel.24.cloned.1.call-start
scs
__scs_entry_jumppad:
0x0: {  	(pc) =	sbr.rel $0x88, $3  }
0x1: {  	(tag) =	ssettag $0x0;
	lr =	simm.s32 $0x1  }
0x2: {  	[smem:$0x3F98] =	sst lr;
	_ =	strace $0xD0000000  }
0x3: {  	_ = 	snop  }
0x4: {  	_ = 	snop  }
0x5: {  	_ = 	snop  }
0x6: {  	_ = 	snop  }
0x7: {  	_ = 	snop  }
__scs_overlays_trampoline_lowered:
0x8: {  	[smem:$0x3FA7] =	sst s0  }
0x9: {  	[smem:$0x3FA8] =	sst s1  }
0xa: {  	[smem:$0x3FA9] =	sst s2  }
0xb: {  	[smem:$0x3FAA] =	sst s3  }
0xc: {  	[smem:$0x3FAB] =	sst s4  }
0xd: {  	[smem:$0x3FAC] =	sst s5  }
0xe: {  	[smem:$0x3FAD] =	sst s6  }
0xf: {  	[smem:$0x3FAE] =	sst s7  }
0x10: {  	[smem:$0x3FAF] =	sst s8  }
0x11: {  	[smem:$0x3FB0] =	sst s9;
	s0 =	simm.s32 @!p0 $0x0  }
0x12: {  	s1 =	sld [smem:$0x3F96];
	s0 =	simm.s32 @p0 $0x1  }
0x13: {  	[smem:$0x3FB1] =	sst s0;
	s0 =	simm.s32 @!p1 $0x0  }
0x14: {  	s2 =	sld [smem:$0x3F95];
	s0 =	simm.s32 @p1 $0x1  }
0x15: {  	[smem:$0x3FB2] =	sst s0;
	s0 =	simm.s32 @!p2 $0x0  }
0x16: {  	s3 =	sld [smem:$0x3FDB];
	s0 =	simm.s32 @p2 $0x1  }
0x17: {  	s4 =	simm.s32 $0x1BF5;
	[smem:$0x3FB4] =	sst s0  }
0x18: {  	s0 =	sld [smem:$0x3F97];
	_ =	swait.ge [sflag:s4], $0x0  }
0x19: {  	s7 =	sld [smem:$0x3F98]  }
0x1a: {  	s8 =	sadd.s32 $0xFFFFE003, lr  }
0x1b: {  	s9 =	sadd.s32 $0xFFFFFEF7, lr;
	s5 =	simm.s32 $0xFFFFFFFF;
	p2 =	slt.u32 s8, $0xFFFFF086  }
0x1c: {  	p1 =	slt.u32 s9, $0xF7A;
	s5 =	simm.s32 @!p2 $0x0  }
0x1d: {  	s5 =	simm.s32 @p1 $0x1;
	p0 =	seq.s32 s7, s2  }
0x1e: {  	s7 =	smul.u32 @!p0 $0xF7A, s2;
	p2 =	seq.s32 @!p0 s5, $0x0  }
0x1f: {  	s9 =	smul.u32 $0xF7A, s1;
	s8 =	simm.s32 @!p0 $0x1BF5;
	p2 =	por !p2, p0  }
0x20: {  	[sflag:s8] =	ssyncset.s32 @!p0 $0xFFFFF086;
	s6 =	sadd.s32 @!p0 s3, s7;
	s7 =	simm.s32 @!p0 $0x108  }
0x21: {  	s3 =	sadd.s32 s3, s9;
	s6 =	sadd.s32 @!p0 $0x88, s6;
	s7 =	simm.s32 @p2 $0x1082  }
0x22: {  	[simem:s7], [sflag:s8] =	dma.local @!p0 [hbm:s6], $0xF7A  }
0x23: {  	s9 =	sor.u32 $0xD0000000, s2;
	s6 =	simm.s32 $0x108;
	_ =	swait.ge @!p0 [sflag:s8], $0x0  }
0x24: {  	s3 =	sadd.s32 $0x88, s3;
	s6 =	simm.s32 @!p1 $0x1082;
	[sflag:s4] =	ssyncset.s32 $0xFFFFF086  }
0x25: {  	[simem:s6], [sflag:s4] =	dma.local [hbm:s3], $0xF7A  }
0x26: {  	[smem:$0x3F98] =	sst s1;
	(tag) =	ssettag s2;
	_ =	strace s9  }
0x27: {  	s1 =	sld [smem:$0x3FA8]  }
0x28: {  	s2 =	sld [smem:$0x3FA9]  }
0x29: {  	s4 =	sld [smem:$0x3FAB]  }
0x2a: {  	p0 =	seq.s32 s5, $0x0;
	s5 =	sld [smem:$0x3FAC]  }
0x2b: {  	s6 =	sld [smem:$0x3FAD]  }
0x2c: {  	s7 =	sld [smem:$0x3FAE]  }
0x2d: {  	s3 =	simm.s32 $0x108;
	s8 =	sld [smem:$0x3FAF]  }
0x2e: {  	s3 =	simm.s32 @!p0 $0x1082;
	s9 =	sld [smem:$0x3FB0]  }
0x2f: {  	lr =	sadd.s32 s0, s3;
	s0 =	sld [smem:$0x3FA7]  }
0x30: {  	s3 =	sld [smem:$0x3FAA]  }
0x31: {  	[smem:$0x3FB3] =	sst s10  }
0x32: {  	s10 =	sld [smem:$0x3FB1];
	_ =	sdelay $0x3  }
0x33: {  	p0 =	seq.s32 s10, $0x1;
	s10 =	sld [smem:$0x3FB3];
	_ =	sdelay $0x3  }
0x34: {  	[smem:$0x3FB3] =	sst s10  }
0x35: {  	s10 =	sld [smem:$0x3FB2];
	_ =	sdelay $0x3  }
0x36: {  	p1 =	seq.s32 s10, $0x1;
	s10 =	sld [smem:$0x3FB3];
	_ =	sdelay $0x3  }
0x37: {  	[smem:$0x3FB3] =	sst s10  }
0x38: {  	s10 =	sld [smem:$0x3FB4]  }
0x39: {  	_ = 	snop;
	(pc) =	sbr.ind lr, $3  }
0x3a: {  	_ = 	snop  }
0x3b: {  	_ = 	snop  }
0x3c: {  	p2 =	seq.s32 s10, $0x1;
	s10 =	sld [smem:$0x3FB3]  }
0x3d: {  	_ =	shalt  }
0x3e: {  	_ =	shalt  }
0x3f: {  	_ =	shalt  }
0x40: {  	_ =	shalt  }
0x41: {  	_ =	shalt  }
0x42: {  	_ =	shalt  }
0x43: {  	_ =	shalt  }
0x44: {  	_ =	shalt  }
0x45: {  	_ =	shalt  }
0x46: {  	_ =	shalt  }
0x47: {  	_ =	shalt  }
0x48: {  	_ =	shalt  }
0x49: {  	_ =	shalt  }
0x4a: {  	_ =	shalt  }
0x4b: {  	_ =	shalt  }
0x4c: {  	_ =	shalt  }
0x4d: {  	_ =	shalt  }
0x4e: {  	_ =	shalt  }
0x4f: {  	_ =	shalt  }
0x50: {  	_ =	shalt  }
0x51: {  	_ =	shalt  }
0x52: {  	_ =	shalt  }
0x53: {  	_ =	shalt  }
0x54: {  	_ =	shalt  }
0x55: {  	_ =	shalt  }
0x56: {  	_ =	shalt  }
0x57: {  	_ =	shalt  }
0x58: {  	_ =	shalt  }
0x59: {  	_ =	shalt  }
0x5a: {  	_ =	shalt  }
0x5b: {  	_ =	shalt  }
0x5c: {  	_ =	shalt  }
0x5d: {  	_ =	shalt  }
0x5e: {  	_ =	shalt  }
0x5f: {  	_ =	shalt  }
0x60: {  	_ =	shalt  }
0x61: {  	_ =	shalt  }
0x62: {  	_ =	shalt  }
0x63: {  	_ =	shalt  }
0x64: {  	_ =	shalt  }
0x65: {  	_ =	shalt  }
0x66: {  	_ =	shalt  }
0x67: {  	_ =	shalt  }
0x68: {  	_ =	shalt  }
0x69: {  	_ =	shalt  }
0x6a: {  	_ =	shalt  }
0x6b: {  	_ =	shalt  }
0x6c: {  	_ =	shalt  }
0x6d: {  	_ =	shalt  }
0x6e: {  	_ =	shalt  }
0x6f: {  	_ =	shalt  }
0x70: {  	_ =	shalt  }
0x71: {  	_ =	shalt  }
0x72: {  	_ =	shalt  }
0x73: {  	_ =	shalt  }
0x74: {  	_ =	shalt  }
0x75: {  	_ =	shalt  }
0x76: {  	_ =	shalt  }
0x77: {  	_ =	shalt  }
0x78: {  	_ =	shalt  }
0x79: {  	_ =	shalt  }
0x7a: {  	_ =	shalt  }
0x7b: {  	_ =	shalt  }
0x7c: {  	_ =	shalt  }
0x7d: {  	_ =	shalt  }
0x7e: {  	_ =	shalt  }
0x7f: {  	_ =	shalt  }
0x80: {  	_ =	shalt  }
0x81: {  	_ =	shalt  }
0x82: {  	_ =	shalt  }
0x83: {  	_ =	shalt  }
0x84: {  	_ =	shalt  }
0x85: {  	_ =	shalt  }
0x86: {  	_ =	shalt  }
0x87: {  	_ =	shalt  }
.Lfunc_end0:
.L_simem_size_0:
called_computation.8_lowered:
.L_overlay_start_0:
0x88: {  	s2 =	sld [smem:$0x3FD9]  }
0x89: {  	s3 =	sld [smem:$0x3FFE];
	_ =	sdelay $0x1  }
0x8a: {  	s1 =	srdreg.scid  }
0x8b: {  	s0 =	sand.u32 $0x1, s1  }
0x8c: {  	s16 =	sshll.u32 s0, $0xA;
	s2 =	sadd.s32 s3, s2  }
0x8d: {  	s2 =	sadd.s32 s2, s16  }
0x8e: {  	[smem:$0x3FBF] =	sst s2  }
0x8f: {  	_ = 	snop  }
0x90: {  	(tm) =	ssettm $0x1  }
0x91: {  	s17 =	sld [smem:$0x3FFB];
	_ =	sdelay $0x3  }
0x92: {  	_ =	strace s17  }
0x93: {  	s2 =	sld [smem:$0x3FFC];
	_ =	sdelay $0x3  }
0x94: {  	_ =	strace s2  }
0x95: {  	s2 =	sld [smem:$0x3FFD];
	_ =	sdelay $0x3  }
0x96: {  	_ =	strace s2  }
0x97: {  	_ =	strace $0x8FFFFFFF  }
0x98: {  	s18 =	sld [smem:$0x3FDB];
	_ =	sdelay $0x1  }
0x99: {  	s19 =	simm.s32 $_scs_section_size  }
0x9a: {  	s4 =	simm.s32 $_size__tile_overlayer_lowered;
	s5 =	simm.s32 $_tile_overlayer_lowered  }
0x9b: {  	s22 =	simm.s32 $0x1BFF;
	s21 =	sshll.u32 s5, $0x1;
	s2 =	sadd.s32 s19, s18  }
0x9c: {  	s6 =	simm.s32 $0x0;
	s20 =	sshll.u32 s4, $0x1;
	s4 =	sadd.s32 s21, s2  }
0x9d: {  	[timem:s6], [sflag:s22] =	dma.local [hbm:s4], s20  }
0x9e: {  	_ =	swait.ge [sflag:s22], s20  }
0x9f: {  	s3 =	ssub.s32 $0x0, s20;
	[sflag:s22] =	ssyncset.done $0x0  }
0xa0: {  	[sflag:s22] =	ssyncadd.s32 s3;
	_ =	sdelay $0x1  }
0xa1: {  	s23 =	simm.s32 $0x1B8B  }
0xa2: {  	_ =	swait.ge [sflag:s23], $0x1  }
0xa3: {  	[sflag:s23] =	ssyncset.done $0x0  }
0xa4: {  	s25 =	simm.s32 $0x1B8E;
	s24 =	sld [smem:$0x3FFE];
	[sflag:s23] =	ssyncadd.s32 $0xFFFFFFFF  }
0xa5: {  	s26 =	simm.s32 $execute0_lowered;
	[smem:$0x3FD2] =	sst s25  }
0xa6: {  	s4 =	sshll.u32 s26, $0x1;
	_ =	strace $0x8000005E;
	[dreg:$0x1] =	wrdreg $0xFFFFFFFF  }
0xa7: {  	s28 =	simm.s32 $_size_execute0_lowered;
	s2 =	sadd.s32 s2, s4;
	[dreg:$0x0] =	wrdreg $0x0  }
0xa8: {  	s4 =	sshll.u32 s28, $0x1;
	[dreg:$0x2] =	wrdreg s2  }
0xa9: {  	[dreg:$0x3] =	wrdreg s4  }
0xaa: {  	[dreg:$0x4] =	wrdreg $0xC0  }
0xab: {  	_ =	task [dreg:s6], $0x5FFFF  }
0xac: {  	[dreg:$0x1] =	wrdreg $0xFFFFFFFF  }
0xad: {  	[dreg:$0x0] =	wrdreg $0x60  }
0xae: {  	[dreg:$0x2] =	wrdreg s24  }
0xaf: {  	[dreg:$0x3] =	wrdreg $0xA8000  }
0xb0: {  	[dreg:$0x4] =	wrdreg $0x9  }
0xb1: {  	_ =	task.clear_ibuf [dreg:s6], $0x5FFFF;
	_ =	strace $0x9000005E  }
0xb2: {  	s29 =	simm.s32 $0x9;
	_ =	strace $0x80000060  }
0xb3: {  	_ =	swait.ge [sflag:s29], $0x1  }
0xb4: {  	[sflag:s29] =	ssyncadd.s32 $0xFFFFFFFF  }
0xb5: {  	_ =	strace $0x90000060  }
0xb6: {  	_ =	sfence  }
0xb7: {  	s30 =	sld [smem:$0x0];
	_ =	sdelay $0x2  }
0xb8: {  	s31 =	sshll.u32 s1, $0xD;
	s1 =	sshrl.u32 s1, $0x2  }
0xb9: {  	s3 =	sand.u32 $0x4000, s31;
	s1 =	sadd.s32 s1, s30  }
0xba: {  	s0 =	sor.u32 s3, s0;
	s1 =	sshll.u32 s1, $0x11  }
0xbb: {  	s0 =	sor.u32 s1, s0  }
0xbc: {  	s0 =	sadd.s32 $0x8F2B, s0  }
0xbd: {  	[sflag:s0] =	ssyncadd.remote.s32 $0x1  }
0xbe: {  	_ =	sfence.sel $0xFFFF  }
0xbf: {  	[dreg:$0x0] =	wrdreg $0xFFFFFFFF;
	(pc) =	sbr.abs _section_cstart, $3  }
0xc0: {  	[dreg:$0x1] =	wrdreg $0xFFFFFFFF  }
0xc1: {  	_ =	task.clear_ibuf [dreg:s6], $0x2FFFF;
	_ =	strace $0x9FFFFFFF  }
0xc2: {  	(tm) =	ssettm $0x7FFFFFFF  }
0xc3: {  	_ =	shalt  }
tec
execute0_lowered:
.L_overlay_start_1:
0x0: {  	(tag) =	ssettag $0x1  }
0x1: {  	s5 =	rddreg [dreg:$0x0]  }
0x2: {  	s1 =	rddreg [dreg:$0x1]  }
0x3: {  	s0 =	rddreg [dreg:$0x2];
	s3 =	simm.s32 $0x0;
	s4 =	srdreg.scid  }
0x4: {  	s2 =	stileid.u32;
	s14 =	simm.s32 $0x50;
	s15 =	simm.s32 $0x8000  }
0x5: {  	s16 =	simm.s32 $0x1;
	s17 =	simm.s32 $0x0;
	[smem:$0x7FF] =	sst s3  }
0x6: {  	s6 =	sand.u32 $0x1, s4;
	s7 =	sshll.u32 s2, $0xB;
	s8 =	smul.u32 $0x14000, s2  }
0x7: {  	s29 =	smul.u32 $0x50000, s2;
	s31 =	sshll.u32 s2, $0x6;
	s4 =	sshll.u32 s6, $0xF  }
0x8: {  	_ =	strace $0x8000005F;
	s9 =	smul.u32 $0x140000, s6;
	s6 =	ssub.s32 $0x2, s6  }
0x9: {  	s7 =	sor.u32 s7, s4;
	s4 =	sadd.s32 $0x69000, s5;
	s28 =	sshrl.u32 s8, $0x3  }
0xa: {  	s11 =	sshrl.u32 s6, $0x1;
	s30 =	sshrl.u32 s29, $0x2;
	s10 =	sadd.s32 s7, s5  }
0xb: {  	s8 =	sadd.s32 s8, s9;
	s7 =	sadd.s32 s28, s5;
	s11 =	ssub.s32 s6, s11  }
0xc: {  	s13 =	sadd.s32 s30, s1;
	s6 =	sor.u32 $0x1C02, s31;
	s8 =	sshrl.u32 s8, $0x3  }
0xd: {  	s12 =	sadd.s32 s8, s5;
	s5 =	sadd.s32 $0x41000, s7;
	s7 =	sadd.s32 $0x21000, s10  }
0xe: {  	s8 =	sadd.s32 $0x31000, s10;
	s10 =	smax.u32 s11, $0x1;
	s11 =	sshrl.u32 s13, $0x3  }
0xf: {  	s13 =	simm.s32 $0x4000;
	s9 =	sadd.s32 $0x90200, s12;
	s12 =	simm.s32 $0x2  }
.LBB2_1:
0x10: {  	[spmem:s11], [sflag:s6] =	dma.local [hbm:s5], $0x2800  }
0x11: {  	_ =	swait.ge [sflag:s12], $0x2800  }
0x12: {  	[sflag:s12] =	ssyncset.done $0x0  }
0x13: {  	[sflag:s12] =	ssyncadd.s32 $0xFFFFD800  }
0x14: {  	[tilespmem:s3], [sflag:$0x2] =	stream.linear.gather [hbm4b:s7+s3], $0x3F00, $0x38;
	[tilespmem:$0x1E800] =	vst v63  }
0x15: {  	_ =	swait.ge [sflag:s12], $0x3F00  }
0x16: {  	[sflag:s12] =	ssyncset.done $0x0  }
0x17: {  	[sflag:s12] =	ssyncadd.s32 $0xFFFFC100  }
0x18: {  	[tilespmem:s13], [sflag:$0x2] =	stream.linear.gather [hbm4b:s8+s3], $0x3F00, $0x38;
	[tilespmem:$0x1E800] =	vst v63  }
0x19: {  	_ =	swait.ge [sflag:s12], $0x3F00  }
0x1a: {  	[sflag:s12] =	ssyncset.done $0x0  }
0x1b: {  	[sflag:s12] =	ssyncadd.s32 $0xFFFFC100  }
0x1c: {  	s18 =	simm.s32 $0x0;
	[bflag:$0x0] =	sbarrier.arrive $0xFFFF  }
0x1d: {  	[tilespmem:s15], [sflag:$0x1] =	stream.indirect.gather [hbm4b:s4+s14], $0x80, s18, s14, $0xb8;
	[tilespmem:$0x1E800] =	vst v63  }
0x1e: {  	_ =	swait.ge [sflag:s16], $0x2800  }
0x1f: {  	[sflag:s16] =	ssyncset.done $0x0  }
0x20: {  	s31 =	simm.s32 $0x4000;
	[sflag:s16] =	ssyncadd.s32 $0xFFFFD800  }
0x21: {  	[spmem:s1] =	stream.indirect.scatter.add.f32 [tilespmem:s15], [sflag:$0x2], $0x80, s31, s14, $0xb8;
	[tilespmem:$0x1E800] =	vst v63  }
0x22: {  	_ =	swait.ge [sflag:s12], $0x2800  }
0x23: {  	s19 =	simm.s32 $0x400;
	s18 =	simm.s32 $0x200;
	[sflag:s12] =	ssyncset.done $0x0  }
.LBB2_2:
0x24: {  	s20 =	sshra.s32 s18, $0x2  }
0x25: {  	[sflag:s12] =	ssyncadd.s32 $0xFFFFD800;
	s18 =	smov.u32 s19;
	s21 =	sadd.s32 $0x200, s19  }
0x26: {  	[tilespmem:s15], [sflag:$0x1] =	stream.indirect.gather [hbm4b:s4+s14], $0x80, s20, s14, $0xb8;
	[tilespmem:$0x1E800] =	vst v63  }
0x27: {  	p0 =	sne.s32 s19, $0xFA00;
	_ =	swait.ge [sflag:s16], $0x2800  }
.Ltmp0:
0x28: {  	[sflag:s16] =	ssyncset.done $0x0;
	(pc) =	sbr.rel @p0 .LBB2_2-.Ltmp0, $4  }
0x29: {  	s19 =	sadd.s32 $0x4000, s20;
	[sflag:s16] =	ssyncadd.s32 $0xFFFFD800  }
0x2a: {  	[spmem:s1] =	stream.indirect.scatter.add.f32 [tilespmem:s15], [sflag:$0x2], $0x80, s19, s14, $0xb8;
	[tilespmem:$0x1E800] =	vst v63  }
0x2b: {  	_ =	swait.ge [sflag:s12], $0x2800  }
0x2c: {  	s19 =	smov.u32 s21;
	[sflag:s12] =	ssyncset.done $0x0  }
0x2d: {  	s18 =	sshra.s32 s18, $0x2;
	[sflag:s12] =	ssyncadd.s32 $0xFFFFD800  }
0x2e: {  	[tilespmem:s15], [sflag:$0x1] =	stream.indirect.gather [hbm4b:s4+s14], $0x80, s18, s14, $0xb8;
	[tilespmem:$0x1E800] =	vst v63  }
0x2f: {  	_ =	swait.ge [sflag:s16], $0x2800  }
0x30: {  	[sflag:s16] =	ssyncset.done $0x0  }
0x31: {  	s18 =	sadd.s32 $0x4000, s18;
	[sflag:s16] =	ssyncadd.s32 $0xFFFFD800  }
0x32: {  	[spmem:s1] =	stream.indirect.scatter.add.f32 [tilespmem:s15], [sflag:$0x2], $0x80, s18, s14, $0xb8;
	[tilespmem:$0x1E800] =	vst v63  }
0x33: {  	_ =	swait.ge [sflag:s12], $0x2800  }
0x34: {  	s17 =	sadd.s32 $0x1, s17;
	[sflag:s12] =	ssyncset.done $0x0  }
0x35: {  	p0 =	sne.s32 s17, s10;
	[sflag:s12] =	ssyncadd.s32 $0xFFFFD800  }
.Ltmp1:
0x36: {  	[bflag:$0x0] =	sbarrier.arrive $0xFFFF;
	(pc) =	sbr.rel @p0 .LBB2_1-.Ltmp1, $4  }
0x37: {  	[hbm:s9], [sflag:s6] =	dma.local [spmem:s11], $0x2800  }
0x38: {  	_ =	swait.ge [sflag:s12], $0x2800  }
0x39: {  	[sflag:s12] =	ssyncset.done $0x0  }
0x3a: {  	[sflag:s12] =	ssyncadd.s32 $0xFFFFD800  }
0x3b: {  	_ =	sfence.sel $0x180000  }
0x3c: {  	[bflag:$0x0] =	sbarrier.arrive $0xFFFF  }
0x3d: {  	p0 =	sne.s32 s2, $0x0;
	_ =	strace $0x9000005F  }
0x3e: {  	s0 =	sadd.s32 @!p0 $0x100000, s0;
	[bflag:$0x2] =	sbarrier.arrive $0xFFFF  }
0x3f: {  	[sflag:s0] =	ssyncadd.tile.s32 @!p0 $0x1;
	_ =	shalt  }
.Lfunc_end2:
_tile_overlayer_lowered:
.L_overlay_start_2:
0x40: {  	(tag) =	ssettag $0x2  }
0x41: {  	s0 =	rddreg [dreg:$0x0];
	s2 =	stileid.u32  }
0x42: {  	s1 =	rddreg [dreg:$0x1];
	p0 =	sne.s32 s2, $0x0  }
0x43: {  	s3 =	rddreg [dreg:$0x2];
	[bflag:$0x3] =	sbarrier.arrive $0xFFFF;
	s2 =	simm.s32 @!p0 $0x1C02  }
0x44: {  	[timem:s3], [sflag:s2] =	dma.local @!p0 [hbm:s0], s1  }
0x45: {  	s0 =	simm.s32 @!p0 $0x2  }
0x46: {  	_ =	swait.ge @!p0 [sflag:s0], s1  }
0x47: {  	s1 =	ssub.s32 @!p0 $0x0, s1;
	[sflag:s0] =	ssyncset.done @!p0 $0x0  }
0x48: {  	[sflag:s0] =	ssyncadd.s32 @!p0 s1  }
0x49: {  	[bflag:$0x3] =	sbarrier.arrive $0xFFFF  }
0x4a: {  	_ =	shalt  }

</sc_bundles>
